<compile_context>
chip_gen: v7x
topology: tpu7x:2x2x1
jax: 0.10.2.dev20260603
libtpu: 0.0.44.dev20260713+nightly
codegen_flags: <defaults>
</compile_context>

<pallas_src>
import functools

import jax
import jax.numpy as jnp
from jax import lax
from jax.experimental import pallas as pl
from jax.experimental.pallas import tpu as pltpu
from jax.experimental.pallas import tpu_sc as plsc

_N = 10000
_E = 320000
_D = 128
_NC = 2
_NS = 16
_NW = _NC * _NS
_NP = 10240
_EROWS = 2560
_RPT = _EROWS // _NW
_K = 2
_NCHUNK = _RPT // _K
_T = _NCHUNK // 2
_EROWS_ST = _EROWS + 2 * _K
_NPS = _NP // _NS
_BF = jnp.bfloat16


def _make_sc_segsum(with_counts: bool):
    mesh = plsc.VectorSubcoreMesh(core_axis_name="c", subcore_axis_name="s")
    out_type = [jax.ShapeDtypeStruct((_NC, _NP, _D), _BF)]
    scratch = [
        pltpu.VMEM((_K, 128), jnp.int32),
        pltpu.VMEM((_K, 128), jnp.int32),
        pltpu.VMEM((_K, 128), jnp.int32),
        pltpu.VMEM((_K, 128), jnp.int32),
        pltpu.VMEM((_K * 128, _D), _BF),
        pltpu.VMEM((_K * 128, _D), _BF),
        pltpu.VMEM_SHARED((_NP, _D), _BF),
        pltpu.VMEM_SHARED((_NP, _D), _BF),
        pltpu.SemaphoreType.DMA,
        pltpu.SemaphoreType.DMA,
        pltpu.SemaphoreType.DMA,
        pltpu.SemaphoreType.DMA,
        pltpu.SemaphoreType.DMA,
        pltpu.SemaphoreType.DMA,
        pltpu.SemaphoreType.DMA,
        pltpu.SemaphoreType.DMA,
    ]
    if with_counts:
        out_type.append(jax.ShapeDtypeStruct((_NC, _NP, 16), jnp.float32))
        scratch += [
            pltpu.VMEM((128, 16), jnp.float32),
            pltpu.VMEM((128, 16), jnp.float32),
            pltpu.VMEM_SHARED((_NP, 16), jnp.float32),
        ]

    def body(table, edges, zrow, *rest):
        if with_counts:
            (zcnt, ones_h, sum_out, cnt_out,
             sidx_a, sidx_b, didx_a, didx_b, rows_a, rows_b,
             acc_sh, tab_sh, g_a, g_b, s_a, s_b, is_a, is_b, id_a, id_b,
             ones_v, zones_v, cnt_sh) = rest
        else:
            (sum_out, sidx_a, sidx_b, didx_a, didx_b, rows_a, rows_b,
             acc_sh, tab_sh, g_a, g_b, s_a, s_b,
             is_a, is_b, id_a, id_b) = rest
        cid = lax.axis_index("c")
        sid = lax.axis_index("s")
        wid = cid * _NS + sid
        sidx = (sidx_a, sidx_b)
        didx = (didx_a, didx_b)
        rows = (rows_a, rows_b)
        gsem = (g_a, g_b)
        ssem = (s_a, s_b)
        isem = (is_a, is_b)
        dsem = (id_a, id_b)

        pltpu.sync_copy(table.at[pl.ds(sid * _NPS, _NPS)],
                        tab_sh.at[pl.ds(sid * _NPS, _NPS)])
        pltpu.sync_copy(zrow, acc_sh.at[pl.ds(sid * _NPS, _NPS)])
        pltpu.sync_copy(zrow.at[pl.ds(0, _K * 128)], rows_b)
        if with_counts:
            pltpu.sync_copy(zcnt, cnt_sh.at[pl.ds(sid * _NPS, _NPS)])
            pltpu.sync_copy(ones_h, ones_v)
            pltpu.sync_copy(zcnt.at[pl.ds(0, 128)], zones_v)
        plsc.subcore_barrier()

        row_base = wid * _RPT

        def idx_rows(plane, chunk):
            return edges.at[plane, pl.ds(row_base + chunk * _K, _K)]

        def sidx_copy(buf, chunk, start):
            cp = pltpu.make_async_copy(idx_rows(0, chunk), sidx[buf],
                                       isem[buf])
            if start:
                cp.start()
            else:
                cp.wait()

        def didx_copy(buf, chunk, start):
            cp = pltpu.make_async_copy(idx_rows(1, chunk), didx[buf],
                                       dsem[buf])
            if start:
                cp.start()
            else:
                cp.wait()

        def gathers(buf, start):
            for j in range(_K):
                cp = pltpu.make_async_copy(
                    tab_sh.at[sidx[buf].at[j]],
                    rows[buf].at[pl.ds(j * 128, 128)], gsem[buf])
                if start:
                    cp.start()
                else:
                    cp.wait()

        def scatters(buf, start, prime=False):
            for j in range(_K):
                dsti = didx[buf].at[j]
                cp = pltpu.make_async_copy(
                    rows[buf].at[pl.ds(j * 128, 128)],
                    acc_sh.at[dsti], ssem[buf])
                if start:
                    cp.start(add=True)
                else:
                    cp.wait()
                if with_counts:
                    csrc = zones_v if prime else ones_v
                    cp2 = pltpu.make_async_copy(csrc, cnt_sh.at[dsti],
                                                ssem[buf])
                    if start:
                        cp2.start(add=True)
                    else:
                        cp2.wait()

        pltpu.sync_copy(idx_rows(0, 0), sidx_a)
        gathers(0, start=True)
        didx_copy(0, 0, start=True)
        sidx_copy(1, 1, start=True)
        pltpu.sync_copy(idx_rows(1, 0), didx_b)
        scatters(1, start=True, prime=True)

        def pipelined(t, carry):
            i0 = 2 * t
            i1 = i0 + 1
            scatters(1, start=False)
            didx_copy(1, i1, start=True)
            sidx_copy(1, i1, start=False)
            gathers(1, start=True)
            gathers(0, start=False)
            sidx_copy(0, i0 + 2, start=True)
            didx_copy(0, i0, start=False)
            scatters(0, start=True)
            scatters(0, start=False)
            didx_copy(0, i0 + 2, start=True)
            sidx_copy(0, i0 + 2, start=False)
            gathers(0, start=True)
            gathers(1, start=False)
            sidx_copy(1, i1 + 2, start=True)
            didx_copy(1, i1, start=False)
            scatters(1, start=True)
            return carry

        lax.fori_loop(0, _T, pipelined, 0)
        gathers(0, start=False)
        scatters(1, start=False)
        sidx_copy(1, 0, start=False)
        didx_copy(0, 0, start=False)
        plsc.subcore_barrier()

        pltpu.sync_copy(acc_sh.at[pl.ds(sid * _NPS, _NPS)],
                        sum_out.at[cid, pl.ds(sid * _NPS, _NPS)])
        if with_counts:
            pltpu.sync_copy(cnt_sh.at[pl.ds(sid * _NPS, _NPS)],
                            cnt_out.at[cid, pl.ds(sid * _NPS, _NPS)])

    return pl.kernel(
        body, mesh=mesh, out_type=out_type, scratch_types=scratch,
        compiler_params=pltpu.CompilerParams(use_tc_tiling_on_sc=False))


_sc_segsum_counts = _make_sc_segsum(True)
_sc_segsum_plain = _make_sc_segsum(False)


def _dense_body(relu, out_bf, p_ref, cnt_ref, x_ref, wl_ref, wr_ref, b_ref,
                o_ref):
    s = p_ref[0].astype(jnp.float32) + p_ref[1].astype(jnp.float32)
    c = cnt_ref[0, :, 0:1] + cnt_ref[1, :, 0:1]
    aggr = s / jnp.clip(c, 1.0, None)
    xf = x_ref[...].astype(jnp.float32)
    out = (jnp.dot(aggr, wl_ref[...], preferred_element_type=jnp.float32)
           + jnp.dot(xf, wr_ref[...], preferred_element_type=jnp.float32)
           + b_ref[...])
    if relu:
        out = jnp.maximum(out, 0.0)
    if out_bf:
        o_ref[...] = out.astype(_BF)
    else:
        o_ref[...] = out


def _dense(p3, cnt3, xbf, wl, wr, b, relu, out_bf, n_out=_NP):
    br = 2048
    grid = _NP // br
    odt = _BF if out_bf else jnp.float32
    return pl.pallas_call(
        functools.partial(_dense_body, relu, out_bf),
        grid=(grid,),
        in_specs=[
            pl.BlockSpec((_NC, br, _D), lambda i: (0, i, 0)),
            pl.BlockSpec((_NC, br, 16), lambda i: (0, i, 0)),
            pl.BlockSpec((br, _D), lambda i: (i, 0)),
            pl.BlockSpec((_D, _D), lambda i: (0, 0)),
            pl.BlockSpec((_D, _D), lambda i: (0, 0)),
            pl.BlockSpec((1, _D), lambda i: (0, 0)),
        ],
        out_specs=pl.BlockSpec((br, _D), lambda i: (i, 0)),
        out_shape=jax.ShapeDtypeStruct((n_out, _D), odt),
    )(p3, cnt3, xbf, wl, wr, b.reshape(1, _D))


def kernel(x, edge_index, W_l1, W_r1, b1, W_l2, W_r2, b2):
    er = edge_index.astype(jnp.int32).reshape(2, _E // 128, 128)
    pad_rows = jnp.broadcast_to(
        jnp.array([0, _NP - 1], jnp.int32)[:, None, None],
        (2, _EROWS_ST - _E // 128, 128))
    edges = jnp.concatenate([er, pad_rows], axis=1)
    zrow = jnp.zeros((_NPS, _D), _BF)
    zcnt = jnp.zeros((_NPS, 16), jnp.float32)
    ones = jnp.ones((128, 16), jnp.float32)

    xbf = jnp.pad(x.astype(_BF), ((0, _NP - _N), (0, 0)))
    s1, cnts = _sc_segsum_counts(xbf, edges, zrow, zcnt, ones)
    hbf = _dense(s1, cnts, xbf, W_l1, W_r1, b1, relu=True, out_bf=True)
    (s2,) = _sc_segsum_plain(hbf, edges, zrow)
    return _dense(s2, cnts, hbf, W_l2, W_r2, b2,
                  relu=False, out_bf=False, n_out=_N)

# --- scband reference (transcript-rebuilt; emitter-appended) ---
"""Pipeline reference for scband-sage-1168231104600 (READ-ONLY COPY).

The authoritative reference and input builder live on the scoring server;
editing this copy changes nothing except your own understanding.
"""

import jax, jax.numpy as jnp
import numpy as np

N = 10000
E = 320000
D_IN = 128
D_HID = 128
D_OUT = 128


def setup_inputs(seed: int = 0) -> dict:
    key = jax.random.key(seed)
    ks = jax.random.split(key, 8)
    x = jax.random.normal(ks[0], (N, D_IN), dtype=jnp.float32)
    edge_index = jax.random.randint(ks[1], (2, E), 0, N, dtype=jnp.int64)
    W_l1 = jax.random.normal(ks[2], (D_IN, D_HID), dtype=jnp.float32) * 0.05
    W_r1 = jax.random.normal(ks[3], (D_IN, D_HID), dtype=jnp.float32) * 0.05
    b1 = jnp.zeros((D_HID,), dtype=jnp.float32)
    W_l2 = jax.random.normal(ks[4], (D_HID, D_OUT), dtype=jnp.float32) * 0.05
    W_r2 = jax.random.normal(ks[5], (D_HID, D_OUT), dtype=jnp.float32) * 0.05
    b2 = jnp.zeros((D_OUT,), dtype=jnp.float32)
    return {"x": x, "edge_index": edge_index, "W_l1": W_l1, "W_r1": W_r1, "b1": b1, "W_l2": W_l2, "W_r2": W_r2, "b2": b2}


def _sage_conv(x, src, dst, W_l, W_r, b, num_nodes):
    # PyG SAGEConv: out = lin_l(mean_aggr(x_j)) + lin_r(x_root)
    msgs = x[src]  # gather: [E, d]
    summed = jax.ops.segment_sum(msgs, dst, num_segments=num_nodes)  # scatter-add
    cnt = jax.ops.segment_sum(jnp.ones((src.shape[0], 1), dtype=x.dtype), dst, num_segments=num_nodes)
    aggr = summed / jnp.clip(cnt, 1.0, None)  # mean aggregation
    return aggr @ W_l + b + x @ W_r


def reference(x, edge_index, W_l1, W_r1, b1, W_l2, W_r2, b2):
    src = edge_index[0]
    dst = edge_index[1]
    h = _sage_conv(x, src, dst, W_l1, W_r1, b1, N)
    h = jax.nn.relu(h)
    # dropout(p=0.5) is identity in eval mode
    out = _sage_conv(h, src, dst, W_l2, W_r2, b2, N)
    return out

if __name__ == "__main__":
    import jax
    _d = setup_inputs()
    print(jax.jit(kernel)(*tuple(_d.values())))

</pallas_src>

<mosaic_0001>
#map = affine_map<(d0, d1) -> (0, 0)>
#map1 = affine_map<(d0, d1) -> (0, 0, 0)>
module attributes {stable_mosaic.version = 14 : i64} {
  func.func @body(%arg0: i32, %arg1: i32, %arg2: memref<10240x128xbf16, #tpu.memory_space<hbm>>, %arg3: memref<2x2564x128xi32, #tpu.memory_space<hbm>>, %arg4: memref<640x128xbf16, #tpu.memory_space<hbm>>, %arg5: memref<2x10240x128xbf16, #tpu.memory_space<hbm>>, %arg6: memref<2x128xi32, #tpu.memory_space<vmem>>, %arg7: memref<2x128xi32, #tpu.memory_space<vmem>>, %arg8: memref<2x128xi32, #tpu.memory_space<vmem>>, %arg9: memref<2x128xi32, #tpu.memory_space<vmem>>, %arg10: memref<256x128xbf16, #tpu.memory_space<vmem>>, %arg11: memref<256x128xbf16, #tpu.memory_space<vmem>>, %arg12: memref<10240x128xbf16, #tpu.memory_space<vmem_shared>>, %arg13: memref<10240x128xbf16, #tpu.memory_space<vmem_shared>>, %arg14: memref<!tpu.dma_semaphore, #tpu.memory_space<semaphore_mem>>, %arg15: memref<!tpu.dma_semaphore, #tpu.memory_space<semaphore_mem>>, %arg16: memref<!tpu.dma_semaphore, #tpu.memory_space<semaphore_mem>>, %arg17: memref<!tpu.dma_semaphore, #tpu.memory_space<semaphore_mem>>, %arg18: memref<!tpu.dma_semaphore, #tpu.memory_space<semaphore_mem>>, %arg19: memref<!tpu.dma_semaphore, #tpu.memory_space<semaphore_mem>>, %arg20: memref<!tpu.dma_semaphore, #tpu.memory_space<semaphore_mem>>, %arg21: memref<!tpu.dma_semaphore, #tpu.memory_space<semaphore_mem>>) attributes {dimension_semantics = [#tpu.dimension_semantics<core_parallel>, #tpu.dimension_semantics<subcore_parallel>], iteration_bounds = array<i64: 2, 16>, scalar_prefetch = 0 : i64, scratch_operands = 16 : i64, tpu.core_type = #tpu.core_type<sc_vector_subcore>, window_params = [{transform_indices = #map}, {transform_indices = #map1}, {transform_indices = #map}, {transform_indices = #map1}]} {
    %mul3A = arith.constant 16 : i32
    %mul3A_0 = arith.muli %arg0, %mul3A : i32
    %add3A = arith.addi %mul3A_0, %arg1 : i32
    %mul3A_1 = arith.constant 640 : i32
    %mul3A_2 = arith.muli %arg1, %mul3A_1 : i32
    %mul3A_3 = arith.constant 640 : i32
    %mul3A_4 = arith.muli %arg1, %mul3A_3 : i32
    "tpu.region"() ({
      %run_scoped3A_138 = tpu.sem_alloc : memref<!tpu.dma_semaphore, #tpu.memory_space<semaphore_mem>>
      %dma_start3A_139 = arith.constant 0 : i32
      %dma_start3A_140 = tpu.memref_slice %arg13[%mul3A_4, %dma_start3A_139] : memref<10240x128xbf16, #tpu.memory_space<vmem_shared>> -> memref<640x128xbf16, #tpu.memory_space<vmem_shared>>
      %dma_start3A_141 = arith.constant 0 : i32
      %dma_start3A_142 = tpu.memref_slice %arg2[%mul3A_2, %dma_start3A_141] : memref<10240x128xbf16, #tpu.memory_space<hbm>> -> memref<640x128xbf16, #tpu.memory_space<hbm>>
      tpu.enqueue_dma source(%dma_start3A_142 : memref<640x128xbf16, #tpu.memory_space<hbm>>) target(%dma_start3A_140 : memref<640x128xbf16, #tpu.memory_space<vmem_shared>>) target_semaphore(%run_scoped3A_138 : memref<!tpu.dma_semaphore, #tpu.memory_space<semaphore_mem>>)
      %dma_wait3A_143 = arith.constant 0 : i32
      %dma_wait3A_144 = tpu.memref_slice %arg13[%mul3A_4, %dma_wait3A_143] : memref<10240x128xbf16, #tpu.memory_space<vmem_shared>> -> memref<640x128xbf16, #tpu.memory_space<vmem_shared>>
      %dma_wait3A_145 = arith.constant 0 : i32
      %dma_wait3A_146 = tpu.memref_slice %arg2[%mul3A_2, %dma_wait3A_145] : memref<10240x128xbf16, #tpu.memory_space<hbm>> -> memref<640x128xbf16, #tpu.memory_space<hbm>>
      tpu.wait_dma2 semaphore(%run_scoped3A_138 : memref<!tpu.dma_semaphore, #tpu.memory_space<semaphore_mem>>) src(%dma_wait3A_146 : memref<640x128xbf16, #tpu.memory_space<hbm>>) dst(%dma_wait3A_144 : memref<640x128xbf16, #tpu.memory_space<vmem_shared>>)
      tpu.yield
    }) : () -> ()
    %mul3A_5 = arith.constant 640 : i32
    %mul3A_6 = arith.muli %arg1, %mul3A_5 : i32
    "tpu.region"() ({
      %run_scoped3A_138 = tpu.sem_alloc : memref<!tpu.dma_semaphore, #tpu.memory_space<semaphore_mem>>
      %dma_start3A_139 = arith.constant 0 : i32
      %dma_start3A_140 = tpu.memref_slice %arg12[%mul3A_6, %dma_start3A_139] : memref<10240x128xbf16, #tpu.memory_space<vmem_shared>> -> memref<640x128xbf16, #tpu.memory_space<vmem_shared>>
      tpu.enqueue_dma source(%arg4 : memref<640x128xbf16, #tpu.memory_space<hbm>>) target(%dma_start3A_140 : memref<640x128xbf16, #tpu.memory_space<vmem_shared>>) target_semaphore(%run_scoped3A_138 : memref<!tpu.dma_semaphore, #tpu.memory_space<semaphore_mem>>)
      %dma_wait3A_141 = arith.constant 0 : i32
      %dma_wait3A_142 = tpu.memref_slice %arg12[%mul3A_6, %dma_wait3A_141] : memref<10240x128xbf16, #tpu.memory_space<vmem_shared>> -> memref<640x128xbf16, #tpu.memory_space<vmem_shared>>
      tpu.wait_dma2 semaphore(%run_scoped3A_138 : memref<!tpu.dma_semaphore, #tpu.memory_space<semaphore_mem>>) src(%arg4 : memref<640x128xbf16, #tpu.memory_space<hbm>>) dst(%dma_wait3A_142 : memref<640x128xbf16, #tpu.memory_space<vmem_shared>>)
      tpu.yield
    }) : () -> ()
    "tpu.region"() ({
      %run_scoped3A_138 = tpu.sem_alloc : memref<!tpu.dma_semaphore, #tpu.memory_space<semaphore_mem>>
      %dma_start3A_139 = arith.constant 0 : i32
      %dma_start3A_140 = arith.constant 0 : i32
      %dma_start3A_141 = tpu.memref_slice %arg4[%dma_start3A_139, %dma_start3A_140] : memref<640x128xbf16, #tpu.memory_space<hbm>> -> memref<256x128xbf16, #tpu.memory_space<hbm>>
      %dma_start3A_142 = arith.constant 0 : i32
      %dma_start3A_143 = arith.constant 0 : i32
      %dma_start3A_144 = tpu.memref_slice %arg4[%dma_start3A_142, %dma_start3A_143] : memref<640x128xbf16, #tpu.memory_space<hbm>> -> memref<256x128xbf16, #tpu.memory_space<hbm>>
      tpu.enqueue_dma source(%dma_start3A_144 : memref<256x128xbf16, #tpu.memory_space<hbm>>) target(%arg11 : memref<256x128xbf16, #tpu.memory_space<vmem>>) target_semaphore(%run_scoped3A_138 : memref<!tpu.dma_semaphore, #tpu.memory_space<semaphore_mem>>)
      %dma_wait3A_145 = arith.constant 0 : i32
      %dma_wait3A_146 = arith.constant 0 : i32
      %dma_wait3A_147 = tpu.memref_slice %arg4[%dma_wait3A_145, %dma_wait3A_146] : memref<640x128xbf16, #tpu.memory_space<hbm>> -> memref<256x128xbf16, #tpu.memory_space<hbm>>
      %dma_wait3A_148 = arith.constant 0 : i32
      %dma_wait3A_149 = arith.constant 0 : i32
      %dma_wait3A_150 = tpu.memref_slice %arg4[%dma_wait3A_148, %dma_wait3A_149] : memref<640x128xbf16, #tpu.memory_space<hbm>> -> memref<256x128xbf16, #tpu.memory_space<hbm>>
      tpu.wait_dma2 semaphore(%run_scoped3A_138 : memref<!tpu.dma_semaphore, #tpu.memory_space<semaphore_mem>>) src(%dma_wait3A_150 : memref<256x128xbf16, #tpu.memory_space<hbm>>) dst(%arg11 : memref<256x128xbf16, #tpu.memory_space<vmem>>)
      tpu.yield
    }) : () -> ()
    %barrier3A = arith.constant 0 : index
    tpu.barrier barrier_id(%barrier3A)
    %mul3A_7 = arith.constant 80 : i32
    %mul3A_8 = arith.muli %add3A, %mul3A_7 : i32
    %add3A_9 = arith.constant 0 : i32
    %add3A_10 = arith.addi %mul3A_8, %add3A_9 : i32
    %run_scoped3A = arith.constant 0 : i32
    "tpu.region"() ({
      %run_scoped3A_138 = tpu.sem_alloc : memref<!tpu.dma_semaphore, #tpu.memory_space<semaphore_mem>>
      %dma_start3A_139 = arith.constant 0 : i32
      %dma_start3A_140 = tpu.memref_slice %arg3[%run_scoped3A, %add3A_10, %dma_start3A_139] : memref<2x2564x128xi32, #tpu.memory_space<hbm>> -> memref<1x2x128xi32, #tpu.memory_space<hbm>>
      %dma_start3A_141 = tpu.memref_squeeze %dma_start3A_140 : memref<1x2x128xi32, #tpu.memory_space<hbm>> -> memref<2x128xi32, #tpu.memory_space<hbm>>
      %dma_start3A_142 = arith.constant 0 : i32
      %dma_start3A_143 = tpu.memref_slice %arg3[%run_scoped3A, %add3A_10, %dma_start3A_142] : memref<2x2564x128xi32, #tpu.memory_space<hbm>> -> memref<1x2x128xi32, #tpu.memory_space<hbm>>
      %dma_start3A_144 = tpu.memref_squeeze %dma_start3A_143 : memref<1x2x128xi32, #tpu.memory_space<hbm>> -> memref<2x128xi32, #tpu.memory_space<hbm>>
      tpu.enqueue_dma source(%dma_start3A_144 : memref<2x128xi32, #tpu.memory_space<hbm>>) target(%arg6 : memref<2x128xi32, #tpu.memory_space<vmem>>) target_semaphore(%run_scoped3A_138 : memref<!tpu.dma_semaphore, #tpu.memory_space<semaphore_mem>>)
      %dma_wait3A_145 = arith.constant 0 : i32
      %dma_wait3A_146 = tpu.memref_slice %arg3[%run_scoped3A, %add3A_10, %dma_wait3A_145] : memref<2x2564x128xi32, #tpu.memory_space<hbm>> -> memref<1x2x128xi32, #tpu.memory_space<hbm>>
      %dma_wait3A_147 = tpu.memref_squeeze %dma_wait3A_146 : memref<1x2x128xi32, #tpu.memory_space<hbm>> -> memref<2x128xi32, #tpu.memory_space<hbm>>
      %dma_wait3A_148 = arith.constant 0 : i32
      %dma_wait3A_149 = tpu.memref_slice %arg3[%run_scoped3A, %add3A_10, %dma_wait3A_148] : memref<2x2564x128xi32, #tpu.memory_space<hbm>> -> memref<1x2x128xi32, #tpu.memory_space<hbm>>
      %dma_wait3A_150 = tpu.memref_squeeze %dma_wait3A_149 : memref<1x2x128xi32, #tpu.memory_space<hbm>> -> memref<2x128xi32, #tpu.memory_space<hbm>>
      tpu.wait_dma2 semaphore(%run_scoped3A_138 : memref<!tpu.dma_semaphore, #tpu.memory_space<semaphore_mem>>) src(%dma_wait3A_150 : memref<2x128xi32, #tpu.memory_space<hbm>>) dst(%arg6 : memref<2x128xi32, #tpu.memory_space<vmem>>)
      tpu.yield
    }) : () -> ()
    %dma_start3A = arith.constant 0 : i32
    %dma_start3A_11 = arith.constant 0 : i32
    %dma_start3A_12 = arith.constant 0 : i32
    %dma_start3A_13 = tpu.memref_slice %arg10[%dma_start3A_11, %dma_start3A_12] : memref<256x128xbf16, #tpu.memory_space<vmem>> -> memref<128x128xbf16, #tpu.memory_space<vmem>>
    %dma_start3A_14 = arith.constant 0 : i32
    %dma_start3A_15 = tpu.memref_slice %arg6[%dma_start3A, %dma_start3A_14] : memref<2x128xi32, #tpu.memory_space<vmem>> -> memref<1x128xi32, #tpu.memory_space<vmem>>
    %dma_start3A_16 = tpu.memref_squeeze %dma_start3A_15 : memref<1x128xi32, #tpu.memory_space<vmem>> -> memref<128xi32, #tpu.memory_space<vmem>>
    %dma_start3A_17 = arith.constant 0 : i32
    %dma_start3A_18 = arith.constant 0 : i32
    %dma_start3A_19 = tpu.memref_slice %arg13[%dma_start3A_17, %dma_start3A_18] : memref<10240x128xbf16, #tpu.memory_space<vmem_shared>> -> memref<10240x128xbf16, #tpu.memory_space<vmem_shared>>
    tpu.enqueue_indirect_dma source(%dma_start3A_19 : memref<10240x128xbf16, #tpu.memory_space<vmem_shared>>) target(%dma_start3A_13 : memref<128x128xbf16, #tpu.memory_space<vmem>>) offsets(%dma_start3A_16 : memref<128xi32, #tpu.memory_space<vmem>>) semaphore(%arg14 : memref<!tpu.dma_semaphore, #tpu.memory_space<semaphore_mem>>)
    %dma_start3A_20 = arith.constant 1 : i32
    %dma_start3A_21 = arith.constant 128 : i32
    %dma_start3A_22 = arith.constant 0 : i32
    %dma_start3A_23 = tpu.memref_slice %arg10[%dma_start3A_21, %dma_start3A_22] : memref<256x128xbf16, #tpu.memory_space<vmem>> -> memref<128x128xbf16, #tpu.memory_space<vmem>>
    %dma_start3A_24 = arith.constant 0 : i32
    %dma_start3A_25 = tpu.memref_slice %arg6[%dma_start3A_20, %dma_start3A_24] : memref<2x128xi32, #tpu.memory_space<vmem>> -> memref<1x128xi32, #tpu.memory_space<vmem>>
    %dma_start3A_26 = tpu.memref_squeeze %dma_start3A_25 : memref<1x128xi32, #tpu.memory_space<vmem>> -> memref<128xi32, #tpu.memory_space<vmem>>
    %dma_start3A_27 = arith.constant 0 : i32
    %dma_start3A_28 = arith.constant 0 : i32
    %dma_start3A_29 = tpu.memref_slice %arg13[%dma_start3A_27, %dma_start3A_28] : memref<10240x128xbf16, #tpu.memory_space<vmem_shared>> -> memref<10240x128xbf16, #tpu.memory_space<vmem_shared>>
    tpu.enqueue_indirect_dma source(%dma_start3A_29 : memref<10240x128xbf16, #tpu.memory_space<vmem_shared>>) target(%dma_start3A_23 : memref<128x128xbf16, #tpu.memory_space<vmem>>) offsets(%dma_start3A_26 : memref<128xi32, #tpu.memory_space<vmem>>) semaphore(%arg14 : memref<!tpu.dma_semaphore, #tpu.memory_space<semaphore_mem>>)
    %add3A_30 = arith.constant 0 : i32
    %add3A_31 = arith.addi %mul3A_8, %add3A_30 : i32
    %dma_start3A_32 = arith.constant 1 : i32
    %dma_start3A_33 = arith.constant 0 : i32
    %dma_start3A_34 = tpu.memref_slice %arg3[%dma_start3A_32, %add3A_31, %dma_start3A_33] : memref<2x2564x128xi32, #tpu.memory_space<hbm>> -> memref<1x2x128xi32, #tpu.memory_space<hbm>>
    %dma_start3A_35 = tpu.memref_squeeze %dma_start3A_34 : memref<1x2x128xi32, #tpu.memory_space<hbm>> -> memref<2x128xi32, #tpu.memory_space<hbm>>
    %dma_start3A_36 = arith.constant 0 : i32
    %dma_start3A_37 = tpu.memref_slice %arg3[%dma_start3A_32, %add3A_31, %dma_start3A_36] : memref<2x2564x128xi32, #tpu.memory_space<hbm>> -> memref<1x2x128xi32, #tpu.memory_space<hbm>>
    %dma_start3A_38 = tpu.memref_squeeze %dma_start3A_37 : memref<1x2x128xi32, #tpu.memory_space<hbm>> -> memref<2x128xi32, #tpu.memory_space<hbm>>
    tpu.enqueue_dma source(%dma_start3A_38 : memref<2x128xi32, #tpu.memory_space<hbm>>) target(%arg8 : memref<2x128xi32, #tpu.memory_space<vmem>>) target_semaphore(%arg20 : memref<!tpu.dma_semaphore, #tpu.memory_space<semaphore_mem>>)
    %add3A_39 = arith.constant 2 : i32
    %add3A_40 = arith.addi %mul3A_8, %add3A_39 : i32
    %dma_start3A_41 = arith.constant 0 : i32
    %dma_start3A_42 = arith.constant 0 : i32
    %dma_start3A_43 = tpu.memref_slice %arg3[%dma_start3A_41, %add3A_40, %dma_start3A_42] : memref<2x2564x128xi32, #tpu.memory_space<hbm>> -> memref<1x2x128xi32, #tpu.memory_space<hbm>>
    %dma_start3A_44 = tpu.memref_squeeze %dma_start3A_43 : memref<1x2x128xi32, #tpu.memory_space<hbm>> -> memref<2x128xi32, #tpu.memory_space<hbm>>
    %dma_start3A_45 = arith.constant 0 : i32
    %dma_start3A_46 = tpu.memref_slice %arg3[%dma_start3A_41, %add3A_40, %dma_start3A_45] : memref<2x2564x128xi32, #tpu.memory_space<hbm>> -> memref<1x2x128xi32, #tpu.memory_space<hbm>>
    %dma_start3A_47 = tpu.memref_squeeze %dma_start3A_46 : memref<1x2x128xi32, #tpu.memory_space<hbm>> -> memref<2x128xi32, #tpu.memory_space<hbm>>
    tpu.enqueue_dma source(%dma_start3A_47 : memref<2x128xi32, #tpu.memory_space<hbm>>) target(%arg7 : memref<2x128xi32, #tpu.memory_space<vmem>>) target_semaphore(%arg19 : memref<!tpu.dma_semaphore, #tpu.memory_space<semaphore_mem>>)
    %add3A_48 = arith.constant 0 : i32
    %add3A_49 = arith.addi %mul3A_8, %add3A_48 : i32
    %run_scoped3A_50 = arith.constant 1 : i32
    "tpu.region"() ({
      %run_scoped3A_138 = tpu.sem_alloc : memref<!tpu.dma_semaphore, #tpu.memory_space<semaphore_mem>>
      %dma_start3A_139 = arith.constant 0 : i32
      %dma_start3A_140 = tpu.memref_slice %arg3[%run_scoped3A_50, %add3A_49, %dma_start3A_139] : memref<2x2564x128xi32, #tpu.memory_space<hbm>> -> memref<1x2x128xi32, #tpu.memory_space<hbm>>
      %dma_start3A_141 = tpu.memref_squeeze %dma_start3A_140 : memref<1x2x128xi32, #tpu.memory_space<hbm>> -> memref<2x128xi32, #tpu.memory_space<hbm>>
      %dma_start3A_142 = arith.constant 0 : i32
      %dma_start3A_143 = tpu.memref_slice %arg3[%run_scoped3A_50, %add3A_49, %dma_start3A_142] : memref<2x2564x128xi32, #tpu.memory_space<hbm>> -> memref<1x2x128xi32, #tpu.memory_space<hbm>>
      %dma_start3A_144 = tpu.memref_squeeze %dma_start3A_143 : memref<1x2x128xi32, #tpu.memory_space<hbm>> -> memref<2x128xi32, #tpu.memory_space<hbm>>
      tpu.enqueue_dma source(%dma_start3A_144 : memref<2x128xi32, #tpu.memory_space<hbm>>) target(%arg9 : memref<2x128xi32, #tpu.memory_space<vmem>>) target_semaphore(%run_scoped3A_138 : memref<!tpu.dma_semaphore, #tpu.memory_space<semaphore_mem>>)
      %dma_wait3A_145 = arith.constant 0 : i32
      %dma_wait3A_146 = tpu.memref_slice %arg3[%run_scoped3A_50, %add3A_49, %dma_wait3A_145] : memref<2x2564x128xi32, #tpu.memory_space<hbm>> -> memref<1x2x128xi32, #tpu.memory_space<hbm>>
      %dma_wait3A_147 = tpu.memref_squeeze %dma_wait3A_146 : memref<1x2x128xi32, #tpu.memory_space<hbm>> -> memref<2x128xi32, #tpu.memory_space<hbm>>
      %dma_wait3A_148 = arith.constant 0 : i32
      %dma_wait3A_149 = tpu.memref_slice %arg3[%run_scoped3A_50, %add3A_49, %dma_wait3A_148] : memref<2x2564x128xi32, #tpu.memory_space<hbm>> -> memref<1x2x128xi32, #tpu.memory_space<hbm>>
      %dma_wait3A_150 = tpu.memref_squeeze %dma_wait3A_149 : memref<1x2x128xi32, #tpu.memory_space<hbm>> -> memref<2x128xi32, #tpu.memory_space<hbm>>
      tpu.wait_dma2 semaphore(%run_scoped3A_138 : memref<!tpu.dma_semaphore, #tpu.memory_space<semaphore_mem>>) src(%dma_wait3A_150 : memref<2x128xi32, #tpu.memory_space<hbm>>) dst(%arg9 : memref<2x128xi32, #tpu.memory_space<vmem>>)
      tpu.yield
    }) : () -> ()
    %dma_start3A_51 = arith.constant 0 : i32
    %dma_start3A_52 = arith.constant 0 : i32
    %dma_start3A_53 = arith.constant 0 : i32
    %dma_start3A_54 = tpu.memref_slice %arg11[%dma_start3A_52, %dma_start3A_53] : memref<256x128xbf16, #tpu.memory_space<vmem>> -> memref<128x128xbf16, #tpu.memory_space<vmem>>
    %dma_start3A_55 = arith.constant 0 : i32
    %dma_start3A_56 = tpu.memref_slice %arg9[%dma_start3A_51, %dma_start3A_55] : memref<2x128xi32, #tpu.memory_space<vmem>> -> memref<1x128xi32, #tpu.memory_space<vmem>>
    %dma_start3A_57 = tpu.memref_squeeze %dma_start3A_56 : memref<1x128xi32, #tpu.memory_space<vmem>> -> memref<128xi32, #tpu.memory_space<vmem>>
    %dma_start3A_58 = arith.constant 0 : i32
    %dma_start3A_59 = arith.constant 0 : i32
    %dma_start3A_60 = tpu.memref_slice %arg12[%dma_start3A_58, %dma_start3A_59] : memref<10240x128xbf16, #tpu.memory_space<vmem_shared>> -> memref<10240x128xbf16, #tpu.memory_space<vmem_shared>>
    tpu.enqueue_indirect_dma source(%dma_start3A_54 : memref<128x128xbf16, #tpu.memory_space<vmem>>) target(%dma_start3A_60 : memref<10240x128xbf16, #tpu.memory_space<vmem_shared>>) offsets(%dma_start3A_57 : memref<128xi32, #tpu.memory_space<vmem>>) semaphore(%arg17 : memref<!tpu.dma_semaphore, #tpu.memory_space<semaphore_mem>>) {add = true}
    %dma_start3A_61 = arith.constant 1 : i32
    %dma_start3A_62 = arith.constant 128 : i32
    %dma_start3A_63 = arith.constant 0 : i32
    %dma_start3A_64 = tpu.memref_slice %arg11[%dma_start3A_62, %dma_start3A_63] : memref<256x128xbf16, #tpu.memory_space<vmem>> -> memref<128x128xbf16, #tpu.memory_space<vmem>>
    %dma_start3A_65 = arith.constant 0 : i32
    %dma_start3A_66 = tpu.memref_slice %arg9[%dma_start3A_61, %dma_start3A_65] : memref<2x128xi32, #tpu.memory_space<vmem>> -> memref<1x128xi32, #tpu.memory_space<vmem>>
    %dma_start3A_67 = tpu.memref_squeeze %dma_start3A_66 : memref<1x128xi32, #tpu.memory_space<vmem>> -> memref<128xi32, #tpu.memory_space<vmem>>
    %dma_start3A_68 = arith.constant 0 : i32
    %dma_start3A_69 = arith.constant 0 : i32
    %dma_start3A_70 = tpu.memref_slice %arg12[%dma_start3A_68, %dma_start3A_69] : memref<10240x128xbf16, #tpu.memory_space<vmem_shared>> -> memref<10240x128xbf16, #tpu.memory_space<vmem_shared>>
    tpu.enqueue_indirect_dma source(%dma_start3A_64 : memref<128x128xbf16, #tpu.memory_space<vmem>>) target(%dma_start3A_70 : memref<10240x128xbf16, #tpu.memory_space<vmem_shared>>) offsets(%dma_start3A_67 : memref<128xi32, #tpu.memory_space<vmem>>) semaphore(%arg17 : memref<!tpu.dma_semaphore, #tpu.memory_space<semaphore_mem>>) {add = true}
    %scan3A = arith.constant 0 : i32
    %scan3A_71 = arith.constant 0 : i32
    %scan3A_72 = arith.constant 20 : i32
    %scan3A_73 = arith.addi %scan3A_71, %scan3A_72 : i32
    %scan3A_74 = arith.constant 1 : i32
    scf.for %scan3A_138 = %scan3A_71 to %scan3A_73 step %scan3A_74  : i32 {
      %mul3A_139 = arith.constant 2 : i32
      %mul3A_140 = arith.muli %mul3A_139, %scan3A_138 : i32
      %add3A_141 = arith.constant 1 : i32
      %add3A_142 = arith.addi %mul3A_140, %add3A_141 : i32
      %dma_wait3A_143 = arith.constant 0 : i32
      %dma_wait3A_144 = arith.constant 0 : i32
      %dma_wait3A_145 = arith.constant 0 : i32
      %dma_wait3A_146 = tpu.memref_slice %arg11[%dma_wait3A_144, %dma_wait3A_145] : memref<256x128xbf16, #tpu.memory_space<vmem>> -> memref<128x128xbf16, #tpu.memory_space<vmem>>
      %dma_wait3A_147 = arith.constant 0 : i32
      %dma_wait3A_148 = tpu.memref_slice %arg9[%dma_wait3A_143, %dma_wait3A_147] : memref<2x128xi32, #tpu.memory_space<vmem>> -> memref<1x128xi32, #tpu.memory_space<vmem>>
      %dma_wait3A_149 = tpu.memref_squeeze %dma_wait3A_148 : memref<1x128xi32, #tpu.memory_space<vmem>> -> memref<128xi32, #tpu.memory_space<vmem>>
      %dma_wait3A_150 = arith.constant 0 : i32
      %dma_wait3A_151 = arith.constant 0 : i32
      %dma_wait3A_152 = tpu.memref_slice %arg12[%dma_wait3A_150, %dma_wait3A_151] : memref<10240x128xbf16, #tpu.memory_space<vmem_shared>> -> memref<10240x128xbf16, #tpu.memory_space<vmem_shared>>
      tpu.wait_indirect_dma semaphore(%arg17 : memref<!tpu.dma_semaphore, #tpu.memory_space<semaphore_mem>>) src(%dma_wait3A_146 : memref<128x128xbf16, #tpu.memory_space<vmem>>) dst(%dma_wait3A_152 : memref<10240x128xbf16, #tpu.memory_space<vmem_shared>>)
      %dma_wait3A_153 = arith.constant 1 : i32
      %dma_wait3A_154 = arith.constant 128 : i32
      %dma_wait3A_155 = arith.constant 0 : i32
      %dma_wait3A_156 = tpu.memref_slice %arg11[%dma_wait3A_154, %dma_wait3A_155] : memref<256x128xbf16, #tpu.memory_space<vmem>> -> memref<128x128xbf16, #tpu.memory_space<vmem>>
      %dma_wait3A_157 = arith.constant 0 : i32
      %dma_wait3A_158 = tpu.memref_slice %arg9[%dma_wait3A_153, %dma_wait3A_157] : memref<2x128xi32, #tpu.memory_space<vmem>> -> memref<1x128xi32, #tpu.memory_space<vmem>>
      %dma_wait3A_159 = tpu.memref_squeeze %dma_wait3A_158 : memref<1x128xi32, #tpu.memory_space<vmem>> -> memref<128xi32, #tpu.memory_space<vmem>>
      %dma_wait3A_160 = arith.constant 0 : i32
      %dma_wait3A_161 = arith.constant 0 : i32
      %dma_wait3A_162 = tpu.memref_slice %arg12[%dma_wait3A_160, %dma_wait3A_161] : memref<10240x128xbf16, #tpu.memory_space<vmem_shared>> -> memref<10240x128xbf16, #tpu.memory_space<vmem_shared>>
      tpu.wait_indirect_dma semaphore(%arg17 : memref<!tpu.dma_semaphore, #tpu.memory_space<semaphore_mem>>) src(%dma_wait3A_156 : memref<128x128xbf16, #tpu.memory_space<vmem>>) dst(%dma_wait3A_162 : memref<10240x128xbf16, #tpu.memory_space<vmem_shared>>)
      %mul3A_163 = arith.constant 2 : i32
      %mul3A_164 = arith.muli %add3A_142, %mul3A_163 : i32
      %add3A_165 = arith.addi %mul3A_8, %mul3A_164 : i32
      %dma_start3A_166 = arith.constant 1 : i32
      %dma_start3A_167 = arith.constant 0 : i32
      %dma_start3A_168 = tpu.memref_slice %arg3[%dma_start3A_166, %add3A_165, %dma_start3A_167] : memref<2x2564x128xi32, #tpu.memory_space<hbm>> -> memref<1x2x128xi32, #tpu.memory_space<hbm>>
      %dma_start3A_169 = tpu.memref_squeeze %dma_start3A_168 : memref<1x2x128xi32, #tpu.memory_space<hbm>> -> memref<2x128xi32, #tpu.memory_space<hbm>>
      %dma_start3A_170 = arith.constant 0 : i32
      %dma_start3A_171 = tpu.memref_slice %arg3[%dma_start3A_166, %add3A_165, %dma_start3A_170] : memref<2x2564x128xi32, #tpu.memory_space<hbm>> -> memref<1x2x128xi32, #tpu.memory_space<hbm>>
      %dma_start3A_172 = tpu.memref_squeeze %dma_start3A_171 : memref<1x2x128xi32, #tpu.memory_space<hbm>> -> memref<2x128xi32, #tpu.memory_space<hbm>>
      tpu.enqueue_dma source(%dma_start3A_172 : memref<2x128xi32, #tpu.memory_space<hbm>>) target(%arg9 : memref<2x128xi32, #tpu.memory_space<vmem>>) target_semaphore(%arg21 : memref<!tpu.dma_semaphore, #tpu.memory_space<semaphore_mem>>)
      %mul3A_173 = arith.constant 2 : i32
      %mul3A_174 = arith.muli %add3A_142, %mul3A_173 : i32
      %add3A_175 = arith.addi %mul3A_8, %mul3A_174 : i32
      %dma_wait3A_176 = arith.constant 0 : i32
      %dma_wait3A_177 = arith.constant 0 : i32
      %dma_wait3A_178 = tpu.memref_slice %arg3[%dma_wait3A_176, %add3A_175, %dma_wait3A_177] : memref<2x2564x128xi32, #tpu.memory_space<hbm>> -> memref<1x2x128xi32, #tpu.memory_space<hbm>>
      %dma_wait3A_179 = tpu.memref_squeeze %dma_wait3A_178 : memref<1x2x128xi32, #tpu.memory_space<hbm>> -> memref<2x128xi32, #tpu.memory_space<hbm>>
      %dma_wait3A_180 = arith.constant 0 : i32
      %dma_wait3A_181 = tpu.memref_slice %arg3[%dma_wait3A_176, %add3A_175, %dma_wait3A_180] : memref<2x2564x128xi32, #tpu.memory_space<hbm>> -> memref<1x2x128xi32, #tpu.memory_space<hbm>>
      %dma_wait3A_182 = tpu.memref_squeeze %dma_wait3A_181 : memref<1x2x128xi32, #tpu.memory_space<hbm>> -> memref<2x128xi32, #tpu.memory_space<hbm>>
      tpu.wait_dma2 semaphore(%arg19 : memref<!tpu.dma_semaphore, #tpu.memory_space<semaphore_mem>>) src(%dma_wait3A_182 : memref<2x128xi32, #tpu.memory_space<hbm>>) dst(%arg7 : memref<2x128xi32, #tpu.memory_space<vmem>>)
      %dma_start3A_183 = arith.constant 0 : i32
      %dma_start3A_184 = arith.constant 0 : i32
      %dma_start3A_185 = arith.constant 0 : i32
      %dma_start3A_186 = tpu.memref_slice %arg11[%dma_start3A_184, %dma_start3A_185] : memref<256x128xbf16, #tpu.memory_space<vmem>> -> memref<128x128xbf16, #tpu.memory_space<vmem>>
      %dma_start3A_187 = arith.constant 0 : i32
      %dma_start3A_188 = tpu.memref_slice %arg7[%dma_start3A_183, %dma_start3A_187] : memref<2x128xi32, #tpu.memory_space<vmem>> -> memref<1x128xi32, #tpu.memory_space<vmem>>
      %dma_start3A_189 = tpu.memref_squeeze %dma_start3A_188 : memref<1x128xi32, #tpu.memory_space<vmem>> -> memref<128xi32, #tpu.memory_space<vmem>>
      %dma_start3A_190 = arith.constant 0 : i32
      %dma_start3A_191 = arith.constant 0 : i32
      %dma_start3A_192 = tpu.memref_slice %arg13[%dma_start3A_190, %dma_start3A_191] : memref<10240x128xbf16, #tpu.memory_space<vmem_shared>> -> memref<10240x128xbf16, #tpu.memory_space<vmem_shared>>
      tpu.enqueue_indirect_dma source(%dma_start3A_192 : memref<10240x128xbf16, #tpu.memory_space<vmem_shared>>) target(%dma_start3A_186 : memref<128x128xbf16, #tpu.memory_space<vmem>>) offsets(%dma_start3A_189 : memref<128xi32, #tpu.memory_space<vmem>>) semaphore(%arg15 : memref<!tpu.dma_semaphore, #tpu.memory_space<semaphore_mem>>)
      %dma_start3A_193 = arith.constant 1 : i32
      %dma_start3A_194 = arith.constant 128 : i32
      %dma_start3A_195 = arith.constant 0 : i32
      %dma_start3A_196 = tpu.memref_slice %arg11[%dma_start3A_194, %dma_start3A_195] : memref<256x128xbf16, #tpu.memory_space<vmem>> -> memref<128x128xbf16, #tpu.memory_space<vmem>>
      %dma_start3A_197 = arith.constant 0 : i32
      %dma_start3A_198 = tpu.memref_slice %arg7[%dma_start3A_193, %dma_start3A_197] : memref<2x128xi32, #tpu.memory_space<vmem>> -> memref<1x128xi32, #tpu.memory_space<vmem>>
      %dma_start3A_199 = tpu.memref_squeeze %dma_start3A_198 : memref<1x128xi32, #tpu.memory_space<vmem>> -> memref<128xi32, #tpu.memory_space<vmem>>
      %dma_start3A_200 = arith.constant 0 : i32
      %dma_start3A_201 = arith.constant 0 : i32
      %dma_start3A_202 = tpu.memref_slice %arg13[%dma_start3A_200, %dma_start3A_201] : memref<10240x128xbf16, #tpu.memory_space<vmem_shared>> -> memref<10240x128xbf16, #tpu.memory_space<vmem_shared>>
      tpu.enqueue_indirect_dma source(%dma_start3A_202 : memref<10240x128xbf16, #tpu.memory_space<vmem_shared>>) target(%dma_start3A_196 : memref<128x128xbf16, #tpu.memory_space<vmem>>) offsets(%dma_start3A_199 : memref<128xi32, #tpu.memory_space<vmem>>) semaphore(%arg15 : memref<!tpu.dma_semaphore, #tpu.memory_space<semaphore_mem>>)
      %dma_wait3A_203 = arith.constant 0 : i32
      %dma_wait3A_204 = arith.constant 0 : i32
      %dma_wait3A_205 = arith.constant 0 : i32
      %dma_wait3A_206 = tpu.memref_slice %arg10[%dma_wait3A_204, %dma_wait3A_205] : memref<256x128xbf16, #tpu.memory_space<vmem>> -> memref<128x128xbf16, #tpu.memory_space<vmem>>
      %dma_wait3A_207 = arith.constant 0 : i32
      %dma_wait3A_208 = tpu.memref_slice %arg6[%dma_wait3A_203, %dma_wait3A_207] : memref<2x128xi32, #tpu.memory_space<vmem>> -> memref<1x128xi32, #tpu.memory_space<vmem>>
      %dma_wait3A_209 = tpu.memref_squeeze %dma_wait3A_208 : memref<1x128xi32, #tpu.memory_space<vmem>> -> memref<128xi32, #tpu.memory_space<vmem>>
      %dma_wait3A_210 = arith.constant 0 : i32
      %dma_wait3A_211 = arith.constant 0 : i32
      %dma_wait3A_212 = tpu.memref_slice %arg13[%dma_wait3A_210, %dma_wait3A_211] : memref<10240x128xbf16, #tpu.memory_space<vmem_shared>> -> memref<10240x128xbf16, #tpu.memory_space<vmem_shared>>
      tpu.wait_indirect_dma semaphore(%arg14 : memref<!tpu.dma_semaphore, #tpu.memory_space<semaphore_mem>>) src(%dma_wait3A_212 : memref<10240x128xbf16, #tpu.memory_space<vmem_shared>>) dst(%dma_wait3A_206 : memref<128x128xbf16, #tpu.memory_space<vmem>>)
      %dma_wait3A_213 = arith.constant 1 : i32
      %dma_wait3A_214 = arith.constant 128 : i32
      %dma_wait3A_215 = arith.constant 0 : i32
      %dma_wait3A_216 = tpu.memref_slice %arg10[%dma_wait3A_214, %dma_wait3A_215] : memref<256x128xbf16, #tpu.memory_space<vmem>> -> memref<128x128xbf16, #tpu.memory_space<vmem>>
      %dma_wait3A_217 = arith.constant 0 : i32
      %dma_wait3A_218 = tpu.memref_slice %arg6[%dma_wait3A_213, %dma_wait3A_217] : memref<2x128xi32, #tpu.memory_space<vmem>> -> memref<1x128xi32, #tpu.memory_space<vmem>>
      %dma_wait3A_219 = tpu.memref_squeeze %dma_wait3A_218 : memref<1x128xi32, #tpu.memory_space<vmem>> -> memref<128xi32, #tpu.memory_space<vmem>>
      %dma_wait3A_220 = arith.constant 0 : i32
      %dma_wait3A_221 = arith.constant 0 : i32
      %dma_wait3A_222 = tpu.memref_slice %arg13[%dma_wait3A_220, %dma_wait3A_221] : memref<10240x128xbf16, #tpu.memory_space<vmem_shared>> -> memref<10240x128xbf16, #tpu.memory_space<vmem_shared>>
      tpu.wait_indirect_dma semaphore(%arg14 : memref<!tpu.dma_semaphore, #tpu.memory_space<semaphore_mem>>) src(%dma_wait3A_222 : memref<10240x128xbf16, #tpu.memory_space<vmem_shared>>) dst(%dma_wait3A_216 : memref<128x128xbf16, #tpu.memory_space<vmem>>)
      %add3A_223 = arith.constant 2 : i32
      %add3A_224 = arith.addi %mul3A_140, %add3A_223 : i32
      %mul3A_225 = arith.constant 2 : i32
      %mul3A_226 = arith.muli %add3A_224, %mul3A_225 : i32
      %add3A_227 = arith.addi %mul3A_8, %mul3A_226 : i32
      %dma_start3A_228 = arith.constant 0 : i32
      %dma_start3A_229 = arith.constant 0 : i32
      %dma_start3A_230 = tpu.memref_slice %arg3[%dma_start3A_228, %add3A_227, %dma_start3A_229] : memref<2x2564x128xi32, #tpu.memory_space<hbm>> -> memref<1x2x128xi32, #tpu.memory_space<hbm>>
      %dma_start3A_231 = tpu.memref_squeeze %dma_start3A_230 : memref<1x2x128xi32, #tpu.memory_space<hbm>> -> memref<2x128xi32, #tpu.memory_space<hbm>>
      %dma_start3A_232 = arith.constant 0 : i32
      %dma_start3A_233 = tpu.memref_slice %arg3[%dma_start3A_228, %add3A_227, %dma_start3A_232] : memref<2x2564x128xi32, #tpu.memory_space<hbm>> -> memref<1x2x128xi32, #tpu.memory_space<hbm>>
      %dma_start3A_234 = tpu.memref_squeeze %dma_start3A_233 : memref<1x2x128xi32, #tpu.memory_space<hbm>> -> memref<2x128xi32, #tpu.memory_space<hbm>>
      tpu.enqueue_dma source(%dma_start3A_234 : memref<2x128xi32, #tpu.memory_space<hbm>>) target(%arg6 : memref<2x128xi32, #tpu.memory_space<vmem>>) target_semaphore(%arg18 : memref<!tpu.dma_semaphore, #tpu.memory_space<semaphore_mem>>)
      %mul3A_235 = arith.constant 2 : i32
      %mul3A_236 = arith.muli %mul3A_140, %mul3A_235 : i32
      %add3A_237 = arith.addi %mul3A_8, %mul3A_236 : i32
      %dma_wait3A_238 = arith.constant 1 : i32
      %dma_wait3A_239 = arith.constant 0 : i32
      %dma_wait3A_240 = tpu.memref_slice %arg3[%dma_wait3A_238, %add3A_237, %dma_wait3A_239] : memref<2x2564x128xi32, #tpu.memory_space<hbm>> -> memref<1x2x128xi32, #tpu.memory_space<hbm>>
      %dma_wait3A_241 = tpu.memref_squeeze %dma_wait3A_240 : memref<1x2x128xi32, #tpu.memory_space<hbm>> -> memref<2x128xi32, #tpu.memory_space<hbm>>
      %dma_wait3A_242 = arith.constant 0 : i32
      %dma_wait3A_243 = tpu.memref_slice %arg3[%dma_wait3A_238, %add3A_237, %dma_wait3A_242] : memref<2x2564x128xi32, #tpu.memory_space<hbm>> -> memref<1x2x128xi32, #tpu.memory_space<hbm>>
      %dma_wait3A_244 = tpu.memref_squeeze %dma_wait3A_243 : memref<1x2x128xi32, #tpu.memory_space<hbm>> -> memref<2x128xi32, #tpu.memory_space<hbm>>
      tpu.wait_dma2 semaphore(%arg20 : memref<!tpu.dma_semaphore, #tpu.memory_space<semaphore_mem>>) src(%dma_wait3A_244 : memref<2x128xi32, #tpu.memory_space<hbm>>) dst(%arg8 : memref<2x128xi32, #tpu.memory_space<vmem>>)
      %dma_start3A_245 = arith.constant 0 : i32
      %dma_start3A_246 = arith.constant 0 : i32
      %dma_start3A_247 = arith.constant 0 : i32
      %dma_start3A_248 = tpu.memref_slice %arg10[%dma_start3A_246, %dma_start3A_247] : memref<256x128xbf16, #tpu.memory_space<vmem>> -> memref<128x128xbf16, #tpu.memory_space<vmem>>
      %dma_start3A_249 = arith.constant 0 : i32
      %dma_start3A_250 = tpu.memref_slice %arg8[%dma_start3A_245, %dma_start3A_249] : memref<2x128xi32, #tpu.memory_space<vmem>> -> memref<1x128xi32, #tpu.memory_space<vmem>>
      %dma_start3A_251 = tpu.memref_squeeze %dma_start3A_250 : memref<1x128xi32, #tpu.memory_space<vmem>> -> memref<128xi32, #tpu.memory_space<vmem>>
      %dma_start3A_252 = arith.constant 0 : i32
      %dma_start3A_253 = arith.constant 0 : i32
      %dma_start3A_254 = tpu.memref_slice %arg12[%dma_start3A_252, %dma_start3A_253] : memref<10240x128xbf16, #tpu.memory_space<vmem_shared>> -> memref<10240x128xbf16, #tpu.memory_space<vmem_shared>>
      tpu.enqueue_indirect_dma source(%dma_start3A_248 : memref<128x128xbf16, #tpu.memory_space<vmem>>) target(%dma_start3A_254 : memref<10240x128xbf16, #tpu.memory_space<vmem_shared>>) offsets(%dma_start3A_251 : memref<128xi32, #tpu.memory_space<vmem>>) semaphore(%arg16 : memref<!tpu.dma_semaphore, #tpu.memory_space<semaphore_mem>>) {add = true}
      %dma_start3A_255 = arith.constant 1 : i32
      %dma_start3A_256 = arith.constant 128 : i32
      %dma_start3A_257 = arith.constant 0 : i32
      %dma_start3A_258 = tpu.memref_slice %arg10[%dma_start3A_256, %dma_start3A_257] : memref<256x128xbf16, #tpu.memory_space<vmem>> -> memref<128x128xbf16, #tpu.memory_space<vmem>>
      %dma_start3A_259 = arith.constant 0 : i32
      %dma_start3A_260 = tpu.memref_slice %arg8[%dma_start3A_255, %dma_start3A_259] : memref<2x128xi32, #tpu.memory_space<vmem>> -> memref<1x128xi32, #tpu.memory_space<vmem>>
      %dma_start3A_261 = tpu.memref_squeeze %dma_start3A_260 : memref<1x128xi32, #tpu.memory_space<vmem>> -> memref<128xi32, #tpu.memory_space<vmem>>
      %dma_start3A_262 = arith.constant 0 : i32
      %dma_start3A_263 = arith.constant 0 : i32
      %dma_start3A_264 = tpu.memref_slice %arg12[%dma_start3A_262, %dma_start3A_263] : memref<10240x128xbf16, #tpu.memory_space<vmem_shared>> -> memref<10240x128xbf16, #tpu.memory_space<vmem_shared>>
      tpu.enqueue_indirect_dma source(%dma_start3A_258 : memref<128x128xbf16, #tpu.memory_space<vmem>>) target(%dma_start3A_264 : memref<10240x128xbf16, #tpu.memory_space<vmem_shared>>) offsets(%dma_start3A_261 : memref<128xi32, #tpu.memory_space<vmem>>) semaphore(%arg16 : memref<!tpu.dma_semaphore, #tpu.memory_space<semaphore_mem>>) {add = true}
      %dma_wait3A_265 = arith.constant 0 : i32
      %dma_wait3A_266 = arith.constant 0 : i32
      %dma_wait3A_267 = arith.constant 0 : i32
      %dma_wait3A_268 = tpu.memref_slice %arg10[%dma_wait3A_266, %dma_wait3A_267] : memref<256x128xbf16, #tpu.memory_space<vmem>> -> memref<128x128xbf16, #tpu.memory_space<vmem>>
      %dma_wait3A_269 = arith.constant 0 : i32
      %dma_wait3A_270 = tpu.memref_slice %arg8[%dma_wait3A_265, %dma_wait3A_269] : memref<2x128xi32, #tpu.memory_space<vmem>> -> memref<1x128xi32, #tpu.memory_space<vmem>>
      %dma_wait3A_271 = tpu.memref_squeeze %dma_wait3A_270 : memref<1x128xi32, #tpu.memory_space<vmem>> -> memref<128xi32, #tpu.memory_space<vmem>>
      %dma_wait3A_272 = arith.constant 0 : i32
      %dma_wait3A_273 = arith.constant 0 : i32
      %dma_wait3A_274 = tpu.memref_slice %arg12[%dma_wait3A_272, %dma_wait3A_273] : memref<10240x128xbf16, #tpu.memory_space<vmem_shared>> -> memref<10240x128xbf16, #tpu.memory_space<vmem_shared>>
      tpu.wait_indirect_dma semaphore(%arg16 : memref<!tpu.dma_semaphore, #tpu.memory_space<semaphore_mem>>) src(%dma_wait3A_268 : memref<128x128xbf16, #tpu.memory_space<vmem>>) dst(%dma_wait3A_274 : memref<10240x128xbf16, #tpu.memory_space<vmem_shared>>)
      %dma_wait3A_275 = arith.constant 1 : i32
      %dma_wait3A_276 = arith.constant 128 : i32
      %dma_wait3A_277 = arith.constant 0 : i32
      %dma_wait3A_278 = tpu.memref_slice %arg10[%dma_wait3A_276, %dma_wait3A_277] : memref<256x128xbf16, #tpu.memory_space<vmem>> -> memref<128x128xbf16, #tpu.memory_space<vmem>>
      %dma_wait3A_279 = arith.constant 0 : i32
      %dma_wait3A_280 = tpu.memref_slice %arg8[%dma_wait3A_275, %dma_wait3A_279] : memref<2x128xi32, #tpu.memory_space<vmem>> -> memref<1x128xi32, #tpu.memory_space<vmem>>
      %dma_wait3A_281 = tpu.memref_squeeze %dma_wait3A_280 : memref<1x128xi32, #tpu.memory_space<vmem>> -> memref<128xi32, #tpu.memory_space<vmem>>
      %dma_wait3A_282 = arith.constant 0 : i32
      %dma_wait3A_283 = arith.constant 0 : i32
      %dma_wait3A_284 = tpu.memref_slice %arg12[%dma_wait3A_282, %dma_wait3A_283] : memref<10240x128xbf16, #tpu.memory_space<vmem_shared>> -> memref<10240x128xbf16, #tpu.memory_space<vmem_shared>>
      tpu.wait_indirect_dma semaphore(%arg16 : memref<!tpu.dma_semaphore, #tpu.memory_space<semaphore_mem>>) src(%dma_wait3A_278 : memref<128x128xbf16, #tpu.memory_space<vmem>>) dst(%dma_wait3A_284 : memref<10240x128xbf16, #tpu.memory_space<vmem_shared>>)
      %add3A_285 = arith.constant 2 : i32
      %add3A_286 = arith.addi %mul3A_140, %add3A_285 : i32
      %mul3A_287 = arith.constant 2 : i32
      %mul3A_288 = arith.muli %add3A_286, %mul3A_287 : i32
      %add3A_289 = arith.addi %mul3A_8, %mul3A_288 : i32
      %dma_start3A_290 = arith.constant 1 : i32
      %dma_start3A_291 = arith.constant 0 : i32
      %dma_start3A_292 = tpu.memref_slice %arg3[%dma_start3A_290, %add3A_289, %dma_start3A_291] : memref<2x2564x128xi32, #tpu.memory_space<hbm>> -> memref<1x2x128xi32, #tpu.memory_space<hbm>>
      %dma_start3A_293 = tpu.memref_squeeze %dma_start3A_292 : memref<1x2x128xi32, #tpu.memory_space<hbm>> -> memref<2x128xi32, #tpu.memory_space<hbm>>
      %dma_start3A_294 = arith.constant 0 : i32
      %dma_start3A_295 = tpu.memref_slice %arg3[%dma_start3A_290, %add3A_289, %dma_start3A_294] : memref<2x2564x128xi32, #tpu.memory_space<hbm>> -> memref<1x2x128xi32, #tpu.memory_space<hbm>>
      %dma_start3A_296 = tpu.memref_squeeze %dma_start3A_295 : memref<1x2x128xi32, #tpu.memory_space<hbm>> -> memref<2x128xi32, #tpu.memory_space<hbm>>
      tpu.enqueue_dma source(%dma_start3A_296 : memref<2x128xi32, #tpu.memory_space<hbm>>) target(%arg8 : memref<2x128xi32, #tpu.memory_space<vmem>>) target_semaphore(%arg20 : memref<!tpu.dma_semaphore, #tpu.memory_space<semaphore_mem>>)
      %add3A_297 = arith.constant 2 : i32
      %add3A_298 = arith.addi %mul3A_140, %add3A_297 : i32
      %mul3A_299 = arith.constant 2 : i32
      %mul3A_300 = arith.muli %add3A_298, %mul3A_299 : i32
      %add3A_301 = arith.addi %mul3A_8, %mul3A_300 : i32
      %dma_wait3A_302 = arith.constant 0 : i32
      %dma_wait3A_303 = arith.constant 0 : i32
      %dma_wait3A_304 = tpu.memref_slice %arg3[%dma_wait3A_302, %add3A_301, %dma_wait3A_303] : memref<2x2564x128xi32, #tpu.memory_space<hbm>> -> memref<1x2x128xi32, #tpu.memory_space<hbm>>
      %dma_wait3A_305 = tpu.memref_squeeze %dma_wait3A_304 : memref<1x2x128xi32, #tpu.memory_space<hbm>> -> memref<2x128xi32, #tpu.memory_space<hbm>>
      %dma_wait3A_306 = arith.constant 0 : i32
      %dma_wait3A_307 = tpu.memref_slice %arg3[%dma_wait3A_302, %add3A_301, %dma_wait3A_306] : memref<2x2564x128xi32, #tpu.memory_space<hbm>> -> memref<1x2x128xi32, #tpu.memory_space<hbm>>
      %dma_wait3A_308 = tpu.memref_squeeze %dma_wait3A_307 : memref<1x2x128xi32, #tpu.memory_space<hbm>> -> memref<2x128xi32, #tpu.memory_space<hbm>>
      tpu.wait_dma2 semaphore(%arg18 : memref<!tpu.dma_semaphore, #tpu.memory_space<semaphore_mem>>) src(%dma_wait3A_308 : memref<2x128xi32, #tpu.memory_space<hbm>>) dst(%arg6 : memref<2x128xi32, #tpu.memory_space<vmem>>)
      %dma_start3A_309 = arith.constant 0 : i32
      %dma_start3A_310 = arith.constant 0 : i32
      %dma_start3A_311 = arith.constant 0 : i32
      %dma_start3A_312 = tpu.memref_slice %arg10[%dma_start3A_310, %dma_start3A_311] : memref<256x128xbf16, #tpu.memory_space<vmem>> -> memref<128x128xbf16, #tpu.memory_space<vmem>>
      %dma_start3A_313 = arith.constant 0 : i32
      %dma_start3A_314 = tpu.memref_slice %arg6[%dma_start3A_309, %dma_start3A_313] : memref<2x128xi32, #tpu.memory_space<vmem>> -> memref<1x128xi32, #tpu.memory_space<vmem>>
      %dma_start3A_315 = tpu.memref_squeeze %dma_start3A_314 : memref<1x128xi32, #tpu.memory_space<vmem>> -> memref<128xi32, #tpu.memory_space<vmem>>
      %dma_start3A_316 = arith.constant 0 : i32
      %dma_start3A_317 = arith.constant 0 : i32
      %dma_start3A_318 = tpu.memref_slice %arg13[%dma_start3A_316, %dma_start3A_317] : memref<10240x128xbf16, #tpu.memory_space<vmem_shared>> -> memref<10240x128xbf16, #tpu.memory_space<vmem_shared>>
      tpu.enqueue_indirect_dma source(%dma_start3A_318 : memref<10240x128xbf16, #tpu.memory_space<vmem_shared>>) target(%dma_start3A_312 : memref<128x128xbf16, #tpu.memory_space<vmem>>) offsets(%dma_start3A_315 : memref<128xi32, #tpu.memory_space<vmem>>) semaphore(%arg14 : memref<!tpu.dma_semaphore, #tpu.memory_space<semaphore_mem>>)
      %dma_start3A_319 = arith.constant 1 : i32
      %dma_start3A_320 = arith.constant 128 : i32
      %dma_start3A_321 = arith.constant 0 : i32
      %dma_start3A_322 = tpu.memref_slice %arg10[%dma_start3A_320, %dma_start3A_321] : memref<256x128xbf16, #tpu.memory_space<vmem>> -> memref<128x128xbf16, #tpu.memory_space<vmem>>
      %dma_start3A_323 = arith.constant 0 : i32
      %dma_start3A_324 = tpu.memref_slice %arg6[%dma_start3A_319, %dma_start3A_323] : memref<2x128xi32, #tpu.memory_space<vmem>> -> memref<1x128xi32, #tpu.memory_space<vmem>>
      %dma_start3A_325 = tpu.memref_squeeze %dma_start3A_324 : memref<1x128xi32, #tpu.memory_space<vmem>> -> memref<128xi32, #tpu.memory_space<vmem>>
      %dma_start3A_326 = arith.constant 0 : i32
      %dma_start3A_327 = arith.constant 0 : i32
      %dma_start3A_328 = tpu.memref_slice %arg13[%dma_start3A_326, %dma_start3A_327] : memref<10240x128xbf16, #tpu.memory_space<vmem_shared>> -> memref<10240x128xbf16, #tpu.memory_space<vmem_shared>>
      tpu.enqueue_indirect_dma source(%dma_start3A_328 : memref<10240x128xbf16, #tpu.memory_space<vmem_shared>>) target(%dma_start3A_322 : memref<128x128xbf16, #tpu.memory_space<vmem>>) offsets(%dma_start3A_325 : memref<128xi32, #tpu.memory_space<vmem>>) semaphore(%arg14 : memref<!tpu.dma_semaphore, #tpu.memory_space<semaphore_mem>>)
      %dma_wait3A_329 = arith.constant 0 : i32
      %dma_wait3A_330 = arith.constant 0 : i32
      %dma_wait3A_331 = arith.constant 0 : i32
      %dma_wait3A_332 = tpu.memref_slice %arg11[%dma_wait3A_330, %dma_wait3A_331] : memref<256x128xbf16, #tpu.memory_space<vmem>> -> memref<128x128xbf16, #tpu.memory_space<vmem>>
      %dma_wait3A_333 = arith.constant 0 : i32
      %dma_wait3A_334 = tpu.memref_slice %arg7[%dma_wait3A_329, %dma_wait3A_333] : memref<2x128xi32, #tpu.memory_space<vmem>> -> memref<1x128xi32, #tpu.memory_space<vmem>>
      %dma_wait3A_335 = tpu.memref_squeeze %dma_wait3A_334 : memref<1x128xi32, #tpu.memory_space<vmem>> -> memref<128xi32, #tpu.memory_space<vmem>>
      %dma_wait3A_336 = arith.constant 0 : i32
      %dma_wait3A_337 = arith.constant 0 : i32
      %dma_wait3A_338 = tpu.memref_slice %arg13[%dma_wait3A_336, %dma_wait3A_337] : memref<10240x128xbf16, #tpu.memory_space<vmem_shared>> -> memref<10240x128xbf16, #tpu.memory_space<vmem_shared>>
      tpu.wait_indirect_dma semaphore(%arg15 : memref<!tpu.dma_semaphore, #tpu.memory_space<semaphore_mem>>) src(%dma_wait3A_338 : memref<10240x128xbf16, #tpu.memory_space<vmem_shared>>) dst(%dma_wait3A_332 : memref<128x128xbf16, #tpu.memory_space<vmem>>)
      %dma_wait3A_339 = arith.constant 1 : i32
      %dma_wait3A_340 = arith.constant 128 : i32
      %dma_wait3A_341 = arith.constant 0 : i32
      %dma_wait3A_342 = tpu.memref_slice %arg11[%dma_wait3A_340, %dma_wait3A_341] : memref<256x128xbf16, #tpu.memory_space<vmem>> -> memref<128x128xbf16, #tpu.memory_space<vmem>>
      %dma_wait3A_343 = arith.constant 0 : i32
      %dma_wait3A_344 = tpu.memref_slice %arg7[%dma_wait3A_339, %dma_wait3A_343] : memref<2x128xi32, #tpu.memory_space<vmem>> -> memref<1x128xi32, #tpu.memory_space<vmem>>
      %dma_wait3A_345 = tpu.memref_squeeze %dma_wait3A_344 : memref<1x128xi32, #tpu.memory_space<vmem>> -> memref<128xi32, #tpu.memory_space<vmem>>
      %dma_wait3A_346 = arith.constant 0 : i32
      %dma_wait3A_347 = arith.constant 0 : i32
      %dma_wait3A_348 = tpu.memref_slice %arg13[%dma_wait3A_346, %dma_wait3A_347] : memref<10240x128xbf16, #tpu.memory_space<vmem_shared>> -> memref<10240x128xbf16, #tpu.memory_space<vmem_shared>>
      tpu.wait_indirect_dma semaphore(%arg15 : memref<!tpu.dma_semaphore, #tpu.memory_space<semaphore_mem>>) src(%dma_wait3A_348 : memref<10240x128xbf16, #tpu.memory_space<vmem_shared>>) dst(%dma_wait3A_342 : memref<128x128xbf16, #tpu.memory_space<vmem>>)
      %add3A_349 = arith.constant 2 : i32
      %add3A_350 = arith.addi %add3A_142, %add3A_349 : i32
      %mul3A_351 = arith.constant 2 : i32
      %mul3A_352 = arith.muli %add3A_350, %mul3A_351 : i32
      %add3A_353 = arith.addi %mul3A_8, %mul3A_352 : i32
      %dma_start3A_354 = arith.constant 0 : i32
      %dma_start3A_355 = arith.constant 0 : i32
      %dma_start3A_356 = tpu.memref_slice %arg3[%dma_start3A_354, %add3A_353, %dma_start3A_355] : memref<2x2564x128xi32, #tpu.memory_space<hbm>> -> memref<1x2x128xi32, #tpu.memory_space<hbm>>
      %dma_start3A_357 = tpu.memref_squeeze %dma_start3A_356 : memref<1x2x128xi32, #tpu.memory_space<hbm>> -> memref<2x128xi32, #tpu.memory_space<hbm>>
      %dma_start3A_358 = arith.constant 0 : i32
      %dma_start3A_359 = tpu.memref_slice %arg3[%dma_start3A_354, %add3A_353, %dma_start3A_358] : memref<2x2564x128xi32, #tpu.memory_space<hbm>> -> memref<1x2x128xi32, #tpu.memory_space<hbm>>
      %dma_start3A_360 = tpu.memref_squeeze %dma_start3A_359 : memref<1x2x128xi32, #tpu.memory_space<hbm>> -> memref<2x128xi32, #tpu.memory_space<hbm>>
      tpu.enqueue_dma source(%dma_start3A_360 : memref<2x128xi32, #tpu.memory_space<hbm>>) target(%arg7 : memref<2x128xi32, #tpu.memory_space<vmem>>) target_semaphore(%arg19 : memref<!tpu.dma_semaphore, #tpu.memory_space<semaphore_mem>>)
      %mul3A_361 = arith.constant 2 : i32
      %mul3A_362 = arith.muli %add3A_142, %mul3A_361 : i32
      %add3A_363 = arith.addi %mul3A_8, %mul3A_362 : i32
      %dma_wait3A_364 = arith.constant 1 : i32
      %dma_wait3A_365 = arith.constant 0 : i32
      %dma_wait3A_366 = tpu.memref_slice %arg3[%dma_wait3A_364, %add3A_363, %dma_wait3A_365] : memref<2x2564x128xi32, #tpu.memory_space<hbm>> -> memref<1x2x128xi32, #tpu.memory_space<hbm>>
      %dma_wait3A_367 = tpu.memref_squeeze %dma_wait3A_366 : memref<1x2x128xi32, #tpu.memory_space<hbm>> -> memref<2x128xi32, #tpu.memory_space<hbm>>
      %dma_wait3A_368 = arith.constant 0 : i32
      %dma_wait3A_369 = tpu.memref_slice %arg3[%dma_wait3A_364, %add3A_363, %dma_wait3A_368] : memref<2x2564x128xi32, #tpu.memory_space<hbm>> -> memref<1x2x128xi32, #tpu.memory_space<hbm>>
      %dma_wait3A_370 = tpu.memref_squeeze %dma_wait3A_369 : memref<1x2x128xi32, #tpu.memory_space<hbm>> -> memref<2x128xi32, #tpu.memory_space<hbm>>
      tpu.wait_dma2 semaphore(%arg21 : memref<!tpu.dma_semaphore, #tpu.memory_space<semaphore_mem>>) src(%dma_wait3A_370 : memref<2x128xi32, #tpu.memory_space<hbm>>) dst(%arg9 : memref<2x128xi32, #tpu.memory_space<vmem>>)
      %dma_start3A_371 = arith.constant 0 : i32
      %dma_start3A_372 = arith.constant 0 : i32
      %dma_start3A_373 = arith.constant 0 : i32
      %dma_start3A_374 = tpu.memref_slice %arg11[%dma_start3A_372, %dma_start3A_373] : memref<256x128xbf16, #tpu.memory_space<vmem>> -> memref<128x128xbf16, #tpu.memory_space<vmem>>
      %dma_start3A_375 = arith.constant 0 : i32
      %dma_start3A_376 = tpu.memref_slice %arg9[%dma_start3A_371, %dma_start3A_375] : memref<2x128xi32, #tpu.memory_space<vmem>> -> memref<1x128xi32, #tpu.memory_space<vmem>>
      %dma_start3A_377 = tpu.memref_squeeze %dma_start3A_376 : memref<1x128xi32, #tpu.memory_space<vmem>> -> memref<128xi32, #tpu.memory_space<vmem>>
      %dma_start3A_378 = arith.constant 0 : i32
      %dma_start3A_379 = arith.constant 0 : i32
      %dma_start3A_380 = tpu.memref_slice %arg12[%dma_start3A_378, %dma_start3A_379] : memref<10240x128xbf16, #tpu.memory_space<vmem_shared>> -> memref<10240x128xbf16, #tpu.memory_space<vmem_shared>>
      tpu.enqueue_indirect_dma source(%dma_start3A_374 : memref<128x128xbf16, #tpu.memory_space<vmem>>) target(%dma_start3A_380 : memref<10240x128xbf16, #tpu.memory_space<vmem_shared>>) offsets(%dma_start3A_377 : memref<128xi32, #tpu.memory_space<vmem>>) semaphore(%arg17 : memref<!tpu.dma_semaphore, #tpu.memory_space<semaphore_mem>>) {add = true}
      %dma_start3A_381 = arith.constant 1 : i32
      %dma_start3A_382 = arith.constant 128 : i32
      %dma_start3A_383 = arith.constant 0 : i32
      %dma_start3A_384 = tpu.memref_slice %arg11[%dma_start3A_382, %dma_start3A_383] : memref<256x128xbf16, #tpu.memory_space<vmem>> -> memref<128x128xbf16, #tpu.memory_space<vmem>>
      %dma_start3A_385 = arith.constant 0 : i32
      %dma_start3A_386 = tpu.memref_slice %arg9[%dma_start3A_381, %dma_start3A_385] : memref<2x128xi32, #tpu.memory_space<vmem>> -> memref<1x128xi32, #tpu.memory_space<vmem>>
      %dma_start3A_387 = tpu.memref_squeeze %dma_start3A_386 : memref<1x128xi32, #tpu.memory_space<vmem>> -> memref<128xi32, #tpu.memory_space<vmem>>
      %dma_start3A_388 = arith.constant 0 : i32
      %dma_start3A_389 = arith.constant 0 : i32
      %dma_start3A_390 = tpu.memref_slice %arg12[%dma_start3A_388, %dma_start3A_389] : memref<10240x128xbf16, #tpu.memory_space<vmem_shared>> -> memref<10240x128xbf16, #tpu.memory_space<vmem_shared>>
      tpu.enqueue_indirect_dma source(%dma_start3A_384 : memref<128x128xbf16, #tpu.memory_space<vmem>>) target(%dma_start3A_390 : memref<10240x128xbf16, #tpu.memory_space<vmem_shared>>) offsets(%dma_start3A_387 : memref<128xi32, #tpu.memory_space<vmem>>) semaphore(%arg17 : memref<!tpu.dma_semaphore, #tpu.memory_space<semaphore_mem>>) {add = true}
    }
    %scan3A_75 = arith.constant 20 : i32
    %dma_wait3A = arith.constant 0 : i32
    %dma_wait3A_76 = arith.constant 0 : i32
    %dma_wait3A_77 = arith.constant 0 : i32
    %dma_wait3A_78 = tpu.memref_slice %arg10[%dma_wait3A_76, %dma_wait3A_77] : memref<256x128xbf16, #tpu.memory_space<vmem>> -> memref<128x128xbf16, #tpu.memory_space<vmem>>
    %dma_wait3A_79 = arith.constant 0 : i32
    %dma_wait3A_80 = tpu.memref_slice %arg6[%dma_wait3A, %dma_wait3A_79] : memref<2x128xi32, #tpu.memory_space<vmem>> -> memref<1x128xi32, #tpu.memory_space<vmem>>
    %dma_wait3A_81 = tpu.memref_squeeze %dma_wait3A_80 : memref<1x128xi32, #tpu.memory_space<vmem>> -> memref<128xi32, #tpu.memory_space<vmem>>
    %dma_wait3A_82 = arith.constant 0 : i32
    %dma_wait3A_83 = arith.constant 0 : i32
    %dma_wait3A_84 = tpu.memref_slice %arg13[%dma_wait3A_82, %dma_wait3A_83] : memref<10240x128xbf16, #tpu.memory_space<vmem_shared>> -> memref<10240x128xbf16, #tpu.memory_space<vmem_shared>>
    tpu.wait_indirect_dma semaphore(%arg14 : memref<!tpu.dma_semaphore, #tpu.memory_space<semaphore_mem>>) src(%dma_wait3A_84 : memref<10240x128xbf16, #tpu.memory_space<vmem_shared>>) dst(%dma_wait3A_78 : memref<128x128xbf16, #tpu.memory_space<vmem>>)
    %dma_wait3A_85 = arith.constant 1 : i32
    %dma_wait3A_86 = arith.constant 128 : i32
    %dma_wait3A_87 = arith.constant 0 : i32
    %dma_wait3A_88 = tpu.memref_slice %arg10[%dma_wait3A_86, %dma_wait3A_87] : memref<256x128xbf16, #tpu.memory_space<vmem>> -> memref<128x128xbf16, #tpu.memory_space<vmem>>
    %dma_wait3A_89 = arith.constant 0 : i32
    %dma_wait3A_90 = tpu.memref_slice %arg6[%dma_wait3A_85, %dma_wait3A_89] : memref<2x128xi32, #tpu.memory_space<vmem>> -> memref<1x128xi32, #tpu.memory_space<vmem>>
    %dma_wait3A_91 = tpu.memref_squeeze %dma_wait3A_90 : memref<1x128xi32, #tpu.memory_space<vmem>> -> memref<128xi32, #tpu.memory_space<vmem>>
    %dma_wait3A_92 = arith.constant 0 : i32
    %dma_wait3A_93 = arith.constant 0 : i32
    %dma_wait3A_94 = tpu.memref_slice %arg13[%dma_wait3A_92, %dma_wait3A_93] : memref<10240x128xbf16, #tpu.memory_space<vmem_shared>> -> memref<10240x128xbf16, #tpu.memory_space<vmem_shared>>
    tpu.wait_indirect_dma semaphore(%arg14 : memref<!tpu.dma_semaphore, #tpu.memory_space<semaphore_mem>>) src(%dma_wait3A_94 : memref<10240x128xbf16, #tpu.memory_space<vmem_shared>>) dst(%dma_wait3A_88 : memref<128x128xbf16, #tpu.memory_space<vmem>>)
    %dma_wait3A_95 = arith.constant 0 : i32
    %dma_wait3A_96 = arith.constant 0 : i32
    %dma_wait3A_97 = arith.constant 0 : i32
    %dma_wait3A_98 = tpu.memref_slice %arg11[%dma_wait3A_96, %dma_wait3A_97] : memref<256x128xbf16, #tpu.memory_space<vmem>> -> memref<128x128xbf16, #tpu.memory_space<vmem>>
    %dma_wait3A_99 = arith.constant 0 : i32
    %dma_wait3A_100 = tpu.memref_slice %arg9[%dma_wait3A_95, %dma_wait3A_99] : memref<2x128xi32, #tpu.memory_space<vmem>> -> memref<1x128xi32, #tpu.memory_space<vmem>>
    %dma_wait3A_101 = tpu.memref_squeeze %dma_wait3A_100 : memref<1x128xi32, #tpu.memory_space<vmem>> -> memref<128xi32, #tpu.memory_space<vmem>>
    %dma_wait3A_102 = arith.constant 0 : i32
    %dma_wait3A_103 = arith.constant 0 : i32
    %dma_wait3A_104 = tpu.memref_slice %arg12[%dma_wait3A_102, %dma_wait3A_103] : memref<10240x128xbf16, #tpu.memory_space<vmem_shared>> -> memref<10240x128xbf16, #tpu.memory_space<vmem_shared>>
    tpu.wait_indirect_dma semaphore(%arg17 : memref<!tpu.dma_semaphore, #tpu.memory_space<semaphore_mem>>) src(%dma_wait3A_98 : memref<128x128xbf16, #tpu.memory_space<vmem>>) dst(%dma_wait3A_104 : memref<10240x128xbf16, #tpu.memory_space<vmem_shared>>)
    %dma_wait3A_105 = arith.constant 1 : i32
    %dma_wait3A_106 = arith.constant 128 : i32
    %dma_wait3A_107 = arith.constant 0 : i32
    %dma_wait3A_108 = tpu.memref_slice %arg11[%dma_wait3A_106, %dma_wait3A_107] : memref<256x128xbf16, #tpu.memory_space<vmem>> -> memref<128x128xbf16, #tpu.memory_space<vmem>>
    %dma_wait3A_109 = arith.constant 0 : i32
    %dma_wait3A_110 = tpu.memref_slice %arg9[%dma_wait3A_105, %dma_wait3A_109] : memref<2x128xi32, #tpu.memory_space<vmem>> -> memref<1x128xi32, #tpu.memory_space<vmem>>
    %dma_wait3A_111 = tpu.memref_squeeze %dma_wait3A_110 : memref<1x128xi32, #tpu.memory_space<vmem>> -> memref<128xi32, #tpu.memory_space<vmem>>
    %dma_wait3A_112 = arith.constant 0 : i32
    %dma_wait3A_113 = arith.constant 0 : i32
    %dma_wait3A_114 = tpu.memref_slice %arg12[%dma_wait3A_112, %dma_wait3A_113] : memref<10240x128xbf16, #tpu.memory_space<vmem_shared>> -> memref<10240x128xbf16, #tpu.memory_space<vmem_shared>>
    tpu.wait_indirect_dma semaphore(%arg17 : memref<!tpu.dma_semaphore, #tpu.memory_space<semaphore_mem>>) src(%dma_wait3A_108 : memref<128x128xbf16, #tpu.memory_space<vmem>>) dst(%dma_wait3A_114 : memref<10240x128xbf16, #tpu.memory_space<vmem_shared>>)
    %add3A_115 = arith.constant 0 : i32
    %add3A_116 = arith.addi %mul3A_8, %add3A_115 : i32
    %dma_wait3A_117 = arith.constant 0 : i32
    %dma_wait3A_118 = arith.constant 0 : i32
    %dma_wait3A_119 = tpu.memref_slice %arg3[%dma_wait3A_117, %add3A_116, %dma_wait3A_118] : memref<2x2564x128xi32, #tpu.memory_space<hbm>> -> memref<1x2x128xi32, #tpu.memory_space<hbm>>
    %dma_wait3A_120 = tpu.memref_squeeze %dma_wait3A_119 : memref<1x2x128xi32, #tpu.memory_space<hbm>> -> memref<2x128xi32, #tpu.memory_space<hbm>>
    %dma_wait3A_121 = arith.constant 0 : i32
    %dma_wait3A_122 = tpu.memref_slice %arg3[%dma_wait3A_117, %add3A_116, %dma_wait3A_121] : memref<2x2564x128xi32, #tpu.memory_space<hbm>> -> memref<1x2x128xi32, #tpu.memory_space<hbm>>
    %dma_wait3A_123 = tpu.memref_squeeze %dma_wait3A_122 : memref<1x2x128xi32, #tpu.memory_space<hbm>> -> memref<2x128xi32, #tpu.memory_space<hbm>>
    tpu.wait_dma2 semaphore(%arg19 : memref<!tpu.dma_semaphore, #tpu.memory_space<semaphore_mem>>) src(%dma_wait3A_123 : memref<2x128xi32, #tpu.memory_space<hbm>>) dst(%arg7 : memref<2x128xi32, #tpu.memory_space<vmem>>)
    %add3A_124 = arith.constant 0 : i32
    %add3A_125 = arith.addi %mul3A_8, %add3A_124 : i32
    %dma_wait3A_126 = arith.constant 1 : i32
    %dma_wait3A_127 = arith.constant 0 : i32
    %dma_wait3A_128 = tpu.memref_slice %arg3[%dma_wait3A_126, %add3A_125, %dma_wait3A_127] : memref<2x2564x128xi32, #tpu.memory_space<hbm>> -> memref<1x2x128xi32, #tpu.memory_space<hbm>>
    %dma_wait3A_129 = tpu.memref_squeeze %dma_wait3A_128 : memref<1x2x128xi32, #tpu.memory_space<hbm>> -> memref<2x128xi32, #tpu.memory_space<hbm>>
    %dma_wait3A_130 = arith.constant 0 : i32
    %dma_wait3A_131 = tpu.memref_slice %arg3[%dma_wait3A_126, %add3A_125, %dma_wait3A_130] : memref<2x2564x128xi32, #tpu.memory_space<hbm>> -> memref<1x2x128xi32, #tpu.memory_space<hbm>>
    %dma_wait3A_132 = tpu.memref_squeeze %dma_wait3A_131 : memref<1x2x128xi32, #tpu.memory_space<hbm>> -> memref<2x128xi32, #tpu.memory_space<hbm>>
    tpu.wait_dma2 semaphore(%arg20 : memref<!tpu.dma_semaphore, #tpu.memory_space<semaphore_mem>>) src(%dma_wait3A_132 : memref<2x128xi32, #tpu.memory_space<hbm>>) dst(%arg8 : memref<2x128xi32, #tpu.memory_space<vmem>>)
    %barrier3A_133 = arith.constant 0 : index
    tpu.barrier barrier_id(%barrier3A_133)
    %mul3A_134 = arith.constant 640 : i32
    %mul3A_135 = arith.muli %arg1, %mul3A_134 : i32
    %mul3A_136 = arith.constant 640 : i32
    %mul3A_137 = arith.muli %arg1, %mul3A_136 : i32
    "tpu.region"() ({
      %run_scoped3A_138 = tpu.sem_alloc : memref<!tpu.dma_semaphore, #tpu.memory_space<semaphore_mem>>
      %dma_start3A_139 = arith.constant 0 : i32
      %dma_start3A_140 = tpu.memref_slice %arg5[%arg0, %mul3A_137, %dma_start3A_139] : memref<2x10240x128xbf16, #tpu.memory_space<hbm>> -> memref<1x640x128xbf16, #tpu.memory_space<hbm>>
      %dma_start3A_141 = tpu.memref_squeeze %dma_start3A_140 : memref<1x640x128xbf16, #tpu.memory_space<hbm>> -> memref<640x128xbf16, #tpu.memory_space<hbm>>
      %dma_start3A_142 = arith.constant 0 : i32
      %dma_start3A_143 = tpu.memref_slice %arg12[%mul3A_135, %dma_start3A_142] : memref<10240x128xbf16, #tpu.memory_space<vmem_shared>> -> memref<640x128xbf16, #tpu.memory_space<vmem_shared>>
      tpu.enqueue_dma source(%dma_start3A_143 : memref<640x128xbf16, #tpu.memory_space<vmem_shared>>) target(%dma_start3A_141 : memref<640x128xbf16, #tpu.memory_space<hbm>>) target_semaphore(%run_scoped3A_138 : memref<!tpu.dma_semaphore, #tpu.memory_space<semaphore_mem>>)
      %dma_wait3A_144 = arith.constant 0 : i32
      %dma_wait3A_145 = tpu.memref_slice %arg5[%arg0, %mul3A_137, %dma_wait3A_144] : memref<2x10240x128xbf16, #tpu.memory_space<hbm>> -> memref<1x640x128xbf16, #tpu.memory_space<hbm>>
      %dma_wait3A_146 = tpu.memref_squeeze %dma_wait3A_145 : memref<1x640x128xbf16, #tpu.memory_space<hbm>> -> memref<640x128xbf16, #tpu.memory_space<hbm>>
      %dma_wait3A_147 = arith.constant 0 : i32
      %dma_wait3A_148 = tpu.memref_slice %arg12[%mul3A_135, %dma_wait3A_147] : memref<10240x128xbf16, #tpu.memory_space<vmem_shared>> -> memref<640x128xbf16, #tpu.memory_space<vmem_shared>>
      tpu.wait_dma2 semaphore(%run_scoped3A_138 : memref<!tpu.dma_semaphore, #tpu.memory_space<semaphore_mem>>) src(%dma_wait3A_148 : memref<640x128xbf16, #tpu.memory_space<vmem_shared>>) dst(%dma_wait3A_146 : memref<640x128xbf16, #tpu.memory_space<hbm>>)
      tpu.yield
    }) : () -> ()
    return
  }
}

#map = affine_map<(d0, d1) -> (0, 0)>
#map1 = affine_map<(d0, d1) -> (0, 0, 0)>
module attributes {stable_mosaic.version = 14 : i64} {
  func.func @body(%arg0: i32, %arg1: i32, %arg2: memref<10240x128xbf16, #tpu.memory_space<hbm>>, %arg3: memref<2x2564x128xi32, #tpu.memory_space<hbm>>, %arg4: memref<640x128xbf16, #tpu.memory_space<hbm>>, %arg5: memref<640x16xf32, #tpu.memory_space<hbm>>, %arg6: memref<128x16xf32, #tpu.memory_space<hbm>>, %arg7: memref<2x10240x128xbf16, #tpu.memory_space<hbm>>, %arg8: memref<2x10240x16xf32, #tpu.memory_space<hbm>>, %arg9: memref<2x128xi32, #tpu.memory_space<vmem>>, %arg10: memref<2x128xi32, #tpu.memory_space<vmem>>, %arg11: memref<2x128xi32, #tpu.memory_space<vmem>>, %arg12: memref<2x128xi32, #tpu.memory_space<vmem>>, %arg13: memref<256x128xbf16, #tpu.memory_space<vmem>>, %arg14: memref<256x128xbf16, #tpu.memory_space<vmem>>, %arg15: memref<10240x128xbf16, #tpu.memory_space<vmem_shared>>, %arg16: memref<10240x128xbf16, #tpu.memory_space<vmem_shared>>, %arg17: memref<!tpu.dma_semaphore, #tpu.memory_space<semaphore_mem>>, %arg18: memref<!tpu.dma_semaphore, #tpu.memory_space<semaphore_mem>>, %arg19: memref<!tpu.dma_semaphore, #tpu.memory_space<semaphore_mem>>, %arg20: memref<!tpu.dma_semaphore, #tpu.memory_space<semaphore_mem>>, %arg21: memref<!tpu.dma_semaphore, #tpu.memory_space<semaphore_mem>>, %arg22: memref<!tpu.dma_semaphore, #tpu.memory_space<semaphore_mem>>, %arg23: memref<!tpu.dma_semaphore, #tpu.memory_space<semaphore_mem>>, %arg24: memref<!tpu.dma_semaphore, #tpu.memory_space<semaphore_mem>>, %arg25: memref<128x16xf32, #tpu.memory_space<vmem>>, %arg26: memref<128x16xf32, #tpu.memory_space<vmem>>, %arg27: memref<10240x16xf32, #tpu.memory_space<vmem_shared>>) attributes {dimension_semantics = [#tpu.dimension_semantics<core_parallel>, #tpu.dimension_semantics<subcore_parallel>], iteration_bounds = array<i64: 2, 16>, scalar_prefetch = 0 : i64, scratch_operands = 19 : i64, tpu.core_type = #tpu.core_type<sc_vector_subcore>, window_params = [{transform_indices = #map}, {transform_indices = #map1}, {transform_indices = #map}, {transform_indices = #map}, {transform_indices = #map}, {transform_indices = #map1}, {transform_indices = #map1}]} {
    %mul3A = arith.constant 16 : i32
    %mul3A_0 = arith.muli %arg0, %mul3A : i32
    %add3A = arith.addi %mul3A_0, %arg1 : i32
    %mul3A_1 = arith.constant 640 : i32
    %mul3A_2 = arith.muli %arg1, %mul3A_1 : i32
    %mul3A_3 = arith.constant 640 : i32
    %mul3A_4 = arith.muli %arg1, %mul3A_3 : i32
    "tpu.region"() ({
      %run_scoped3A_172 = tpu.sem_alloc : memref<!tpu.dma_semaphore, #tpu.memory_space<semaphore_mem>>
      %dma_start3A_173 = arith.constant 0 : i32
      %dma_start3A_174 = tpu.memref_slice %arg16[%mul3A_4, %dma_start3A_173] : memref<10240x128xbf16, #tpu.memory_space<vmem_shared>> -> memref<640x128xbf16, #tpu.memory_space<vmem_shared>>
      %dma_start3A_175 = arith.constant 0 : i32
      %dma_start3A_176 = tpu.memref_slice %arg2[%mul3A_2, %dma_start3A_175] : memref<10240x128xbf16, #tpu.memory_space<hbm>> -> memref<640x128xbf16, #tpu.memory_space<hbm>>
      tpu.enqueue_dma source(%dma_start3A_176 : memref<640x128xbf16, #tpu.memory_space<hbm>>) target(%dma_start3A_174 : memref<640x128xbf16, #tpu.memory_space<vmem_shared>>) target_semaphore(%run_scoped3A_172 : memref<!tpu.dma_semaphore, #tpu.memory_space<semaphore_mem>>)
      %dma_wait3A_177 = arith.constant 0 : i32
      %dma_wait3A_178 = tpu.memref_slice %arg16[%mul3A_4, %dma_wait3A_177] : memref<10240x128xbf16, #tpu.memory_space<vmem_shared>> -> memref<640x128xbf16, #tpu.memory_space<vmem_shared>>
      %dma_wait3A_179 = arith.constant 0 : i32
      %dma_wait3A_180 = tpu.memref_slice %arg2[%mul3A_2, %dma_wait3A_179] : memref<10240x128xbf16, #tpu.memory_space<hbm>> -> memref<640x128xbf16, #tpu.memory_space<hbm>>
      tpu.wait_dma2 semaphore(%run_scoped3A_172 : memref<!tpu.dma_semaphore, #tpu.memory_space<semaphore_mem>>) src(%dma_wait3A_180 : memref<640x128xbf16, #tpu.memory_space<hbm>>) dst(%dma_wait3A_178 : memref<640x128xbf16, #tpu.memory_space<vmem_shared>>)
      tpu.yield
    }) : () -> ()
    %mul3A_5 = arith.constant 640 : i32
    %mul3A_6 = arith.muli %arg1, %mul3A_5 : i32
    "tpu.region"() ({
      %run_scoped3A_172 = tpu.sem_alloc : memref<!tpu.dma_semaphore, #tpu.memory_space<semaphore_mem>>
      %dma_start3A_173 = arith.constant 0 : i32
      %dma_start3A_174 = tpu.memref_slice %arg15[%mul3A_6, %dma_start3A_173] : memref<10240x128xbf16, #tpu.memory_space<vmem_shared>> -> memref<640x128xbf16, #tpu.memory_space<vmem_shared>>
      tpu.enqueue_dma source(%arg4 : memref<640x128xbf16, #tpu.memory_space<hbm>>) target(%dma_start3A_174 : memref<640x128xbf16, #tpu.memory_space<vmem_shared>>) target_semaphore(%run_scoped3A_172 : memref<!tpu.dma_semaphore, #tpu.memory_space<semaphore_mem>>)
      %dma_wait3A_175 = arith.constant 0 : i32
      %dma_wait3A_176 = tpu.memref_slice %arg15[%mul3A_6, %dma_wait3A_175] : memref<10240x128xbf16, #tpu.memory_space<vmem_shared>> -> memref<640x128xbf16, #tpu.memory_space<vmem_shared>>
      tpu.wait_dma2 semaphore(%run_scoped3A_172 : memref<!tpu.dma_semaphore, #tpu.memory_space<semaphore_mem>>) src(%arg4 : memref<640x128xbf16, #tpu.memory_space<hbm>>) dst(%dma_wait3A_176 : memref<640x128xbf16, #tpu.memory_space<vmem_shared>>)
      tpu.yield
    }) : () -> ()
    "tpu.region"() ({
      %run_scoped3A_172 = tpu.sem_alloc : memref<!tpu.dma_semaphore, #tpu.memory_space<semaphore_mem>>
      %dma_start3A_173 = arith.constant 0 : i32
      %dma_start3A_174 = arith.constant 0 : i32
      %dma_start3A_175 = tpu.memref_slice %arg4[%dma_start3A_173, %dma_start3A_174] : memref<640x128xbf16, #tpu.memory_space<hbm>> -> memref<256x128xbf16, #tpu.memory_space<hbm>>
      %dma_start3A_176 = arith.constant 0 : i32
      %dma_start3A_177 = arith.constant 0 : i32
      %dma_start3A_178 = tpu.memref_slice %arg4[%dma_start3A_176, %dma_start3A_177] : memref<640x128xbf16, #tpu.memory_space<hbm>> -> memref<256x128xbf16, #tpu.memory_space<hbm>>
      tpu.enqueue_dma source(%dma_start3A_178 : memref<256x128xbf16, #tpu.memory_space<hbm>>) target(%arg14 : memref<256x128xbf16, #tpu.memory_space<vmem>>) target_semaphore(%run_scoped3A_172 : memref<!tpu.dma_semaphore, #tpu.memory_space<semaphore_mem>>)
      %dma_wait3A_179 = arith.constant 0 : i32
      %dma_wait3A_180 = arith.constant 0 : i32
      %dma_wait3A_181 = tpu.memref_slice %arg4[%dma_wait3A_179, %dma_wait3A_180] : memref<640x128xbf16, #tpu.memory_space<hbm>> -> memref<256x128xbf16, #tpu.memory_space<hbm>>
      %dma_wait3A_182 = arith.constant 0 : i32
      %dma_wait3A_183 = arith.constant 0 : i32
      %dma_wait3A_184 = tpu.memref_slice %arg4[%dma_wait3A_182, %dma_wait3A_183] : memref<640x128xbf16, #tpu.memory_space<hbm>> -> memref<256x128xbf16, #tpu.memory_space<hbm>>
      tpu.wait_dma2 semaphore(%run_scoped3A_172 : memref<!tpu.dma_semaphore, #tpu.memory_space<semaphore_mem>>) src(%dma_wait3A_184 : memref<256x128xbf16, #tpu.memory_space<hbm>>) dst(%arg14 : memref<256x128xbf16, #tpu.memory_space<vmem>>)
      tpu.yield
    }) : () -> ()
    %mul3A_7 = arith.constant 640 : i32
    %mul3A_8 = arith.muli %arg1, %mul3A_7 : i32
    "tpu.region"() ({
      %run_scoped3A_172 = tpu.sem_alloc : memref<!tpu.dma_semaphore, #tpu.memory_space<semaphore_mem>>
      %dma_start3A_173 = arith.constant 0 : i32
      %dma_start3A_174 = tpu.memref_slice %arg27[%mul3A_8, %dma_start3A_173] : memref<10240x16xf32, #tpu.memory_space<vmem_shared>> -> memref<640x16xf32, #tpu.memory_space<vmem_shared>>
      tpu.enqueue_dma source(%arg5 : memref<640x16xf32, #tpu.memory_space<hbm>>) target(%dma_start3A_174 : memref<640x16xf32, #tpu.memory_space<vmem_shared>>) target_semaphore(%run_scoped3A_172 : memref<!tpu.dma_semaphore, #tpu.memory_space<semaphore_mem>>)
      %dma_wait3A_175 = arith.constant 0 : i32
      %dma_wait3A_176 = tpu.memref_slice %arg27[%mul3A_8, %dma_wait3A_175] : memref<10240x16xf32, #tpu.memory_space<vmem_shared>> -> memref<640x16xf32, #tpu.memory_space<vmem_shared>>
      tpu.wait_dma2 semaphore(%run_scoped3A_172 : memref<!tpu.dma_semaphore, #tpu.memory_space<semaphore_mem>>) src(%arg5 : memref<640x16xf32, #tpu.memory_space<hbm>>) dst(%dma_wait3A_176 : memref<640x16xf32, #tpu.memory_space<vmem_shared>>)
      tpu.yield
    }) : () -> ()
    "tpu.region"() ({
      %run_scoped3A_172 = tpu.sem_alloc : memref<!tpu.dma_semaphore, #tpu.memory_space<semaphore_mem>>
      tpu.enqueue_dma source(%arg6 : memref<128x16xf32, #tpu.memory_space<hbm>>) target(%arg25 : memref<128x16xf32, #tpu.memory_space<vmem>>) target_semaphore(%run_scoped3A_172 : memref<!tpu.dma_semaphore, #tpu.memory_space<semaphore_mem>>)
      tpu.wait_dma2 semaphore(%run_scoped3A_172 : memref<!tpu.dma_semaphore, #tpu.memory_space<semaphore_mem>>) src(%arg6 : memref<128x16xf32, #tpu.memory_space<hbm>>) dst(%arg25 : memref<128x16xf32, #tpu.memory_space<vmem>>)
      tpu.yield
    }) : () -> ()
    "tpu.region"() ({
      %run_scoped3A_172 = tpu.sem_alloc : memref<!tpu.dma_semaphore, #tpu.memory_space<semaphore_mem>>
      %dma_start3A_173 = arith.constant 0 : i32
      %dma_start3A_174 = arith.constant 0 : i32
      %dma_start3A_175 = tpu.memref_slice %arg5[%dma_start3A_173, %dma_start3A_174] : memref<640x16xf32, #tpu.memory_space<hbm>> -> memref<128x16xf32, #tpu.memory_space<hbm>>
      %dma_start3A_176 = arith.constant 0 : i32
      %dma_start3A_177 = arith.constant 0 : i32
      %dma_start3A_178 = tpu.memref_slice %arg5[%dma_start3A_176, %dma_start3A_177] : memref<640x16xf32, #tpu.memory_space<hbm>> -> memref<128x16xf32, #tpu.memory_space<hbm>>
      tpu.enqueue_dma source(%dma_start3A_178 : memref<128x16xf32, #tpu.memory_space<hbm>>) target(%arg26 : memref<128x16xf32, #tpu.memory_space<vmem>>) target_semaphore(%run_scoped3A_172 : memref<!tpu.dma_semaphore, #tpu.memory_space<semaphore_mem>>)
      %dma_wait3A_179 = arith.constant 0 : i32
      %dma_wait3A_180 = arith.constant 0 : i32
      %dma_wait3A_181 = tpu.memref_slice %arg5[%dma_wait3A_179, %dma_wait3A_180] : memref<640x16xf32, #tpu.memory_space<hbm>> -> memref<128x16xf32, #tpu.memory_space<hbm>>
      %dma_wait3A_182 = arith.constant 0 : i32
      %dma_wait3A_183 = arith.constant 0 : i32
      %dma_wait3A_184 = tpu.memref_slice %arg5[%dma_wait3A_182, %dma_wait3A_183] : memref<640x16xf32, #tpu.memory_space<hbm>> -> memref<128x16xf32, #tpu.memory_space<hbm>>
      tpu.wait_dma2 semaphore(%run_scoped3A_172 : memref<!tpu.dma_semaphore, #tpu.memory_space<semaphore_mem>>) src(%dma_wait3A_184 : memref<128x16xf32, #tpu.memory_space<hbm>>) dst(%arg26 : memref<128x16xf32, #tpu.memory_space<vmem>>)
      tpu.yield
    }) : () -> ()
    %barrier3A = arith.constant 0 : index
    tpu.barrier barrier_id(%barrier3A)
    %mul3A_9 = arith.constant 80 : i32
    %mul3A_10 = arith.muli %add3A, %mul3A_9 : i32
    %add3A_11 = arith.constant 0 : i32
    %add3A_12 = arith.addi %mul3A_10, %add3A_11 : i32
    %run_scoped3A = arith.constant 0 : i32
    "tpu.region"() ({
      %run_scoped3A_172 = tpu.sem_alloc : memref<!tpu.dma_semaphore, #tpu.memory_space<semaphore_mem>>
      %dma_start3A_173 = arith.constant 0 : i32
      %dma_start3A_174 = tpu.memref_slice %arg3[%run_scoped3A, %add3A_12, %dma_start3A_173] : memref<2x2564x128xi32, #tpu.memory_space<hbm>> -> memref<1x2x128xi32, #tpu.memory_space<hbm>>
      %dma_start3A_175 = tpu.memref_squeeze %dma_start3A_174 : memref<1x2x128xi32, #tpu.memory_space<hbm>> -> memref<2x128xi32, #tpu.memory_space<hbm>>
      %dma_start3A_176 = arith.constant 0 : i32
      %dma_start3A_177 = tpu.memref_slice %arg3[%run_scoped3A, %add3A_12, %dma_start3A_176] : memref<2x2564x128xi32, #tpu.memory_space<hbm>> -> memref<1x2x128xi32, #tpu.memory_space<hbm>>
      %dma_start3A_178 = tpu.memref_squeeze %dma_start3A_177 : memref<1x2x128xi32, #tpu.memory_space<hbm>> -> memref<2x128xi32, #tpu.memory_space<hbm>>
      tpu.enqueue_dma source(%dma_start3A_178 : memref<2x128xi32, #tpu.memory_space<hbm>>) target(%arg9 : memref<2x128xi32, #tpu.memory_space<vmem>>) target_semaphore(%run_scoped3A_172 : memref<!tpu.dma_semaphore, #tpu.memory_space<semaphore_mem>>)
      %dma_wait3A_179 = arith.constant 0 : i32
      %dma_wait3A_180 = tpu.memref_slice %arg3[%run_scoped3A, %add3A_12, %dma_wait3A_179] : memref<2x2564x128xi32, #tpu.memory_space<hbm>> -> memref<1x2x128xi32, #tpu.memory_space<hbm>>
      %dma_wait3A_181 = tpu.memref_squeeze %dma_wait3A_180 : memref<1x2x128xi32, #tpu.memory_space<hbm>> -> memref<2x128xi32, #tpu.memory_space<hbm>>
      %dma_wait3A_182 = arith.constant 0 : i32
      %dma_wait3A_183 = tpu.memref_slice %arg3[%run_scoped3A, %add3A_12, %dma_wait3A_182] : memref<2x2564x128xi32, #tpu.memory_space<hbm>> -> memref<1x2x128xi32, #tpu.memory_space<hbm>>
      %dma_wait3A_184 = tpu.memref_squeeze %dma_wait3A_183 : memref<1x2x128xi32, #tpu.memory_space<hbm>> -> memref<2x128xi32, #tpu.memory_space<hbm>>
      tpu.wait_dma2 semaphore(%run_scoped3A_172 : memref<!tpu.dma_semaphore, #tpu.memory_space<semaphore_mem>>) src(%dma_wait3A_184 : memref<2x128xi32, #tpu.memory_space<hbm>>) dst(%arg9 : memref<2x128xi32, #tpu.memory_space<vmem>>)
      tpu.yield
    }) : () -> ()
    %dma_start3A = arith.constant 0 : i32
    %dma_start3A_13 = arith.constant 0 : i32
    %dma_start3A_14 = arith.constant 0 : i32
    %dma_start3A_15 = tpu.memref_slice %arg13[%dma_start3A_13, %dma_start3A_14] : memref<256x128xbf16, #tpu.memory_space<vmem>> -> memref<128x128xbf16, #tpu.memory_space<vmem>>
    %dma_start3A_16 = arith.constant 0 : i32
    %dma_start3A_17 = tpu.memref_slice %arg9[%dma_start3A, %dma_start3A_16] : memref<2x128xi32, #tpu.memory_space<vmem>> -> memref<1x128xi32, #tpu.memory_space<vmem>>
    %dma_start3A_18 = tpu.memref_squeeze %dma_start3A_17 : memref<1x128xi32, #tpu.memory_space<vmem>> -> memref<128xi32, #tpu.memory_space<vmem>>
    %dma_start3A_19 = arith.constant 0 : i32
    %dma_start3A_20 = arith.constant 0 : i32
    %dma_start3A_21 = tpu.memref_slice %arg16[%dma_start3A_19, %dma_start3A_20] : memref<10240x128xbf16, #tpu.memory_space<vmem_shared>> -> memref<10240x128xbf16, #tpu.memory_space<vmem_shared>>
    tpu.enqueue_indirect_dma source(%dma_start3A_21 : memref<10240x128xbf16, #tpu.memory_space<vmem_shared>>) target(%dma_start3A_15 : memref<128x128xbf16, #tpu.memory_space<vmem>>) offsets(%dma_start3A_18 : memref<128xi32, #tpu.memory_space<vmem>>) semaphore(%arg17 : memref<!tpu.dma_semaphore, #tpu.memory_space<semaphore_mem>>)
    %dma_start3A_22 = arith.constant 1 : i32
    %dma_start3A_23 = arith.constant 128 : i32
    %dma_start3A_24 = arith.constant 0 : i32
    %dma_start3A_25 = tpu.memref_slice %arg13[%dma_start3A_23, %dma_start3A_24] : memref<256x128xbf16, #tpu.memory_space<vmem>> -> memref<128x128xbf16, #tpu.memory_space<vmem>>
    %dma_start3A_26 = arith.constant 0 : i32
    %dma_start3A_27 = tpu.memref_slice %arg9[%dma_start3A_22, %dma_start3A_26] : memref<2x128xi32, #tpu.memory_space<vmem>> -> memref<1x128xi32, #tpu.memory_space<vmem>>
    %dma_start3A_28 = tpu.memref_squeeze %dma_start3A_27 : memref<1x128xi32, #tpu.memory_space<vmem>> -> memref<128xi32, #tpu.memory_space<vmem>>
    %dma_start3A_29 = arith.constant 0 : i32
    %dma_start3A_30 = arith.constant 0 : i32
    %dma_start3A_31 = tpu.memref_slice %arg16[%dma_start3A_29, %dma_start3A_30] : memref<10240x128xbf16, #tpu.memory_space<vmem_shared>> -> memref<10240x128xbf16, #tpu.memory_space<vmem_shared>>
    tpu.enqueue_indirect_dma source(%dma_start3A_31 : memref<10240x128xbf16, #tpu.memory_space<vmem_shared>>) target(%dma_start3A_25 : memref<128x128xbf16, #tpu.memory_space<vmem>>) offsets(%dma_start3A_28 : memref<128xi32, #tpu.memory_space<vmem>>) semaphore(%arg17 : memref<!tpu.dma_semaphore, #tpu.memory_space<semaphore_mem>>)
    %add3A_32 = arith.constant 0 : i32
    %add3A_33 = arith.addi %mul3A_10, %add3A_32 : i32
    %dma_start3A_34 = arith.constant 1 : i32
    %dma_start3A_35 = arith.constant 0 : i32
    %dma_start3A_36 = tpu.memref_slice %arg3[%dma_start3A_34, %add3A_33, %dma_start3A_35] : memref<2x2564x128xi32, #tpu.memory_space<hbm>> -> memref<1x2x128xi32, #tpu.memory_space<hbm>>
    %dma_start3A_37 = tpu.memref_squeeze %dma_start3A_36 : memref<1x2x128xi32, #tpu.memory_space<hbm>> -> memref<2x128xi32, #tpu.memory_space<hbm>>
    %dma_start3A_38 = arith.constant 0 : i32
    %dma_start3A_39 = tpu.memref_slice %arg3[%dma_start3A_34, %add3A_33, %dma_start3A_38] : memref<2x2564x128xi32, #tpu.memory_space<hbm>> -> memref<1x2x128xi32, #tpu.memory_space<hbm>>
    %dma_start3A_40 = tpu.memref_squeeze %dma_start3A_39 : memref<1x2x128xi32, #tpu.memory_space<hbm>> -> memref<2x128xi32, #tpu.memory_space<hbm>>
    tpu.enqueue_dma source(%dma_start3A_40 : memref<2x128xi32, #tpu.memory_space<hbm>>) target(%arg11 : memref<2x128xi32, #tpu.memory_space<vmem>>) target_semaphore(%arg23 : memref<!tpu.dma_semaphore, #tpu.memory_space<semaphore_mem>>)
    %add3A_41 = arith.constant 2 : i32
    %add3A_42 = arith.addi %mul3A_10, %add3A_41 : i32
    %dma_start3A_43 = arith.constant 0 : i32
    %dma_start3A_44 = arith.constant 0 : i32
    %dma_start3A_45 = tpu.memref_slice %arg3[%dma_start3A_43, %add3A_42, %dma_start3A_44] : memref<2x2564x128xi32, #tpu.memory_space<hbm>> -> memref<1x2x128xi32, #tpu.memory_space<hbm>>
    %dma_start3A_46 = tpu.memref_squeeze %dma_start3A_45 : memref<1x2x128xi32, #tpu.memory_space<hbm>> -> memref<2x128xi32, #tpu.memory_space<hbm>>
    %dma_start3A_47 = arith.constant 0 : i32
    %dma_start3A_48 = tpu.memref_slice %arg3[%dma_start3A_43, %add3A_42, %dma_start3A_47] : memref<2x2564x128xi32, #tpu.memory_space<hbm>> -> memref<1x2x128xi32, #tpu.memory_space<hbm>>
    %dma_start3A_49 = tpu.memref_squeeze %dma_start3A_48 : memref<1x2x128xi32, #tpu.memory_space<hbm>> -> memref<2x128xi32, #tpu.memory_space<hbm>>
    tpu.enqueue_dma source(%dma_start3A_49 : memref<2x128xi32, #tpu.memory_space<hbm>>) target(%arg10 : memref<2x128xi32, #tpu.memory_space<vmem>>) target_semaphore(%arg22 : memref<!tpu.dma_semaphore, #tpu.memory_space<semaphore_mem>>)
    %add3A_50 = arith.constant 0 : i32
    %add3A_51 = arith.addi %mul3A_10, %add3A_50 : i32
    %run_scoped3A_52 = arith.constant 1 : i32
    "tpu.region"() ({
      %run_scoped3A_172 = tpu.sem_alloc : memref<!tpu.dma_semaphore, #tpu.memory_space<semaphore_mem>>
      %dma_start3A_173 = arith.constant 0 : i32
      %dma_start3A_174 = tpu.memref_slice %arg3[%run_scoped3A_52, %add3A_51, %dma_start3A_173] : memref<2x2564x128xi32, #tpu.memory_space<hbm>> -> memref<1x2x128xi32, #tpu.memory_space<hbm>>
      %dma_start3A_175 = tpu.memref_squeeze %dma_start3A_174 : memref<1x2x128xi32, #tpu.memory_space<hbm>> -> memref<2x128xi32, #tpu.memory_space<hbm>>
      %dma_start3A_176 = arith.constant 0 : i32
      %dma_start3A_177 = tpu.memref_slice %arg3[%run_scoped3A_52, %add3A_51, %dma_start3A_176] : memref<2x2564x128xi32, #tpu.memory_space<hbm>> -> memref<1x2x128xi32, #tpu.memory_space<hbm>>
      %dma_start3A_178 = tpu.memref_squeeze %dma_start3A_177 : memref<1x2x128xi32, #tpu.memory_space<hbm>> -> memref<2x128xi32, #tpu.memory_space<hbm>>
      tpu.enqueue_dma source(%dma_start3A_178 : memref<2x128xi32, #tpu.memory_space<hbm>>) target(%arg12 : memref<2x128xi32, #tpu.memory_space<vmem>>) target_semaphore(%run_scoped3A_172 : memref<!tpu.dma_semaphore, #tpu.memory_space<semaphore_mem>>)
      %dma_wait3A_179 = arith.constant 0 : i32
      %dma_wait3A_180 = tpu.memref_slice %arg3[%run_scoped3A_52, %add3A_51, %dma_wait3A_179] : memref<2x2564x128xi32, #tpu.memory_space<hbm>> -> memref<1x2x128xi32, #tpu.memory_space<hbm>>
      %dma_wait3A_181 = tpu.memref_squeeze %dma_wait3A_180 : memref<1x2x128xi32, #tpu.memory_space<hbm>> -> memref<2x128xi32, #tpu.memory_space<hbm>>
      %dma_wait3A_182 = arith.constant 0 : i32
      %dma_wait3A_183 = tpu.memref_slice %arg3[%run_scoped3A_52, %add3A_51, %dma_wait3A_182] : memref<2x2564x128xi32, #tpu.memory_space<hbm>> -> memref<1x2x128xi32, #tpu.memory_space<hbm>>
      %dma_wait3A_184 = tpu.memref_squeeze %dma_wait3A_183 : memref<1x2x128xi32, #tpu.memory_space<hbm>> -> memref<2x128xi32, #tpu.memory_space<hbm>>
      tpu.wait_dma2 semaphore(%run_scoped3A_172 : memref<!tpu.dma_semaphore, #tpu.memory_space<semaphore_mem>>) src(%dma_wait3A_184 : memref<2x128xi32, #tpu.memory_space<hbm>>) dst(%arg12 : memref<2x128xi32, #tpu.memory_space<vmem>>)
      tpu.yield
    }) : () -> ()
    %dma_start3A_53 = arith.constant 0 : i32
    %dma_start3A_54 = arith.constant 0 : i32
    %dma_start3A_55 = arith.constant 0 : i32
    %dma_start3A_56 = tpu.memref_slice %arg14[%dma_start3A_54, %dma_start3A_55] : memref<256x128xbf16, #tpu.memory_space<vmem>> -> memref<128x128xbf16, #tpu.memory_space<vmem>>
    %dma_start3A_57 = arith.constant 0 : i32
    %dma_start3A_58 = tpu.memref_slice %arg12[%dma_start3A_53, %dma_start3A_57] : memref<2x128xi32, #tpu.memory_space<vmem>> -> memref<1x128xi32, #tpu.memory_space<vmem>>
    %dma_start3A_59 = tpu.memref_squeeze %dma_start3A_58 : memref<1x128xi32, #tpu.memory_space<vmem>> -> memref<128xi32, #tpu.memory_space<vmem>>
    %dma_start3A_60 = arith.constant 0 : i32
    %dma_start3A_61 = arith.constant 0 : i32
    %dma_start3A_62 = tpu.memref_slice %arg15[%dma_start3A_60, %dma_start3A_61] : memref<10240x128xbf16, #tpu.memory_space<vmem_shared>> -> memref<10240x128xbf16, #tpu.memory_space<vmem_shared>>
    tpu.enqueue_indirect_dma source(%dma_start3A_56 : memref<128x128xbf16, #tpu.memory_space<vmem>>) target(%dma_start3A_62 : memref<10240x128xbf16, #tpu.memory_space<vmem_shared>>) offsets(%dma_start3A_59 : memref<128xi32, #tpu.memory_space<vmem>>) semaphore(%arg20 : memref<!tpu.dma_semaphore, #tpu.memory_space<semaphore_mem>>) {add = true}
    %dma_start3A_63 = arith.constant 0 : i32
    %dma_start3A_64 = arith.constant 0 : i32
    %dma_start3A_65 = tpu.memref_slice %arg12[%dma_start3A_63, %dma_start3A_64] : memref<2x128xi32, #tpu.memory_space<vmem>> -> memref<1x128xi32, #tpu.memory_space<vmem>>
    %dma_start3A_66 = tpu.memref_squeeze %dma_start3A_65 : memref<1x128xi32, #tpu.memory_space<vmem>> -> memref<128xi32, #tpu.memory_space<vmem>>
    %dma_start3A_67 = arith.constant 0 : i32
    %dma_start3A_68 = arith.constant 0 : i32
    %dma_start3A_69 = tpu.memref_slice %arg27[%dma_start3A_67, %dma_start3A_68] : memref<10240x16xf32, #tpu.memory_space<vmem_shared>> -> memref<10240x16xf32, #tpu.memory_space<vmem_shared>>
    tpu.enqueue_indirect_dma source(%arg26 : memref<128x16xf32, #tpu.memory_space<vmem>>) target(%dma_start3A_69 : memref<10240x16xf32, #tpu.memory_space<vmem_shared>>) offsets(%dma_start3A_66 : memref<128xi32, #tpu.memory_space<vmem>>) semaphore(%arg20 : memref<!tpu.dma_semaphore, #tpu.memory_space<semaphore_mem>>) {add = true}
    %dma_start3A_70 = arith.constant 1 : i32
    %dma_start3A_71 = arith.constant 128 : i32
    %dma_start3A_72 = arith.constant 0 : i32
    %dma_start3A_73 = tpu.memref_slice %arg14[%dma_start3A_71, %dma_start3A_72] : memref<256x128xbf16, #tpu.memory_space<vmem>> -> memref<128x128xbf16, #tpu.memory_space<vmem>>
    %dma_start3A_74 = arith.constant 0 : i32
    %dma_start3A_75 = tpu.memref_slice %arg12[%dma_start3A_70, %dma_start3A_74] : memref<2x128xi32, #tpu.memory_space<vmem>> -> memref<1x128xi32, #tpu.memory_space<vmem>>
    %dma_start3A_76 = tpu.memref_squeeze %dma_start3A_75 : memref<1x128xi32, #tpu.memory_space<vmem>> -> memref<128xi32, #tpu.memory_space<vmem>>
    %dma_start3A_77 = arith.constant 0 : i32
    %dma_start3A_78 = arith.constant 0 : i32
    %dma_start3A_79 = tpu.memref_slice %arg15[%dma_start3A_77, %dma_start3A_78] : memref<10240x128xbf16, #tpu.memory_space<vmem_shared>> -> memref<10240x128xbf16, #tpu.memory_space<vmem_shared>>
    tpu.enqueue_indirect_dma source(%dma_start3A_73 : memref<128x128xbf16, #tpu.memory_space<vmem>>) target(%dma_start3A_79 : memref<10240x128xbf16, #tpu.memory_space<vmem_shared>>) offsets(%dma_start3A_76 : memref<128xi32, #tpu.memory_space<vmem>>) semaphore(%arg20 : memref<!tpu.dma_semaphore, #tpu.memory_space<semaphore_mem>>) {add = true}
    %dma_start3A_80 = arith.constant 1 : i32
    %dma_start3A_81 = arith.constant 0 : i32
    %dma_start3A_82 = tpu.memref_slice %arg12[%dma_start3A_80, %dma_start3A_81] : memref<2x128xi32, #tpu.memory_space<vmem>> -> memref<1x128xi32, #tpu.memory_space<vmem>>
    %dma_start3A_83 = tpu.memref_squeeze %dma_start3A_82 : memref<1x128xi32, #tpu.memory_space<vmem>> -> memref<128xi32, #tpu.memory_space<vmem>>
    %dma_start3A_84 = arith.constant 0 : i32
    %dma_start3A_85 = arith.constant 0 : i32
    %dma_start3A_86 = tpu.memref_slice %arg27[%dma_start3A_84, %dma_start3A_85] : memref<10240x16xf32, #tpu.memory_space<vmem_shared>> -> memref<10240x16xf32, #tpu.memory_space<vmem_shared>>
    tpu.enqueue_indirect_dma source(%arg26 : memref<128x16xf32, #tpu.memory_space<vmem>>) target(%dma_start3A_86 : memref<10240x16xf32, #tpu.memory_space<vmem_shared>>) offsets(%dma_start3A_83 : memref<128xi32, #tpu.memory_space<vmem>>) semaphore(%arg20 : memref<!tpu.dma_semaphore, #tpu.memory_space<semaphore_mem>>) {add = true}
    %scan3A = arith.constant 0 : i32
    %scan3A_87 = arith.constant 0 : i32
    %scan3A_88 = arith.constant 20 : i32
    %scan3A_89 = arith.addi %scan3A_87, %scan3A_88 : i32
    %scan3A_90 = arith.constant 1 : i32
    scf.for %scan3A_172 = %scan3A_87 to %scan3A_89 step %scan3A_90  : i32 {
      %mul3A_173 = arith.constant 2 : i32
      %mul3A_174 = arith.muli %mul3A_173, %scan3A_172 : i32
      %add3A_175 = arith.constant 1 : i32
      %add3A_176 = arith.addi %mul3A_174, %add3A_175 : i32
      %dma_wait3A_177 = arith.constant 0 : i32
      %dma_wait3A_178 = arith.constant 0 : i32
      %dma_wait3A_179 = arith.constant 0 : i32
      %dma_wait3A_180 = tpu.memref_slice %arg14[%dma_wait3A_178, %dma_wait3A_179] : memref<256x128xbf16, #tpu.memory_space<vmem>> -> memref<128x128xbf16, #tpu.memory_space<vmem>>
      %dma_wait3A_181 = arith.constant 0 : i32
      %dma_wait3A_182 = tpu.memref_slice %arg12[%dma_wait3A_177, %dma_wait3A_181] : memref<2x128xi32, #tpu.memory_space<vmem>> -> memref<1x128xi32, #tpu.memory_space<vmem>>
      %dma_wait3A_183 = tpu.memref_squeeze %dma_wait3A_182 : memref<1x128xi32, #tpu.memory_space<vmem>> -> memref<128xi32, #tpu.memory_space<vmem>>
      %dma_wait3A_184 = arith.constant 0 : i32
      %dma_wait3A_185 = arith.constant 0 : i32
      %dma_wait3A_186 = tpu.memref_slice %arg15[%dma_wait3A_184, %dma_wait3A_185] : memref<10240x128xbf16, #tpu.memory_space<vmem_shared>> -> memref<10240x128xbf16, #tpu.memory_space<vmem_shared>>
      tpu.wait_indirect_dma semaphore(%arg20 : memref<!tpu.dma_semaphore, #tpu.memory_space<semaphore_mem>>) src(%dma_wait3A_180 : memref<128x128xbf16, #tpu.memory_space<vmem>>) dst(%dma_wait3A_186 : memref<10240x128xbf16, #tpu.memory_space<vmem_shared>>)
      %dma_wait3A_187 = arith.constant 0 : i32
      %dma_wait3A_188 = arith.constant 0 : i32
      %dma_wait3A_189 = tpu.memref_slice %arg12[%dma_wait3A_187, %dma_wait3A_188] : memref<2x128xi32, #tpu.memory_space<vmem>> -> memref<1x128xi32, #tpu.memory_space<vmem>>
      %dma_wait3A_190 = tpu.memref_squeeze %dma_wait3A_189 : memref<1x128xi32, #tpu.memory_space<vmem>> -> memref<128xi32, #tpu.memory_space<vmem>>
      %dma_wait3A_191 = arith.constant 0 : i32
      %dma_wait3A_192 = arith.constant 0 : i32
      %dma_wait3A_193 = tpu.memref_slice %arg27[%dma_wait3A_191, %dma_wait3A_192] : memref<10240x16xf32, #tpu.memory_space<vmem_shared>> -> memref<10240x16xf32, #tpu.memory_space<vmem_shared>>
      tpu.wait_indirect_dma semaphore(%arg20 : memref<!tpu.dma_semaphore, #tpu.memory_space<semaphore_mem>>) src(%arg25 : memref<128x16xf32, #tpu.memory_space<vmem>>) dst(%dma_wait3A_193 : memref<10240x16xf32, #tpu.memory_space<vmem_shared>>)
      %dma_wait3A_194 = arith.constant 1 : i32
      %dma_wait3A_195 = arith.constant 128 : i32
      %dma_wait3A_196 = arith.constant 0 : i32
      %dma_wait3A_197 = tpu.memref_slice %arg14[%dma_wait3A_195, %dma_wait3A_196] : memref<256x128xbf16, #tpu.memory_space<vmem>> -> memref<128x128xbf16, #tpu.memory_space<vmem>>
      %dma_wait3A_198 = arith.constant 0 : i32
      %dma_wait3A_199 = tpu.memref_slice %arg12[%dma_wait3A_194, %dma_wait3A_198] : memref<2x128xi32, #tpu.memory_space<vmem>> -> memref<1x128xi32, #tpu.memory_space<vmem>>
      %dma_wait3A_200 = tpu.memref_squeeze %dma_wait3A_199 : memref<1x128xi32, #tpu.memory_space<vmem>> -> memref<128xi32, #tpu.memory_space<vmem>>
      %dma_wait3A_201 = arith.constant 0 : i32
      %dma_wait3A_202 = arith.constant 0 : i32
      %dma_wait3A_203 = tpu.memref_slice %arg15[%dma_wait3A_201, %dma_wait3A_202] : memref<10240x128xbf16, #tpu.memory_space<vmem_shared>> -> memref<10240x128xbf16, #tpu.memory_space<vmem_shared>>
      tpu.wait_indirect_dma semaphore(%arg20 : memref<!tpu.dma_semaphore, #tpu.memory_space<semaphore_mem>>) src(%dma_wait3A_197 : memref<128x128xbf16, #tpu.memory_space<vmem>>) dst(%dma_wait3A_203 : memref<10240x128xbf16, #tpu.memory_space<vmem_shared>>)
      %dma_wait3A_204 = arith.constant 1 : i32
      %dma_wait3A_205 = arith.constant 0 : i32
      %dma_wait3A_206 = tpu.memref_slice %arg12[%dma_wait3A_204, %dma_wait3A_205] : memref<2x128xi32, #tpu.memory_space<vmem>> -> memref<1x128xi32, #tpu.memory_space<vmem>>
      %dma_wait3A_207 = tpu.memref_squeeze %dma_wait3A_206 : memref<1x128xi32, #tpu.memory_space<vmem>> -> memref<128xi32, #tpu.memory_space<vmem>>
      %dma_wait3A_208 = arith.constant 0 : i32
      %dma_wait3A_209 = arith.constant 0 : i32
      %dma_wait3A_210 = tpu.memref_slice %arg27[%dma_wait3A_208, %dma_wait3A_209] : memref<10240x16xf32, #tpu.memory_space<vmem_shared>> -> memref<10240x16xf32, #tpu.memory_space<vmem_shared>>
      tpu.wait_indirect_dma semaphore(%arg20 : memref<!tpu.dma_semaphore, #tpu.memory_space<semaphore_mem>>) src(%arg25 : memref<128x16xf32, #tpu.memory_space<vmem>>) dst(%dma_wait3A_210 : memref<10240x16xf32, #tpu.memory_space<vmem_shared>>)
      %mul3A_211 = arith.constant 2 : i32
      %mul3A_212 = arith.muli %add3A_176, %mul3A_211 : i32
      %add3A_213 = arith.addi %mul3A_10, %mul3A_212 : i32
      %dma_start3A_214 = arith.constant 1 : i32
      %dma_start3A_215 = arith.constant 0 : i32
      %dma_start3A_216 = tpu.memref_slice %arg3[%dma_start3A_214, %add3A_213, %dma_start3A_215] : memref<2x2564x128xi32, #tpu.memory_space<hbm>> -> memref<1x2x128xi32, #tpu.memory_space<hbm>>
      %dma_start3A_217 = tpu.memref_squeeze %dma_start3A_216 : memref<1x2x128xi32, #tpu.memory_space<hbm>> -> memref<2x128xi32, #tpu.memory_space<hbm>>
      %dma_start3A_218 = arith.constant 0 : i32
      %dma_start3A_219 = tpu.memref_slice %arg3[%dma_start3A_214, %add3A_213, %dma_start3A_218] : memref<2x2564x128xi32, #tpu.memory_space<hbm>> -> memref<1x2x128xi32, #tpu.memory_space<hbm>>
      %dma_start3A_220 = tpu.memref_squeeze %dma_start3A_219 : memref<1x2x128xi32, #tpu.memory_space<hbm>> -> memref<2x128xi32, #tpu.memory_space<hbm>>
      tpu.enqueue_dma source(%dma_start3A_220 : memref<2x128xi32, #tpu.memory_space<hbm>>) target(%arg12 : memref<2x128xi32, #tpu.memory_space<vmem>>) target_semaphore(%arg24 : memref<!tpu.dma_semaphore, #tpu.memory_space<semaphore_mem>>)
      %mul3A_221 = arith.constant 2 : i32
      %mul3A_222 = arith.muli %add3A_176, %mul3A_221 : i32
      %add3A_223 = arith.addi %mul3A_10, %mul3A_222 : i32
      %dma_wait3A_224 = arith.constant 0 : i32
      %dma_wait3A_225 = arith.constant 0 : i32
      %dma_wait3A_226 = tpu.memref_slice %arg3[%dma_wait3A_224, %add3A_223, %dma_wait3A_225] : memref<2x2564x128xi32, #tpu.memory_space<hbm>> -> memref<1x2x128xi32, #tpu.memory_space<hbm>>
      %dma_wait3A_227 = tpu.memref_squeeze %dma_wait3A_226 : memref<1x2x128xi32, #tpu.memory_space<hbm>> -> memref<2x128xi32, #tpu.memory_space<hbm>>
      %dma_wait3A_228 = arith.constant 0 : i32
      %dma_wait3A_229 = tpu.memref_slice %arg3[%dma_wait3A_224, %add3A_223, %dma_wait3A_228] : memref<2x2564x128xi32, #tpu.memory_space<hbm>> -> memref<1x2x128xi32, #tpu.memory_space<hbm>>
      %dma_wait3A_230 = tpu.memref_squeeze %dma_wait3A_229 : memref<1x2x128xi32, #tpu.memory_space<hbm>> -> memref<2x128xi32, #tpu.memory_space<hbm>>
      tpu.wait_dma2 semaphore(%arg22 : memref<!tpu.dma_semaphore, #tpu.memory_space<semaphore_mem>>) src(%dma_wait3A_230 : memref<2x128xi32, #tpu.memory_space<hbm>>) dst(%arg10 : memref<2x128xi32, #tpu.memory_space<vmem>>)
      %dma_start3A_231 = arith.constant 0 : i32
      %dma_start3A_232 = arith.constant 0 : i32
      %dma_start3A_233 = arith.constant 0 : i32
      %dma_start3A_234 = tpu.memref_slice %arg14[%dma_start3A_232, %dma_start3A_233] : memref<256x128xbf16, #tpu.memory_space<vmem>> -> memref<128x128xbf16, #tpu.memory_space<vmem>>
      %dma_start3A_235 = arith.constant 0 : i32
      %dma_start3A_236 = tpu.memref_slice %arg10[%dma_start3A_231, %dma_start3A_235] : memref<2x128xi32, #tpu.memory_space<vmem>> -> memref<1x128xi32, #tpu.memory_space<vmem>>
      %dma_start3A_237 = tpu.memref_squeeze %dma_start3A_236 : memref<1x128xi32, #tpu.memory_space<vmem>> -> memref<128xi32, #tpu.memory_space<vmem>>
      %dma_start3A_238 = arith.constant 0 : i32
      %dma_start3A_239 = arith.constant 0 : i32
      %dma_start3A_240 = tpu.memref_slice %arg16[%dma_start3A_238, %dma_start3A_239] : memref<10240x128xbf16, #tpu.memory_space<vmem_shared>> -> memref<10240x128xbf16, #tpu.memory_space<vmem_shared>>
      tpu.enqueue_indirect_dma source(%dma_start3A_240 : memref<10240x128xbf16, #tpu.memory_space<vmem_shared>>) target(%dma_start3A_234 : memref<128x128xbf16, #tpu.memory_space<vmem>>) offsets(%dma_start3A_237 : memref<128xi32, #tpu.memory_space<vmem>>) semaphore(%arg18 : memref<!tpu.dma_semaphore, #tpu.memory_space<semaphore_mem>>)
      %dma_start3A_241 = arith.constant 1 : i32
      %dma_start3A_242 = arith.constant 128 : i32
      %dma_start3A_243 = arith.constant 0 : i32
      %dma_start3A_244 = tpu.memref_slice %arg14[%dma_start3A_242, %dma_start3A_243] : memref<256x128xbf16, #tpu.memory_space<vmem>> -> memref<128x128xbf16, #tpu.memory_space<vmem>>
      %dma_start3A_245 = arith.constant 0 : i32
      %dma_start3A_246 = tpu.memref_slice %arg10[%dma_start3A_241, %dma_start3A_245] : memref<2x128xi32, #tpu.memory_space<vmem>> -> memref<1x128xi32, #tpu.memory_space<vmem>>
      %dma_start3A_247 = tpu.memref_squeeze %dma_start3A_246 : memref<1x128xi32, #tpu.memory_space<vmem>> -> memref<128xi32, #tpu.memory_space<vmem>>
      %dma_start3A_248 = arith.constant 0 : i32
      %dma_start3A_249 = arith.constant 0 : i32
      %dma_start3A_250 = tpu.memref_slice %arg16[%dma_start3A_248, %dma_start3A_249] : memref<10240x128xbf16, #tpu.memory_space<vmem_shared>> -> memref<10240x128xbf16, #tpu.memory_space<vmem_shared>>
      tpu.enqueue_indirect_dma source(%dma_start3A_250 : memref<10240x128xbf16, #tpu.memory_space<vmem_shared>>) target(%dma_start3A_244 : memref<128x128xbf16, #tpu.memory_space<vmem>>) offsets(%dma_start3A_247 : memref<128xi32, #tpu.memory_space<vmem>>) semaphore(%arg18 : memref<!tpu.dma_semaphore, #tpu.memory_space<semaphore_mem>>)
      %dma_wait3A_251 = arith.constant 0 : i32
      %dma_wait3A_252 = arith.constant 0 : i32
      %dma_wait3A_253 = arith.constant 0 : i32
      %dma_wait3A_254 = tpu.memref_slice %arg13[%dma_wait3A_252, %dma_wait3A_253] : memref<256x128xbf16, #tpu.memory_space<vmem>> -> memref<128x128xbf16, #tpu.memory_space<vmem>>
      %dma_wait3A_255 = arith.constant 0 : i32
      %dma_wait3A_256 = tpu.memref_slice %arg9[%dma_wait3A_251, %dma_wait3A_255] : memref<2x128xi32, #tpu.memory_space<vmem>> -> memref<1x128xi32, #tpu.memory_space<vmem>>
      %dma_wait3A_257 = tpu.memref_squeeze %dma_wait3A_256 : memref<1x128xi32, #tpu.memory_space<vmem>> -> memref<128xi32, #tpu.memory_space<vmem>>
      %dma_wait3A_258 = arith.constant 0 : i32
      %dma_wait3A_259 = arith.constant 0 : i32
      %dma_wait3A_260 = tpu.memref_slice %arg16[%dma_wait3A_258, %dma_wait3A_259] : memref<10240x128xbf16, #tpu.memory_space<vmem_shared>> -> memref<10240x128xbf16, #tpu.memory_space<vmem_shared>>
      tpu.wait_indirect_dma semaphore(%arg17 : memref<!tpu.dma_semaphore, #tpu.memory_space<semaphore_mem>>) src(%dma_wait3A_260 : memref<10240x128xbf16, #tpu.memory_space<vmem_shared>>) dst(%dma_wait3A_254 : memref<128x128xbf16, #tpu.memory_space<vmem>>)
      %dma_wait3A_261 = arith.constant 1 : i32
      %dma_wait3A_262 = arith.constant 128 : i32
      %dma_wait3A_263 = arith.constant 0 : i32
      %dma_wait3A_264 = tpu.memref_slice %arg13[%dma_wait3A_262, %dma_wait3A_263] : memref<256x128xbf16, #tpu.memory_space<vmem>> -> memref<128x128xbf16, #tpu.memory_space<vmem>>
      %dma_wait3A_265 = arith.constant 0 : i32
      %dma_wait3A_266 = tpu.memref_slice %arg9[%dma_wait3A_261, %dma_wait3A_265] : memref<2x128xi32, #tpu.memory_space<vmem>> -> memref<1x128xi32, #tpu.memory_space<vmem>>
      %dma_wait3A_267 = tpu.memref_squeeze %dma_wait3A_266 : memref<1x128xi32, #tpu.memory_space<vmem>> -> memref<128xi32, #tpu.memory_space<vmem>>
      %dma_wait3A_268 = arith.constant 0 : i32
      %dma_wait3A_269 = arith.constant 0 : i32
      %dma_wait3A_270 = tpu.memref_slice %arg16[%dma_wait3A_268, %dma_wait3A_269] : memref<10240x128xbf16, #tpu.memory_space<vmem_shared>> -> memref<10240x128xbf16, #tpu.memory_space<vmem_shared>>
      tpu.wait_indirect_dma semaphore(%arg17 : memref<!tpu.dma_semaphore, #tpu.memory_space<semaphore_mem>>) src(%dma_wait3A_270 : memref<10240x128xbf16, #tpu.memory_space<vmem_shared>>) dst(%dma_wait3A_264 : memref<128x128xbf16, #tpu.memory_space<vmem>>)
      %add3A_271 = arith.constant 2 : i32
      %add3A_272 = arith.addi %mul3A_174, %add3A_271 : i32
      %mul3A_273 = arith.constant 2 : i32
      %mul3A_274 = arith.muli %add3A_272, %mul3A_273 : i32
      %add3A_275 = arith.addi %mul3A_10, %mul3A_274 : i32
      %dma_start3A_276 = arith.constant 0 : i32
      %dma_start3A_277 = arith.constant 0 : i32
      %dma_start3A_278 = tpu.memref_slice %arg3[%dma_start3A_276, %add3A_275, %dma_start3A_277] : memref<2x2564x128xi32, #tpu.memory_space<hbm>> -> memref<1x2x128xi32, #tpu.memory_space<hbm>>
      %dma_start3A_279 = tpu.memref_squeeze %dma_start3A_278 : memref<1x2x128xi32, #tpu.memory_space<hbm>> -> memref<2x128xi32, #tpu.memory_space<hbm>>
      %dma_start3A_280 = arith.constant 0 : i32
      %dma_start3A_281 = tpu.memref_slice %arg3[%dma_start3A_276, %add3A_275, %dma_start3A_280] : memref<2x2564x128xi32, #tpu.memory_space<hbm>> -> memref<1x2x128xi32, #tpu.memory_space<hbm>>
      %dma_start3A_282 = tpu.memref_squeeze %dma_start3A_281 : memref<1x2x128xi32, #tpu.memory_space<hbm>> -> memref<2x128xi32, #tpu.memory_space<hbm>>
      tpu.enqueue_dma source(%dma_start3A_282 : memref<2x128xi32, #tpu.memory_space<hbm>>) target(%arg9 : memref<2x128xi32, #tpu.memory_space<vmem>>) target_semaphore(%arg21 : memref<!tpu.dma_semaphore, #tpu.memory_space<semaphore_mem>>)
      %mul3A_283 = arith.constant 2 : i32
      %mul3A_284 = arith.muli %mul3A_174, %mul3A_283 : i32
      %add3A_285 = arith.addi %mul3A_10, %mul3A_284 : i32
      %dma_wait3A_286 = arith.constant 1 : i32
      %dma_wait3A_287 = arith.constant 0 : i32
      %dma_wait3A_288 = tpu.memref_slice %arg3[%dma_wait3A_286, %add3A_285, %dma_wait3A_287] : memref<2x2564x128xi32, #tpu.memory_space<hbm>> -> memref<1x2x128xi32, #tpu.memory_space<hbm>>
      %dma_wait3A_289 = tpu.memref_squeeze %dma_wait3A_288 : memref<1x2x128xi32, #tpu.memory_space<hbm>> -> memref<2x128xi32, #tpu.memory_space<hbm>>
      %dma_wait3A_290 = arith.constant 0 : i32
      %dma_wait3A_291 = tpu.memref_slice %arg3[%dma_wait3A_286, %add3A_285, %dma_wait3A_290] : memref<2x2564x128xi32, #tpu.memory_space<hbm>> -> memref<1x2x128xi32, #tpu.memory_space<hbm>>
      %dma_wait3A_292 = tpu.memref_squeeze %dma_wait3A_291 : memref<1x2x128xi32, #tpu.memory_space<hbm>> -> memref<2x128xi32, #tpu.memory_space<hbm>>
      tpu.wait_dma2 semaphore(%arg23 : memref<!tpu.dma_semaphore, #tpu.memory_space<semaphore_mem>>) src(%dma_wait3A_292 : memref<2x128xi32, #tpu.memory_space<hbm>>) dst(%arg11 : memref<2x128xi32, #tpu.memory_space<vmem>>)
      %dma_start3A_293 = arith.constant 0 : i32
      %dma_start3A_294 = arith.constant 0 : i32
      %dma_start3A_295 = arith.constant 0 : i32
      %dma_start3A_296 = tpu.memref_slice %arg13[%dma_start3A_294, %dma_start3A_295] : memref<256x128xbf16, #tpu.memory_space<vmem>> -> memref<128x128xbf16, #tpu.memory_space<vmem>>
      %dma_start3A_297 = arith.constant 0 : i32
      %dma_start3A_298 = tpu.memref_slice %arg11[%dma_start3A_293, %dma_start3A_297] : memref<2x128xi32, #tpu.memory_space<vmem>> -> memref<1x128xi32, #tpu.memory_space<vmem>>
      %dma_start3A_299 = tpu.memref_squeeze %dma_start3A_298 : memref<1x128xi32, #tpu.memory_space<vmem>> -> memref<128xi32, #tpu.memory_space<vmem>>
      %dma_start3A_300 = arith.constant 0 : i32
      %dma_start3A_301 = arith.constant 0 : i32
      %dma_start3A_302 = tpu.memref_slice %arg15[%dma_start3A_300, %dma_start3A_301] : memref<10240x128xbf16, #tpu.memory_space<vmem_shared>> -> memref<10240x128xbf16, #tpu.memory_space<vmem_shared>>
      tpu.enqueue_indirect_dma source(%dma_start3A_296 : memref<128x128xbf16, #tpu.memory_space<vmem>>) target(%dma_start3A_302 : memref<10240x128xbf16, #tpu.memory_space<vmem_shared>>) offsets(%dma_start3A_299 : memref<128xi32, #tpu.memory_space<vmem>>) semaphore(%arg19 : memref<!tpu.dma_semaphore, #tpu.memory_space<semaphore_mem>>) {add = true}
      %dma_start3A_303 = arith.constant 0 : i32
      %dma_start3A_304 = arith.constant 0 : i32
      %dma_start3A_305 = tpu.memref_slice %arg11[%dma_start3A_303, %dma_start3A_304] : memref<2x128xi32, #tpu.memory_space<vmem>> -> memref<1x128xi32, #tpu.memory_space<vmem>>
      %dma_start3A_306 = tpu.memref_squeeze %dma_start3A_305 : memref<1x128xi32, #tpu.memory_space<vmem>> -> memref<128xi32, #tpu.memory_space<vmem>>
      %dma_start3A_307 = arith.constant 0 : i32
      %dma_start3A_308 = arith.constant 0 : i32
      %dma_start3A_309 = tpu.memref_slice %arg27[%dma_start3A_307, %dma_start3A_308] : memref<10240x16xf32, #tpu.memory_space<vmem_shared>> -> memref<10240x16xf32, #tpu.memory_space<vmem_shared>>
      tpu.enqueue_indirect_dma source(%arg25 : memref<128x16xf32, #tpu.memory_space<vmem>>) target(%dma_start3A_309 : memref<10240x16xf32, #tpu.memory_space<vmem_shared>>) offsets(%dma_start3A_306 : memref<128xi32, #tpu.memory_space<vmem>>) semaphore(%arg19 : memref<!tpu.dma_semaphore, #tpu.memory_space<semaphore_mem>>) {add = true}
      %dma_start3A_310 = arith.constant 1 : i32
      %dma_start3A_311 = arith.constant 128 : i32
      %dma_start3A_312 = arith.constant 0 : i32
      %dma_start3A_313 = tpu.memref_slice %arg13[%dma_start3A_311, %dma_start3A_312] : memref<256x128xbf16, #tpu.memory_space<vmem>> -> memref<128x128xbf16, #tpu.memory_space<vmem>>
      %dma_start3A_314 = arith.constant 0 : i32
      %dma_start3A_315 = tpu.memref_slice %arg11[%dma_start3A_310, %dma_start3A_314] : memref<2x128xi32, #tpu.memory_space<vmem>> -> memref<1x128xi32, #tpu.memory_space<vmem>>
      %dma_start3A_316 = tpu.memref_squeeze %dma_start3A_315 : memref<1x128xi32, #tpu.memory_space<vmem>> -> memref<128xi32, #tpu.memory_space<vmem>>
      %dma_start3A_317 = arith.constant 0 : i32
      %dma_start3A_318 = arith.constant 0 : i32
      %dma_start3A_319 = tpu.memref_slice %arg15[%dma_start3A_317, %dma_start3A_318] : memref<10240x128xbf16, #tpu.memory_space<vmem_shared>> -> memref<10240x128xbf16, #tpu.memory_space<vmem_shared>>
      tpu.enqueue_indirect_dma source(%dma_start3A_313 : memref<128x128xbf16, #tpu.memory_space<vmem>>) target(%dma_start3A_319 : memref<10240x128xbf16, #tpu.memory_space<vmem_shared>>) offsets(%dma_start3A_316 : memref<128xi32, #tpu.memory_space<vmem>>) semaphore(%arg19 : memref<!tpu.dma_semaphore, #tpu.memory_space<semaphore_mem>>) {add = true}
      %dma_start3A_320 = arith.constant 1 : i32
      %dma_start3A_321 = arith.constant 0 : i32
      %dma_start3A_322 = tpu.memref_slice %arg11[%dma_start3A_320, %dma_start3A_321] : memref<2x128xi32, #tpu.memory_space<vmem>> -> memref<1x128xi32, #tpu.memory_space<vmem>>
      %dma_start3A_323 = tpu.memref_squeeze %dma_start3A_322 : memref<1x128xi32, #tpu.memory_space<vmem>> -> memref<128xi32, #tpu.memory_space<vmem>>
      %dma_start3A_324 = arith.constant 0 : i32
      %dma_start3A_325 = arith.constant 0 : i32
      %dma_start3A_326 = tpu.memref_slice %arg27[%dma_start3A_324, %dma_start3A_325] : memref<10240x16xf32, #tpu.memory_space<vmem_shared>> -> memref<10240x16xf32, #tpu.memory_space<vmem_shared>>
      tpu.enqueue_indirect_dma source(%arg25 : memref<128x16xf32, #tpu.memory_space<vmem>>) target(%dma_start3A_326 : memref<10240x16xf32, #tpu.memory_space<vmem_shared>>) offsets(%dma_start3A_323 : memref<128xi32, #tpu.memory_space<vmem>>) semaphore(%arg19 : memref<!tpu.dma_semaphore, #tpu.memory_space<semaphore_mem>>) {add = true}
      %dma_wait3A_327 = arith.constant 0 : i32
      %dma_wait3A_328 = arith.constant 0 : i32
      %dma_wait3A_329 = arith.constant 0 : i32
      %dma_wait3A_330 = tpu.memref_slice %arg13[%dma_wait3A_328, %dma_wait3A_329] : memref<256x128xbf16, #tpu.memory_space<vmem>> -> memref<128x128xbf16, #tpu.memory_space<vmem>>
      %dma_wait3A_331 = arith.constant 0 : i32
      %dma_wait3A_332 = tpu.memref_slice %arg11[%dma_wait3A_327, %dma_wait3A_331] : memref<2x128xi32, #tpu.memory_space<vmem>> -> memref<1x128xi32, #tpu.memory_space<vmem>>
      %dma_wait3A_333 = tpu.memref_squeeze %dma_wait3A_332 : memref<1x128xi32, #tpu.memory_space<vmem>> -> memref<128xi32, #tpu.memory_space<vmem>>
      %dma_wait3A_334 = arith.constant 0 : i32
      %dma_wait3A_335 = arith.constant 0 : i32
      %dma_wait3A_336 = tpu.memref_slice %arg15[%dma_wait3A_334, %dma_wait3A_335] : memref<10240x128xbf16, #tpu.memory_space<vmem_shared>> -> memref<10240x128xbf16, #tpu.memory_space<vmem_shared>>
      tpu.wait_indirect_dma semaphore(%arg19 : memref<!tpu.dma_semaphore, #tpu.memory_space<semaphore_mem>>) src(%dma_wait3A_330 : memref<128x128xbf16, #tpu.memory_space<vmem>>) dst(%dma_wait3A_336 : memref<10240x128xbf16, #tpu.memory_space<vmem_shared>>)
      %dma_wait3A_337 = arith.constant 0 : i32
      %dma_wait3A_338 = arith.constant 0 : i32
      %dma_wait3A_339 = tpu.memref_slice %arg11[%dma_wait3A_337, %dma_wait3A_338] : memref<2x128xi32, #tpu.memory_space<vmem>> -> memref<1x128xi32, #tpu.memory_space<vmem>>
      %dma_wait3A_340 = tpu.memref_squeeze %dma_wait3A_339 : memref<1x128xi32, #tpu.memory_space<vmem>> -> memref<128xi32, #tpu.memory_space<vmem>>
      %dma_wait3A_341 = arith.constant 0 : i32
      %dma_wait3A_342 = arith.constant 0 : i32
      %dma_wait3A_343 = tpu.memref_slice %arg27[%dma_wait3A_341, %dma_wait3A_342] : memref<10240x16xf32, #tpu.memory_space<vmem_shared>> -> memref<10240x16xf32, #tpu.memory_space<vmem_shared>>
      tpu.wait_indirect_dma semaphore(%arg19 : memref<!tpu.dma_semaphore, #tpu.memory_space<semaphore_mem>>) src(%arg25 : memref<128x16xf32, #tpu.memory_space<vmem>>) dst(%dma_wait3A_343 : memref<10240x16xf32, #tpu.memory_space<vmem_shared>>)
      %dma_wait3A_344 = arith.constant 1 : i32
      %dma_wait3A_345 = arith.constant 128 : i32
      %dma_wait3A_346 = arith.constant 0 : i32
      %dma_wait3A_347 = tpu.memref_slice %arg13[%dma_wait3A_345, %dma_wait3A_346] : memref<256x128xbf16, #tpu.memory_space<vmem>> -> memref<128x128xbf16, #tpu.memory_space<vmem>>
      %dma_wait3A_348 = arith.constant 0 : i32
      %dma_wait3A_349 = tpu.memref_slice %arg11[%dma_wait3A_344, %dma_wait3A_348] : memref<2x128xi32, #tpu.memory_space<vmem>> -> memref<1x128xi32, #tpu.memory_space<vmem>>
      %dma_wait3A_350 = tpu.memref_squeeze %dma_wait3A_349 : memref<1x128xi32, #tpu.memory_space<vmem>> -> memref<128xi32, #tpu.memory_space<vmem>>
      %dma_wait3A_351 = arith.constant 0 : i32
      %dma_wait3A_352 = arith.constant 0 : i32
      %dma_wait3A_353 = tpu.memref_slice %arg15[%dma_wait3A_351, %dma_wait3A_352] : memref<10240x128xbf16, #tpu.memory_space<vmem_shared>> -> memref<10240x128xbf16, #tpu.memory_space<vmem_shared>>
      tpu.wait_indirect_dma semaphore(%arg19 : memref<!tpu.dma_semaphore, #tpu.memory_space<semaphore_mem>>) src(%dma_wait3A_347 : memref<128x128xbf16, #tpu.memory_space<vmem>>) dst(%dma_wait3A_353 : memref<10240x128xbf16, #tpu.memory_space<vmem_shared>>)
      %dma_wait3A_354 = arith.constant 1 : i32
      %dma_wait3A_355 = arith.constant 0 : i32
      %dma_wait3A_356 = tpu.memref_slice %arg11[%dma_wait3A_354, %dma_wait3A_355] : memref<2x128xi32, #tpu.memory_space<vmem>> -> memref<1x128xi32, #tpu.memory_space<vmem>>
      %dma_wait3A_357 = tpu.memref_squeeze %dma_wait3A_356 : memref<1x128xi32, #tpu.memory_space<vmem>> -> memref<128xi32, #tpu.memory_space<vmem>>
      %dma_wait3A_358 = arith.constant 0 : i32
      %dma_wait3A_359 = arith.constant 0 : i32
      %dma_wait3A_360 = tpu.memref_slice %arg27[%dma_wait3A_358, %dma_wait3A_359] : memref<10240x16xf32, #tpu.memory_space<vmem_shared>> -> memref<10240x16xf32, #tpu.memory_space<vmem_shared>>
      tpu.wait_indirect_dma semaphore(%arg19 : memref<!tpu.dma_semaphore, #tpu.memory_space<semaphore_mem>>) src(%arg25 : memref<128x16xf32, #tpu.memory_space<vmem>>) dst(%dma_wait3A_360 : memref<10240x16xf32, #tpu.memory_space<vmem_shared>>)
      %add3A_361 = arith.constant 2 : i32
      %add3A_362 = arith.addi %mul3A_174, %add3A_361 : i32
      %mul3A_363 = arith.constant 2 : i32
      %mul3A_364 = arith.muli %add3A_362, %mul3A_363 : i32
      %add3A_365 = arith.addi %mul3A_10, %mul3A_364 : i32
      %dma_start3A_366 = arith.constant 1 : i32
      %dma_start3A_367 = arith.constant 0 : i32
      %dma_start3A_368 = tpu.memref_slice %arg3[%dma_start3A_366, %add3A_365, %dma_start3A_367] : memref<2x2564x128xi32, #tpu.memory_space<hbm>> -> memref<1x2x128xi32, #tpu.memory_space<hbm>>
      %dma_start3A_369 = tpu.memref_squeeze %dma_start3A_368 : memref<1x2x128xi32, #tpu.memory_space<hbm>> -> memref<2x128xi32, #tpu.memory_space<hbm>>
      %dma_start3A_370 = arith.constant 0 : i32
      %dma_start3A_371 = tpu.memref_slice %arg3[%dma_start3A_366, %add3A_365, %dma_start3A_370] : memref<2x2564x128xi32, #tpu.memory_space<hbm>> -> memref<1x2x128xi32, #tpu.memory_space<hbm>>
      %dma_start3A_372 = tpu.memref_squeeze %dma_start3A_371 : memref<1x2x128xi32, #tpu.memory_space<hbm>> -> memref<2x128xi32, #tpu.memory_space<hbm>>
      tpu.enqueue_dma source(%dma_start3A_372 : memref<2x128xi32, #tpu.memory_space<hbm>>) target(%arg11 : memref<2x128xi32, #tpu.memory_space<vmem>>) target_semaphore(%arg23 : memref<!tpu.dma_semaphore, #tpu.memory_space<semaphore_mem>>)
      %add3A_373 = arith.constant 2 : i32
      %add3A_374 = arith.addi %mul3A_174, %add3A_373 : i32
      %mul3A_375 = arith.constant 2 : i32
      %mul3A_376 = arith.muli %add3A_374, %mul3A_375 : i32
      %add3A_377 = arith.addi %mul3A_10, %mul3A_376 : i32
      %dma_wait3A_378 = arith.constant 0 : i32
      %dma_wait3A_379 = arith.constant 0 : i32
      %dma_wait3A_380 = tpu.memref_slice %arg3[%dma_wait3A_378, %add3A_377, %dma_wait3A_379] : memref<2x2564x128xi32, #tpu.memory_space<hbm>> -> memref<1x2x128xi32, #tpu.memory_space<hbm>>
      %dma_wait3A_381 = tpu.memref_squeeze %dma_wait3A_380 : memref<1x2x128xi32, #tpu.memory_space<hbm>> -> memref<2x128xi32, #tpu.memory_space<hbm>>
      %dma_wait3A_382 = arith.constant 0 : i32
      %dma_wait3A_383 = tpu.memref_slice %arg3[%dma_wait3A_378, %add3A_377, %dma_wait3A_382] : memref<2x2564x128xi32, #tpu.memory_space<hbm>> -> memref<1x2x128xi32, #tpu.memory_space<hbm>>
      %dma_wait3A_384 = tpu.memref_squeeze %dma_wait3A_383 : memref<1x2x128xi32, #tpu.memory_space<hbm>> -> memref<2x128xi32, #tpu.memory_space<hbm>>
      tpu.wait_dma2 semaphore(%arg21 : memref<!tpu.dma_semaphore, #tpu.memory_space<semaphore_mem>>) src(%dma_wait3A_384 : memref<2x128xi32, #tpu.memory_space<hbm>>) dst(%arg9 : memref<2x128xi32, #tpu.memory_space<vmem>>)
      %dma_start3A_385 = arith.constant 0 : i32
      %dma_start3A_386 = arith.constant 0 : i32
      %dma_start3A_387 = arith.constant 0 : i32
      %dma_start3A_388 = tpu.memref_slice %arg13[%dma_start3A_386, %dma_start3A_387] : memref<256x128xbf16, #tpu.memory_space<vmem>> -> memref<128x128xbf16, #tpu.memory_space<vmem>>
      %dma_start3A_389 = arith.constant 0 : i32
      %dma_start3A_390 = tpu.memref_slice %arg9[%dma_start3A_385, %dma_start3A_389] : memref<2x128xi32, #tpu.memory_space<vmem>> -> memref<1x128xi32, #tpu.memory_space<vmem>>
      %dma_start3A_391 = tpu.memref_squeeze %dma_start3A_390 : memref<1x128xi32, #tpu.memory_space<vmem>> -> memref<128xi32, #tpu.memory_space<vmem>>
      %dma_start3A_392 = arith.constant 0 : i32
      %dma_start3A_393 = arith.constant 0 : i32
      %dma_start3A_394 = tpu.memref_slice %arg16[%dma_start3A_392, %dma_start3A_393] : memref<10240x128xbf16, #tpu.memory_space<vmem_shared>> -> memref<10240x128xbf16, #tpu.memory_space<vmem_shared>>
      tpu.enqueue_indirect_dma source(%dma_start3A_394 : memref<10240x128xbf16, #tpu.memory_space<vmem_shared>>) target(%dma_start3A_388 : memref<128x128xbf16, #tpu.memory_space<vmem>>) offsets(%dma_start3A_391 : memref<128xi32, #tpu.memory_space<vmem>>) semaphore(%arg17 : memref<!tpu.dma_semaphore, #tpu.memory_space<semaphore_mem>>)
      %dma_start3A_395 = arith.constant 1 : i32
      %dma_start3A_396 = arith.constant 128 : i32
      %dma_start3A_397 = arith.constant 0 : i32
      %dma_start3A_398 = tpu.memref_slice %arg13[%dma_start3A_396, %dma_start3A_397] : memref<256x128xbf16, #tpu.memory_space<vmem>> -> memref<128x128xbf16, #tpu.memory_space<vmem>>
      %dma_start3A_399 = arith.constant 0 : i32
      %dma_start3A_400 = tpu.memref_slice %arg9[%dma_start3A_395, %dma_start3A_399] : memref<2x128xi32, #tpu.memory_space<vmem>> -> memref<1x128xi32, #tpu.memory_space<vmem>>
      %dma_start3A_401 = tpu.memref_squeeze %dma_start3A_400 : memref<1x128xi32, #tpu.memory_space<vmem>> -> memref<128xi32, #tpu.memory_space<vmem>>
      %dma_start3A_402 = arith.constant 0 : i32
      %dma_start3A_403 = arith.constant 0 : i32
      %dma_start3A_404 = tpu.memref_slice %arg16[%dma_start3A_402, %dma_start3A_403] : memref<10240x128xbf16, #tpu.memory_space<vmem_shared>> -> memref<10240x128xbf16, #tpu.memory_space<vmem_shared>>
      tpu.enqueue_indirect_dma source(%dma_start3A_404 : memref<10240x128xbf16, #tpu.memory_space<vmem_shared>>) target(%dma_start3A_398 : memref<128x128xbf16, #tpu.memory_space<vmem>>) offsets(%dma_start3A_401 : memref<128xi32, #tpu.memory_space<vmem>>) semaphore(%arg17 : memref<!tpu.dma_semaphore, #tpu.memory_space<semaphore_mem>>)
      %dma_wait3A_405 = arith.constant 0 : i32
      %dma_wait3A_406 = arith.constant 0 : i32
      %dma_wait3A_407 = arith.constant 0 : i32
      %dma_wait3A_408 = tpu.memref_slice %arg14[%dma_wait3A_406, %dma_wait3A_407] : memref<256x128xbf16, #tpu.memory_space<vmem>> -> memref<128x128xbf16, #tpu.memory_space<vmem>>
      %dma_wait3A_409 = arith.constant 0 : i32
      %dma_wait3A_410 = tpu.memref_slice %arg10[%dma_wait3A_405, %dma_wait3A_409] : memref<2x128xi32, #tpu.memory_space<vmem>> -> memref<1x128xi32, #tpu.memory_space<vmem>>
      %dma_wait3A_411 = tpu.memref_squeeze %dma_wait3A_410 : memref<1x128xi32, #tpu.memory_space<vmem>> -> memref<128xi32, #tpu.memory_space<vmem>>
      %dma_wait3A_412 = arith.constant 0 : i32
      %dma_wait3A_413 = arith.constant 0 : i32
      %dma_wait3A_414 = tpu.memref_slice %arg16[%dma_wait3A_412, %dma_wait3A_413] : memref<10240x128xbf16, #tpu.memory_space<vmem_shared>> -> memref<10240x128xbf16, #tpu.memory_space<vmem_shared>>
      tpu.wait_indirect_dma semaphore(%arg18 : memref<!tpu.dma_semaphore, #tpu.memory_space<semaphore_mem>>) src(%dma_wait3A_414 : memref<10240x128xbf16, #tpu.memory_space<vmem_shared>>) dst(%dma_wait3A_408 : memref<128x128xbf16, #tpu.memory_space<vmem>>)
      %dma_wait3A_415 = arith.constant 1 : i32
      %dma_wait3A_416 = arith.constant 128 : i32
      %dma_wait3A_417 = arith.constant 0 : i32
      %dma_wait3A_418 = tpu.memref_slice %arg14[%dma_wait3A_416, %dma_wait3A_417] : memref<256x128xbf16, #tpu.memory_space<vmem>> -> memref<128x128xbf16, #tpu.memory_space<vmem>>
      %dma_wait3A_419 = arith.constant 0 : i32
      %dma_wait3A_420 = tpu.memref_slice %arg10[%dma_wait3A_415, %dma_wait3A_419] : memref<2x128xi32, #tpu.memory_space<vmem>> -> memref<1x128xi32, #tpu.memory_space<vmem>>
      %dma_wait3A_421 = tpu.memref_squeeze %dma_wait3A_420 : memref<1x128xi32, #tpu.memory_space<vmem>> -> memref<128xi32, #tpu.memory_space<vmem>>
      %dma_wait3A_422 = arith.constant 0 : i32
      %dma_wait3A_423 = arith.constant 0 : i32
      %dma_wait3A_424 = tpu.memref_slice %arg16[%dma_wait3A_422, %dma_wait3A_423] : memref<10240x128xbf16, #tpu.memory_space<vmem_shared>> -> memref<10240x128xbf16, #tpu.memory_space<vmem_shared>>
      tpu.wait_indirect_dma semaphore(%arg18 : memref<!tpu.dma_semaphore, #tpu.memory_space<semaphore_mem>>) src(%dma_wait3A_424 : memref<10240x128xbf16, #tpu.memory_space<vmem_shared>>) dst(%dma_wait3A_418 : memref<128x128xbf16, #tpu.memory_space<vmem>>)
      %add3A_425 = arith.constant 2 : i32
      %add3A_426 = arith.addi %add3A_176, %add3A_425 : i32
      %mul3A_427 = arith.constant 2 : i32
      %mul3A_428 = arith.muli %add3A_426, %mul3A_427 : i32
      %add3A_429 = arith.addi %mul3A_10, %mul3A_428 : i32
      %dma_start3A_430 = arith.constant 0 : i32
      %dma_start3A_431 = arith.constant 0 : i32
      %dma_start3A_432 = tpu.memref_slice %arg3[%dma_start3A_430, %add3A_429, %dma_start3A_431] : memref<2x2564x128xi32, #tpu.memory_space<hbm>> -> memref<1x2x128xi32, #tpu.memory_space<hbm>>
      %dma_start3A_433 = tpu.memref_squeeze %dma_start3A_432 : memref<1x2x128xi32, #tpu.memory_space<hbm>> -> memref<2x128xi32, #tpu.memory_space<hbm>>
      %dma_start3A_434 = arith.constant 0 : i32
      %dma_start3A_435 = tpu.memref_slice %arg3[%dma_start3A_430, %add3A_429, %dma_start3A_434] : memref<2x2564x128xi32, #tpu.memory_space<hbm>> -> memref<1x2x128xi32, #tpu.memory_space<hbm>>
      %dma_start3A_436 = tpu.memref_squeeze %dma_start3A_435 : memref<1x2x128xi32, #tpu.memory_space<hbm>> -> memref<2x128xi32, #tpu.memory_space<hbm>>
      tpu.enqueue_dma source(%dma_start3A_436 : memref<2x128xi32, #tpu.memory_space<hbm>>) target(%arg10 : memref<2x128xi32, #tpu.memory_space<vmem>>) target_semaphore(%arg22 : memref<!tpu.dma_semaphore, #tpu.memory_space<semaphore_mem>>)
      %mul3A_437 = arith.constant 2 : i32
      %mul3A_438 = arith.muli %add3A_176, %mul3A_437 : i32
      %add3A_439 = arith.addi %mul3A_10, %mul3A_438 : i32
      %dma_wait3A_440 = arith.constant 1 : i32
      %dma_wait3A_441 = arith.constant 0 : i32
      %dma_wait3A_442 = tpu.memref_slice %arg3[%dma_wait3A_440, %add3A_439, %dma_wait3A_441] : memref<2x2564x128xi32, #tpu.memory_space<hbm>> -> memref<1x2x128xi32, #tpu.memory_space<hbm>>
      %dma_wait3A_443 = tpu.memref_squeeze %dma_wait3A_442 : memref<1x2x128xi32, #tpu.memory_space<hbm>> -> memref<2x128xi32, #tpu.memory_space<hbm>>
      %dma_wait3A_444 = arith.constant 0 : i32
      %dma_wait3A_445 = tpu.memref_slice %arg3[%dma_wait3A_440, %add3A_439, %dma_wait3A_444] : memref<2x2564x128xi32, #tpu.memory_space<hbm>> -> memref<1x2x128xi32, #tpu.memory_space<hbm>>
      %dma_wait3A_446 = tpu.memref_squeeze %dma_wait3A_445 : memref<1x2x128xi32, #tpu.memory_space<hbm>> -> memref<2x128xi32, #tpu.memory_space<hbm>>
      tpu.wait_dma2 semaphore(%arg24 : memref<!tpu.dma_semaphore, #tpu.memory_space<semaphore_mem>>) src(%dma_wait3A_446 : memref<2x128xi32, #tpu.memory_space<hbm>>) dst(%arg12 : memref<2x128xi32, #tpu.memory_space<vmem>>)
      %dma_start3A_447 = arith.constant 0 : i32
      %dma_start3A_448 = arith.constant 0 : i32
      %dma_start3A_449 = arith.constant 0 : i32
      %dma_start3A_450 = tpu.memref_slice %arg14[%dma_start3A_448, %dma_start3A_449] : memref<256x128xbf16, #tpu.memory_space<vmem>> -> memref<128x128xbf16, #tpu.memory_space<vmem>>
      %dma_start3A_451 = arith.constant 0 : i32
      %dma_start3A_452 = tpu.memref_slice %arg12[%dma_start3A_447, %dma_start3A_451] : memref<2x128xi32, #tpu.memory_space<vmem>> -> memref<1x128xi32, #tpu.memory_space<vmem>>
      %dma_start3A_453 = tpu.memref_squeeze %dma_start3A_452 : memref<1x128xi32, #tpu.memory_space<vmem>> -> memref<128xi32, #tpu.memory_space<vmem>>
      %dma_start3A_454 = arith.constant 0 : i32
      %dma_start3A_455 = arith.constant 0 : i32
      %dma_start3A_456 = tpu.memref_slice %arg15[%dma_start3A_454, %dma_start3A_455] : memref<10240x128xbf16, #tpu.memory_space<vmem_shared>> -> memref<10240x128xbf16, #tpu.memory_space<vmem_shared>>
      tpu.enqueue_indirect_dma source(%dma_start3A_450 : memref<128x128xbf16, #tpu.memory_space<vmem>>) target(%dma_start3A_456 : memref<10240x128xbf16, #tpu.memory_space<vmem_shared>>) offsets(%dma_start3A_453 : memref<128xi32, #tpu.memory_space<vmem>>) semaphore(%arg20 : memref<!tpu.dma_semaphore, #tpu.memory_space<semaphore_mem>>) {add = true}
      %dma_start3A_457 = arith.constant 0 : i32
      %dma_start3A_458 = arith.constant 0 : i32
      %dma_start3A_459 = tpu.memref_slice %arg12[%dma_start3A_457, %dma_start3A_458] : memref<2x128xi32, #tpu.memory_space<vmem>> -> memref<1x128xi32, #tpu.memory_space<vmem>>
      %dma_start3A_460 = tpu.memref_squeeze %dma_start3A_459 : memref<1x128xi32, #tpu.memory_space<vmem>> -> memref<128xi32, #tpu.memory_space<vmem>>
      %dma_start3A_461 = arith.constant 0 : i32
      %dma_start3A_462 = arith.constant 0 : i32
      %dma_start3A_463 = tpu.memref_slice %arg27[%dma_start3A_461, %dma_start3A_462] : memref<10240x16xf32, #tpu.memory_space<vmem_shared>> -> memref<10240x16xf32, #tpu.memory_space<vmem_shared>>
      tpu.enqueue_indirect_dma source(%arg25 : memref<128x16xf32, #tpu.memory_space<vmem>>) target(%dma_start3A_463 : memref<10240x16xf32, #tpu.memory_space<vmem_shared>>) offsets(%dma_start3A_460 : memref<128xi32, #tpu.memory_space<vmem>>) semaphore(%arg20 : memref<!tpu.dma_semaphore, #tpu.memory_space<semaphore_mem>>) {add = true}
      %dma_start3A_464 = arith.constant 1 : i32
      %dma_start3A_465 = arith.constant 128 : i32
      %dma_start3A_466 = arith.constant 0 : i32
      %dma_start3A_467 = tpu.memref_slice %arg14[%dma_start3A_465, %dma_start3A_466] : memref<256x128xbf16, #tpu.memory_space<vmem>> -> memref<128x128xbf16, #tpu.memory_space<vmem>>
      %dma_start3A_468 = arith.constant 0 : i32
      %dma_start3A_469 = tpu.memref_slice %arg12[%dma_start3A_464, %dma_start3A_468] : memref<2x128xi32, #tpu.memory_space<vmem>> -> memref<1x128xi32, #tpu.memory_space<vmem>>
      %dma_start3A_470 = tpu.memref_squeeze %dma_start3A_469 : memref<1x128xi32, #tpu.memory_space<vmem>> -> memref<128xi32, #tpu.memory_space<vmem>>
      %dma_start3A_471 = arith.constant 0 : i32
      %dma_start3A_472 = arith.constant 0 : i32
      %dma_start3A_473 = tpu.memref_slice %arg15[%dma_start3A_471, %dma_start3A_472] : memref<10240x128xbf16, #tpu.memory_space<vmem_shared>> -> memref<10240x128xbf16, #tpu.memory_space<vmem_shared>>
      tpu.enqueue_indirect_dma source(%dma_start3A_467 : memref<128x128xbf16, #tpu.memory_space<vmem>>) target(%dma_start3A_473 : memref<10240x128xbf16, #tpu.memory_space<vmem_shared>>) offsets(%dma_start3A_470 : memref<128xi32, #tpu.memory_space<vmem>>) semaphore(%arg20 : memref<!tpu.dma_semaphore, #tpu.memory_space<semaphore_mem>>) {add = true}
      %dma_start3A_474 = arith.constant 1 : i32
      %dma_start3A_475 = arith.constant 0 : i32
      %dma_start3A_476 = tpu.memref_slice %arg12[%dma_start3A_474, %dma_start3A_475] : memref<2x128xi32, #tpu.memory_space<vmem>> -> memref<1x128xi32, #tpu.memory_space<vmem>>
      %dma_start3A_477 = tpu.memref_squeeze %dma_start3A_476 : memref<1x128xi32, #tpu.memory_space<vmem>> -> memref<128xi32, #tpu.memory_space<vmem>>
      %dma_start3A_478 = arith.constant 0 : i32
      %dma_start3A_479 = arith.constant 0 : i32
      %dma_start3A_480 = tpu.memref_slice %arg27[%dma_start3A_478, %dma_start3A_479] : memref<10240x16xf32, #tpu.memory_space<vmem_shared>> -> memref<10240x16xf32, #tpu.memory_space<vmem_shared>>
      tpu.enqueue_indirect_dma source(%arg25 : memref<128x16xf32, #tpu.memory_space<vmem>>) target(%dma_start3A_480 : memref<10240x16xf32, #tpu.memory_space<vmem_shared>>) offsets(%dma_start3A_477 : memref<128xi32, #tpu.memory_space<vmem>>) semaphore(%arg20 : memref<!tpu.dma_semaphore, #tpu.memory_space<semaphore_mem>>) {add = true}
    }
    %scan3A_91 = arith.constant 20 : i32
    %dma_wait3A = arith.constant 0 : i32
    %dma_wait3A_92 = arith.constant 0 : i32
    %dma_wait3A_93 = arith.constant 0 : i32
    %dma_wait3A_94 = tpu.memref_slice %arg13[%dma_wait3A_92, %dma_wait3A_93] : memref<256x128xbf16, #tpu.memory_space<vmem>> -> memref<128x128xbf16, #tpu.memory_space<vmem>>
    %dma_wait3A_95 = arith.constant 0 : i32
    %dma_wait3A_96 = tpu.memref_slice %arg9[%dma_wait3A, %dma_wait3A_95] : memref<2x128xi32, #tpu.memory_space<vmem>> -> memref<1x128xi32, #tpu.memory_space<vmem>>
    %dma_wait3A_97 = tpu.memref_squeeze %dma_wait3A_96 : memref<1x128xi32, #tpu.memory_space<vmem>> -> memref<128xi32, #tpu.memory_space<vmem>>
    %dma_wait3A_98 = arith.constant 0 : i32
    %dma_wait3A_99 = arith.constant 0 : i32
    %dma_wait3A_100 = tpu.memref_slice %arg16[%dma_wait3A_98, %dma_wait3A_99] : memref<10240x128xbf16, #tpu.memory_space<vmem_shared>> -> memref<10240x128xbf16, #tpu.memory_space<vmem_shared>>
    tpu.wait_indirect_dma semaphore(%arg17 : memref<!tpu.dma_semaphore, #tpu.memory_space<semaphore_mem>>) src(%dma_wait3A_100 : memref<10240x128xbf16, #tpu.memory_space<vmem_shared>>) dst(%dma_wait3A_94 : memref<128x128xbf16, #tpu.memory_space<vmem>>)
    %dma_wait3A_101 = arith.constant 1 : i32
    %dma_wait3A_102 = arith.constant 128 : i32
    %dma_wait3A_103 = arith.constant 0 : i32
    %dma_wait3A_104 = tpu.memref_slice %arg13[%dma_wait3A_102, %dma_wait3A_103] : memref<256x128xbf16, #tpu.memory_space<vmem>> -> memref<128x128xbf16, #tpu.memory_space<vmem>>
    %dma_wait3A_105 = arith.constant 0 : i32
    %dma_wait3A_106 = tpu.memref_slice %arg9[%dma_wait3A_101, %dma_wait3A_105] : memref<2x128xi32, #tpu.memory_space<vmem>> -> memref<1x128xi32, #tpu.memory_space<vmem>>
    %dma_wait3A_107 = tpu.memref_squeeze %dma_wait3A_106 : memref<1x128xi32, #tpu.memory_space<vmem>> -> memref<128xi32, #tpu.memory_space<vmem>>
    %dma_wait3A_108 = arith.constant 0 : i32
    %dma_wait3A_109 = arith.constant 0 : i32
    %dma_wait3A_110 = tpu.memref_slice %arg16[%dma_wait3A_108, %dma_wait3A_109] : memref<10240x128xbf16, #tpu.memory_space<vmem_shared>> -> memref<10240x128xbf16, #tpu.memory_space<vmem_shared>>
    tpu.wait_indirect_dma semaphore(%arg17 : memref<!tpu.dma_semaphore, #tpu.memory_space<semaphore_mem>>) src(%dma_wait3A_110 : memref<10240x128xbf16, #tpu.memory_space<vmem_shared>>) dst(%dma_wait3A_104 : memref<128x128xbf16, #tpu.memory_space<vmem>>)
    %dma_wait3A_111 = arith.constant 0 : i32
    %dma_wait3A_112 = arith.constant 0 : i32
    %dma_wait3A_113 = arith.constant 0 : i32
    %dma_wait3A_114 = tpu.memref_slice %arg14[%dma_wait3A_112, %dma_wait3A_113] : memref<256x128xbf16, #tpu.memory_space<vmem>> -> memref<128x128xbf16, #tpu.memory_space<vmem>>
    %dma_wait3A_115 = arith.constant 0 : i32
    %dma_wait3A_116 = tpu.memref_slice %arg12[%dma_wait3A_111, %dma_wait3A_115] : memref<2x128xi32, #tpu.memory_space<vmem>> -> memref<1x128xi32, #tpu.memory_space<vmem>>
    %dma_wait3A_117 = tpu.memref_squeeze %dma_wait3A_116 : memref<1x128xi32, #tpu.memory_space<vmem>> -> memref<128xi32, #tpu.memory_space<vmem>>
    %dma_wait3A_118 = arith.constant 0 : i32
    %dma_wait3A_119 = arith.constant 0 : i32
    %dma_wait3A_120 = tpu.memref_slice %arg15[%dma_wait3A_118, %dma_wait3A_119] : memref<10240x128xbf16, #tpu.memory_space<vmem_shared>> -> memref<10240x128xbf16, #tpu.memory_space<vmem_shared>>
    tpu.wait_indirect_dma semaphore(%arg20 : memref<!tpu.dma_semaphore, #tpu.memory_space<semaphore_mem>>) src(%dma_wait3A_114 : memref<128x128xbf16, #tpu.memory_space<vmem>>) dst(%dma_wait3A_120 : memref<10240x128xbf16, #tpu.memory_space<vmem_shared>>)
    %dma_wait3A_121 = arith.constant 0 : i32
    %dma_wait3A_122 = arith.constant 0 : i32
    %dma_wait3A_123 = tpu.memref_slice %arg12[%dma_wait3A_121, %dma_wait3A_122] : memref<2x128xi32, #tpu.memory_space<vmem>> -> memref<1x128xi32, #tpu.memory_space<vmem>>
    %dma_wait3A_124 = tpu.memref_squeeze %dma_wait3A_123 : memref<1x128xi32, #tpu.memory_space<vmem>> -> memref<128xi32, #tpu.memory_space<vmem>>
    %dma_wait3A_125 = arith.constant 0 : i32
    %dma_wait3A_126 = arith.constant 0 : i32
    %dma_wait3A_127 = tpu.memref_slice %arg27[%dma_wait3A_125, %dma_wait3A_126] : memref<10240x16xf32, #tpu.memory_space<vmem_shared>> -> memref<10240x16xf32, #tpu.memory_space<vmem_shared>>
    tpu.wait_indirect_dma semaphore(%arg20 : memref<!tpu.dma_semaphore, #tpu.memory_space<semaphore_mem>>) src(%arg25 : memref<128x16xf32, #tpu.memory_space<vmem>>) dst(%dma_wait3A_127 : memref<10240x16xf32, #tpu.memory_space<vmem_shared>>)
    %dma_wait3A_128 = arith.constant 1 : i32
    %dma_wait3A_129 = arith.constant 128 : i32
    %dma_wait3A_130 = arith.constant 0 : i32
    %dma_wait3A_131 = tpu.memref_slice %arg14[%dma_wait3A_129, %dma_wait3A_130] : memref<256x128xbf16, #tpu.memory_space<vmem>> -> memref<128x128xbf16, #tpu.memory_space<vmem>>
    %dma_wait3A_132 = arith.constant 0 : i32
    %dma_wait3A_133 = tpu.memref_slice %arg12[%dma_wait3A_128, %dma_wait3A_132] : memref<2x128xi32, #tpu.memory_space<vmem>> -> memref<1x128xi32, #tpu.memory_space<vmem>>
    %dma_wait3A_134 = tpu.memref_squeeze %dma_wait3A_133 : memref<1x128xi32, #tpu.memory_space<vmem>> -> memref<128xi32, #tpu.memory_space<vmem>>
    %dma_wait3A_135 = arith.constant 0 : i32
    %dma_wait3A_136 = arith.constant 0 : i32
    %dma_wait3A_137 = tpu.memref_slice %arg15[%dma_wait3A_135, %dma_wait3A_136] : memref<10240x128xbf16, #tpu.memory_space<vmem_shared>> -> memref<10240x128xbf16, #tpu.memory_space<vmem_shared>>
    tpu.wait_indirect_dma semaphore(%arg20 : memref<!tpu.dma_semaphore, #tpu.memory_space<semaphore_mem>>) src(%dma_wait3A_131 : memref<128x128xbf16, #tpu.memory_space<vmem>>) dst(%dma_wait3A_137 : memref<10240x128xbf16, #tpu.memory_space<vmem_shared>>)
    %dma_wait3A_138 = arith.constant 1 : i32
    %dma_wait3A_139 = arith.constant 0 : i32
    %dma_wait3A_140 = tpu.memref_slice %arg12[%dma_wait3A_138, %dma_wait3A_139] : memref<2x128xi32, #tpu.memory_space<vmem>> -> memref<1x128xi32, #tpu.memory_space<vmem>>
    %dma_wait3A_141 = tpu.memref_squeeze %dma_wait3A_140 : memref<1x128xi32, #tpu.memory_space<vmem>> -> memref<128xi32, #tpu.memory_space<vmem>>
    %dma_wait3A_142 = arith.constant 0 : i32
    %dma_wait3A_143 = arith.constant 0 : i32
    %dma_wait3A_144 = tpu.memref_slice %arg27[%dma_wait3A_142, %dma_wait3A_143] : memref<10240x16xf32, #tpu.memory_space<vmem_shared>> -> memref<10240x16xf32, #tpu.memory_space<vmem_shared>>
    tpu.wait_indirect_dma semaphore(%arg20 : memref<!tpu.dma_semaphore, #tpu.memory_space<semaphore_mem>>) src(%arg25 : memref<128x16xf32, #tpu.memory_space<vmem>>) dst(%dma_wait3A_144 : memref<10240x16xf32, #tpu.memory_space<vmem_shared>>)
    %add3A_145 = arith.constant 0 : i32
    %add3A_146 = arith.addi %mul3A_10, %add3A_145 : i32
    %dma_wait3A_147 = arith.constant 0 : i32
    %dma_wait3A_148 = arith.constant 0 : i32
    %dma_wait3A_149 = tpu.memref_slice %arg3[%dma_wait3A_147, %add3A_146, %dma_wait3A_148] : memref<2x2564x128xi32, #tpu.memory_space<hbm>> -> memref<1x2x128xi32, #tpu.memory_space<hbm>>
    %dma_wait3A_150 = tpu.memref_squeeze %dma_wait3A_149 : memref<1x2x128xi32, #tpu.memory_space<hbm>> -> memref<2x128xi32, #tpu.memory_space<hbm>>
    %dma_wait3A_151 = arith.constant 0 : i32
    %dma_wait3A_152 = tpu.memref_slice %arg3[%dma_wait3A_147, %add3A_146, %dma_wait3A_151] : memref<2x2564x128xi32, #tpu.memory_space<hbm>> -> memref<1x2x128xi32, #tpu.memory_space<hbm>>
    %dma_wait3A_153 = tpu.memref_squeeze %dma_wait3A_152 : memref<1x2x128xi32, #tpu.memory_space<hbm>> -> memref<2x128xi32, #tpu.memory_space<hbm>>
    tpu.wait_dma2 semaphore(%arg22 : memref<!tpu.dma_semaphore, #tpu.memory_space<semaphore_mem>>) src(%dma_wait3A_153 : memref<2x128xi32, #tpu.memory_space<hbm>>) dst(%arg10 : memref<2x128xi32, #tpu.memory_space<vmem>>)
    %add3A_154 = arith.constant 0 : i32
    %add3A_155 = arith.addi %mul3A_10, %add3A_154 : i32
    %dma_wait3A_156 = arith.constant 1 : i32
    %dma_wait3A_157 = arith.constant 0 : i32
    %dma_wait3A_158 = tpu.memref_slice %arg3[%dma_wait3A_156, %add3A_155, %dma_wait3A_157] : memref<2x2564x128xi32, #tpu.memory_space<hbm>> -> memref<1x2x128xi32, #tpu.memory_space<hbm>>
    %dma_wait3A_159 = tpu.memref_squeeze %dma_wait3A_158 : memref<1x2x128xi32, #tpu.memory_space<hbm>> -> memref<2x128xi32, #tpu.memory_space<hbm>>
    %dma_wait3A_160 = arith.constant 0 : i32
    %dma_wait3A_161 = tpu.memref_slice %arg3[%dma_wait3A_156, %add3A_155, %dma_wait3A_160] : memref<2x2564x128xi32, #tpu.memory_space<hbm>> -> memref<1x2x128xi32, #tpu.memory_space<hbm>>
    %dma_wait3A_162 = tpu.memref_squeeze %dma_wait3A_161 : memref<1x2x128xi32, #tpu.memory_space<hbm>> -> memref<2x128xi32, #tpu.memory_space<hbm>>
    tpu.wait_dma2 semaphore(%arg23 : memref<!tpu.dma_semaphore, #tpu.memory_space<semaphore_mem>>) src(%dma_wait3A_162 : memref<2x128xi32, #tpu.memory_space<hbm>>) dst(%arg11 : memref<2x128xi32, #tpu.memory_space<vmem>>)
    %barrier3A_163 = arith.constant 0 : index
    tpu.barrier barrier_id(%barrier3A_163)
    %mul3A_164 = arith.constant 640 : i32
    %mul3A_165 = arith.muli %arg1, %mul3A_164 : i32
    %mul3A_166 = arith.constant 640 : i32
    %mul3A_167 = arith.muli %arg1, %mul3A_166 : i32
    "tpu.region"() ({
      %run_scoped3A_172 = tpu.sem_alloc : memref<!tpu.dma_semaphore, #tpu.memory_space<semaphore_mem>>
      %dma_start3A_173 = arith.constant 0 : i32
      %dma_start3A_174 = tpu.memref_slice %arg7[%arg0, %mul3A_167, %dma_start3A_173] : memref<2x10240x128xbf16, #tpu.memory_space<hbm>> -> memref<1x640x128xbf16, #tpu.memory_space<hbm>>
      %dma_start3A_175 = tpu.memref_squeeze %dma_start3A_174 : memref<1x640x128xbf16, #tpu.memory_space<hbm>> -> memref<640x128xbf16, #tpu.memory_space<hbm>>
      %dma_start3A_176 = arith.constant 0 : i32
      %dma_start3A_177 = tpu.memref_slice %arg15[%mul3A_165, %dma_start3A_176] : memref<10240x128xbf16, #tpu.memory_space<vmem_shared>> -> memref<640x128xbf16, #tpu.memory_space<vmem_shared>>
      tpu.enqueue_dma source(%dma_start3A_177 : memref<640x128xbf16, #tpu.memory_space<vmem_shared>>) target(%dma_start3A_175 : memref<640x128xbf16, #tpu.memory_space<hbm>>) target_semaphore(%run_scoped3A_172 : memref<!tpu.dma_semaphore, #tpu.memory_space<semaphore_mem>>)
      %dma_wait3A_178 = arith.constant 0 : i32
      %dma_wait3A_179 = tpu.memref_slice %arg7[%arg0, %mul3A_167, %dma_wait3A_178] : memref<2x10240x128xbf16, #tpu.memory_space<hbm>> -> memref<1x640x128xbf16, #tpu.memory_space<hbm>>
      %dma_wait3A_180 = tpu.memref_squeeze %dma_wait3A_179 : memref<1x640x128xbf16, #tpu.memory_space<hbm>> -> memref<640x128xbf16, #tpu.memory_space<hbm>>
      %dma_wait3A_181 = arith.constant 0 : i32
      %dma_wait3A_182 = tpu.memref_slice %arg15[%mul3A_165, %dma_wait3A_181] : memref<10240x128xbf16, #tpu.memory_space<vmem_shared>> -> memref<640x128xbf16, #tpu.memory_space<vmem_shared>>
      tpu.wait_dma2 semaphore(%run_scoped3A_172 : memref<!tpu.dma_semaphore, #tpu.memory_space<semaphore_mem>>) src(%dma_wait3A_182 : memref<640x128xbf16, #tpu.memory_space<vmem_shared>>) dst(%dma_wait3A_180 : memref<640x128xbf16, #tpu.memory_space<hbm>>)
      tpu.yield
    }) : () -> ()
    %mul3A_168 = arith.constant 640 : i32
    %mul3A_169 = arith.muli %arg1, %mul3A_168 : i32
    %mul3A_170 = arith.constant 640 : i32
    %mul3A_171 = arith.muli %arg1, %mul3A_170 : i32
    "tpu.region"() ({
      %run_scoped3A_172 = tpu.sem_alloc : memref<!tpu.dma_semaphore, #tpu.memory_space<semaphore_mem>>
      %dma_start3A_173 = arith.constant 0 : i32
      %dma_start3A_174 = tpu.memref_slice %arg8[%arg0, %mul3A_171, %dma_start3A_173] : memref<2x10240x16xf32, #tpu.memory_space<hbm>> -> memref<1x640x16xf32, #tpu.memory_space<hbm>>
      %dma_start3A_175 = tpu.memref_squeeze %dma_start3A_174 : memref<1x640x16xf32, #tpu.memory_space<hbm>> -> memref<640x16xf32, #tpu.memory_space<hbm>>
      %dma_start3A_176 = arith.constant 0 : i32
      %dma_start3A_177 = tpu.memref_slice %arg27[%mul3A_169, %dma_start3A_176] : memref<10240x16xf32, #tpu.memory_space<vmem_shared>> -> memref<640x16xf32, #tpu.memory_space<vmem_shared>>
      tpu.enqueue_dma source(%dma_start3A_177 : memref<640x16xf32, #tpu.memory_space<vmem_shared>>) target(%dma_start3A_175 : memref<640x16xf32, #tpu.memory_space<hbm>>) target_semaphore(%run_scoped3A_172 : memref<!tpu.dma_semaphore, #tpu.memory_space<semaphore_mem>>)
      %dma_wait3A_178 = arith.constant 0 : i32
      %dma_wait3A_179 = tpu.memref_slice %arg8[%arg0, %mul3A_171, %dma_wait3A_178] : memref<2x10240x16xf32, #tpu.memory_space<hbm>> -> memref<1x640x16xf32, #tpu.memory_space<hbm>>
      %dma_wait3A_180 = tpu.memref_squeeze %dma_wait3A_179 : memref<1x640x16xf32, #tpu.memory_space<hbm>> -> memref<640x16xf32, #tpu.memory_space<hbm>>
      %dma_wait3A_181 = arith.constant 0 : i32
      %dma_wait3A_182 = tpu.memref_slice %arg27[%mul3A_169, %dma_wait3A_181] : memref<10240x16xf32, #tpu.memory_space<vmem_shared>> -> memref<640x16xf32, #tpu.memory_space<vmem_shared>>
      tpu.wait_dma2 semaphore(%run_scoped3A_172 : memref<!tpu.dma_semaphore, #tpu.memory_space<semaphore_mem>>) src(%dma_wait3A_182 : memref<640x16xf32, #tpu.memory_space<vmem_shared>>) dst(%dma_wait3A_180 : memref<640x16xf32, #tpu.memory_space<hbm>>)
      tpu.yield
    }) : () -> ()
    return
  }
}

module attributes {stable_mosaic.version = 14 : i64} {
  func.func @_dense_body(%arg0: i32, %arg1: memref<2x2048x128xbf16, #tpu.memory_space<vmem>>, %arg2: memref<2x2048x16xf32, #tpu.memory_space<vmem>>, %arg3: memref<2048x128xbf16, #tpu.memory_space<vmem>>, %arg4: memref<128x128xf32, #tpu.memory_space<vmem>>, %arg5: memref<128x128xf32, #tpu.memory_space<vmem>>, %arg6: memref<1x128xf32, #tpu.memory_space<vmem>>, %arg7: memref<2048x128xf32, #tpu.memory_space<vmem>>) attributes {dimension_semantics = [#tpu.dimension_semantics<arbitrary>], iteration_bounds = array<i64: 5>, scalar_prefetch = 0 : i64, scratch_operands = 0 : i64, tpu.core_type = #tpu.core_type<tc>, window_params = [{transform_indices = @transform_0, window_bounds = array<i64: 2, 2048, 128>}, {transform_indices = @transform_1, window_bounds = array<i64: 2, 2048, 16>}, {transform_indices = @transform_2, window_bounds = array<i64: 2048, 128>}, {pipeline_mode = #tpu.pipeline_mode<synchronous>, transform_indices = @transform_3, window_bounds = array<i64: 128, 128>}, {pipeline_mode = #tpu.pipeline_mode<synchronous>, transform_indices = @transform_4, window_bounds = array<i64: 128, 128>}, {pipeline_mode = #tpu.pipeline_mode<synchronous>, transform_indices = @transform_5, window_bounds = array<i64: 1, 128>}, {transform_indices = @transform_6, window_bounds = array<i64: 2048, 128>}]} {
    %get3A = arith.constant 0 : index
    %get3A_0 = arith.constant 0 : index
    %get3A_1 = arith.constant 0 : index
    %get3A_2 = vector.load %arg1[%get3A, %get3A_0, %get3A_1] : memref<2x2048x128xbf16, #tpu.memory_space<vmem>>, vector<1x2048x128xbf16>
    %get3A_3 = vector.shape_cast %get3A_2 : vector<1x2048x128xbf16> to vector<2048x128xbf16>
    %convert_element_type3A = arith.extf %get3A_3 : vector<2048x128xbf16> to vector<2048x128xf32>
    %get3A_4 = arith.constant 1 : index
    %get3A_5 = arith.constant 0 : index
    %get3A_6 = arith.constant 0 : index
    %get3A_7 = vector.load %arg1[%get3A_4, %get3A_5, %get3A_6] : memref<2x2048x128xbf16, #tpu.memory_space<vmem>>, vector<1x2048x128xbf16>
    %get3A_8 = vector.shape_cast %get3A_7 : vector<1x2048x128xbf16> to vector<2048x128xbf16>
    %convert_element_type3A_9 = arith.extf %get3A_8 : vector<2048x128xbf16> to vector<2048x128xf32>
    %add3A = arith.addf %convert_element_type3A, %convert_element_type3A_9 : vector<2048x128xf32>
    %get3A_10 = arith.constant 0 : index
    %get3A_11 = arith.constant 0 : index
    %get3A_12 = arith.constant 0 : index
    %get3A_13 = vector.load %arg2[%get3A_10, %get3A_11, %get3A_12] : memref<2x2048x16xf32, #tpu.memory_space<vmem>>, vector<1x2048x1xf32>
    %get3A_14 = vector.shape_cast %get3A_13 : vector<1x2048x1xf32> to vector<2048x1xf32>
    %get3A_15 = arith.constant 1 : index
    %get3A_16 = arith.constant 0 : index
    %get3A_17 = arith.constant 0 : index
    %get3A_18 = vector.load %arg2[%get3A_15, %get3A_16, %get3A_17] : memref<2x2048x16xf32, #tpu.memory_space<vmem>>, vector<1x2048x1xf32>
    %get3A_19 = vector.shape_cast %get3A_18 : vector<1x2048x1xf32> to vector<2048x1xf32>
    %add3A_20 = arith.addf %get3A_14, %get3A_19 : vector<2048x1xf32>
    %jit3A = arith.constant 1.000000e+00 : f32
    %max3A = vector.broadcast %jit3A : f32 to vector<2048x1xf32>
    %max3A_21 = arith.maximumf %max3A, %add3A_20 : vector<2048x1xf32>
    %div3A = vector.broadcast %max3A_21 : vector<2048x1xf32> to vector<2048x128xf32>
    %div3A_22 = arith.divf %add3A, %div3A : vector<2048x128xf32>
    %get3A_23 = arith.constant 0 : index
    %get3A_24 = arith.constant 0 : index
    %get3A_25 = vector.load %arg3[%get3A_23, %get3A_24] : memref<2048x128xbf16, #tpu.memory_space<vmem>>, vector<2048x128xbf16>
    %convert_element_type3A_26 = arith.extf %get3A_25 : vector<2048x128xbf16> to vector<2048x128xf32>
    %get3A_27 = arith.constant 0 : index
    %get3A_28 = arith.constant 0 : index
    %get3A_29 = vector.load %arg4[%get3A_27, %get3A_28] : memref<128x128xf32, #tpu.memory_space<vmem>>, vector<128x128xf32>
    %dot_general3A = arith.constant dense<0.000000e+00> : vector<2048x128xf32>
    %dot_general3A_30 = tpu.matmul %div3A_22, %get3A_29, %dot_general3A {dimension_numbers = #tpu.dot_dimension_numbers<[1], [0], [0], [1], [0, 0, 1, 1], [], []>, transpose_lhs_hint = false} : vector<2048x128xf32>, vector<128x128xf32>, vector<2048x128xf32> -> vector<2048x128xf32>
    %get3A_31 = arith.constant 0 : index
    %get3A_32 = arith.constant 0 : index
    %get3A_33 = vector.load %arg5[%get3A_31, %get3A_32] : memref<128x128xf32, #tpu.memory_space<vmem>>, vector<128x128xf32>
    %dot_general3A_34 = arith.constant dense<0.000000e+00> : vector<2048x128xf32>
    %dot_general3A_35 = tpu.matmul %convert_element_type3A_26, %get3A_33, %dot_general3A_34 {dimension_numbers = #tpu.dot_dimension_numbers<[1], [0], [0], [1], [0, 0, 1, 1], [], []>, transpose_lhs_hint = false} : vector<2048x128xf32>, vector<128x128xf32>, vector<2048x128xf32> -> vector<2048x128xf32>
    %add3A_36 = arith.addf %dot_general3A_30, %dot_general3A_35 : vector<2048x128xf32>
    %get3A_37 = arith.constant 0 : index
    %get3A_38 = arith.constant 0 : index
    %get3A_39 = vector.load %arg6[%get3A_37, %get3A_38] : memref<1x128xf32, #tpu.memory_space<vmem>>, vector<1x128xf32>
    %add3A_40 = vector.broadcast %get3A_39 : vector<1x128xf32> to vector<2048x128xf32>
    %add3A_41 = arith.addf %add3A_36, %add3A_40 : vector<2048x128xf32>
    %swap3A = arith.constant 0 : index
    %swap3A_42 = arith.constant 0 : index
    %swap3A_43 = vector.load %arg7[%swap3A, %swap3A_42] : memref<2048x128xf32, #tpu.memory_space<vmem>>, vector<2048x128xf32>
    tpu.vector_store %arg7[%swap3A, %swap3A_42], %add3A_41 {strides = array<i32>} : memref<2048x128xf32, #tpu.memory_space<vmem>>, vector<2048x128xf32>,
    return
  }
  func.func @transform_0(%arg0: i32) -> (i32, i32, i32) {
    %c0_i32 = arith.constant 0 : i32
    %c0_i32_0 = arith.constant 0 : i32
    %c0_i32_1 = arith.constant 0 : i32
    return %c0_i32, %arg0, %c0_i32_0 : i32, i32, i32
  }
  func.func @transform_1(%arg0: i32) -> (i32, i32, i32) {
    %c0_i32 = arith.constant 0 : i32
    %c0_i32_0 = arith.constant 0 : i32
    %c0_i32_1 = arith.constant 0 : i32
    return %c0_i32, %arg0, %c0_i32_0 : i32, i32, i32
  }
  func.func @transform_2(%arg0: i32) -> (i32, i32) {
    %c0_i32 = arith.constant 0 : i32
    %c0_i32_0 = arith.constant 0 : i32
    return %arg0, %c0_i32 : i32, i32
  }
  func.func @transform_3(%arg0: i32) -> (i32, i32) {
    %c0_i32 = arith.constant 0 : i32
    %c0_i32_0 = arith.constant 0 : i32
    %c0_i32_1 = arith.constant 0 : i32
    return %c0_i32, %c0_i32_0 : i32, i32
  }
  func.func @transform_4(%arg0: i32) -> (i32, i32) {
    %c0_i32 = arith.constant 0 : i32
    %c0_i32_0 = arith.constant 0 : i32
    %c0_i32_1 = arith.constant 0 : i32
    return %c0_i32, %c0_i32_0 : i32, i32
  }
  func.func @transform_5(%arg0: i32) -> (i32, i32) {
    %c0_i32 = arith.constant 0 : i32
    %c0_i32_0 = arith.constant 0 : i32
    %c0_i32_1 = arith.constant 0 : i32
    return %c0_i32, %c0_i32_0 : i32, i32
  }
  func.func @transform_6(%arg0: i32) -> (i32, i32) {
    %c0_i32 = arith.constant 0 : i32
    %c0_i32_0 = arith.constant 0 : i32
    return %arg0, %c0_i32 : i32, i32
  }
}

module attributes {stable_mosaic.version = 14 : i64} {
  func.func @_dense_body(%arg0: i32, %arg1: memref<2x2048x128xbf16, #tpu.memory_space<vmem>>, %arg2: memref<2x2048x16xf32, #tpu.memory_space<vmem>>, %arg3: memref<2048x128xbf16, #tpu.memory_space<vmem>>, %arg4: memref<128x128xf32, #tpu.memory_space<vmem>>, %arg5: memref<128x128xf32, #tpu.memory_space<vmem>>, %arg6: memref<1x128xf32, #tpu.memory_space<vmem>>, %arg7: memref<2048x128xbf16, #tpu.memory_space<vmem>>) attributes {dimension_semantics = [#tpu.dimension_semantics<arbitrary>], iteration_bounds = array<i64: 5>, scalar_prefetch = 0 : i64, scratch_operands = 0 : i64, tpu.core_type = #tpu.core_type<tc>, window_params = [{transform_indices = @transform_0, window_bounds = array<i64: 2, 2048, 128>}, {transform_indices = @transform_1, window_bounds = array<i64: 2, 2048, 16>}, {transform_indices = @transform_2, window_bounds = array<i64: 2048, 128>}, {pipeline_mode = #tpu.pipeline_mode<synchronous>, transform_indices = @transform_3, window_bounds = array<i64: 128, 128>}, {pipeline_mode = #tpu.pipeline_mode<synchronous>, transform_indices = @transform_4, window_bounds = array<i64: 128, 128>}, {pipeline_mode = #tpu.pipeline_mode<synchronous>, transform_indices = @transform_5, window_bounds = array<i64: 1, 128>}, {transform_indices = @transform_6, window_bounds = array<i64: 2048, 128>}]} {
    %get3A = arith.constant 0 : index
    %get3A_0 = arith.constant 0 : index
    %get3A_1 = arith.constant 0 : index
    %get3A_2 = vector.load %arg1[%get3A, %get3A_0, %get3A_1] : memref<2x2048x128xbf16, #tpu.memory_space<vmem>>, vector<1x2048x128xbf16>
    %get3A_3 = vector.shape_cast %get3A_2 : vector<1x2048x128xbf16> to vector<2048x128xbf16>
    %convert_element_type3A = arith.extf %get3A_3 : vector<2048x128xbf16> to vector<2048x128xf32>
    %get3A_4 = arith.constant 1 : index
    %get3A_5 = arith.constant 0 : index
    %get3A_6 = arith.constant 0 : index
    %get3A_7 = vector.load %arg1[%get3A_4, %get3A_5, %get3A_6] : memref<2x2048x128xbf16, #tpu.memory_space<vmem>>, vector<1x2048x128xbf16>
    %get3A_8 = vector.shape_cast %get3A_7 : vector<1x2048x128xbf16> to vector<2048x128xbf16>
    %convert_element_type3A_9 = arith.extf %get3A_8 : vector<2048x128xbf16> to vector<2048x128xf32>
    %add3A = arith.addf %convert_element_type3A, %convert_element_type3A_9 : vector<2048x128xf32>
    %get3A_10 = arith.constant 0 : index
    %get3A_11 = arith.constant 0 : index
    %get3A_12 = arith.constant 0 : index
    %get3A_13 = vector.load %arg2[%get3A_10, %get3A_11, %get3A_12] : memref<2x2048x16xf32, #tpu.memory_space<vmem>>, vector<1x2048x1xf32>
    %get3A_14 = vector.shape_cast %get3A_13 : vector<1x2048x1xf32> to vector<2048x1xf32>
    %get3A_15 = arith.constant 1 : index
    %get3A_16 = arith.constant 0 : index
    %get3A_17 = arith.constant 0 : index
    %get3A_18 = vector.load %arg2[%get3A_15, %get3A_16, %get3A_17] : memref<2x2048x16xf32, #tpu.memory_space<vmem>>, vector<1x2048x1xf32>
    %get3A_19 = vector.shape_cast %get3A_18 : vector<1x2048x1xf32> to vector<2048x1xf32>
    %add3A_20 = arith.addf %get3A_14, %get3A_19 : vector<2048x1xf32>
    %jit3A = arith.constant 1.000000e+00 : f32
    %max3A = vector.broadcast %jit3A : f32 to vector<2048x1xf32>
    %max3A_21 = arith.maximumf %max3A, %add3A_20 : vector<2048x1xf32>
    %div3A = vector.broadcast %max3A_21 : vector<2048x1xf32> to vector<2048x128xf32>
    %div3A_22 = arith.divf %add3A, %div3A : vector<2048x128xf32>
    %get3A_23 = arith.constant 0 : index
    %get3A_24 = arith.constant 0 : index
    %get3A_25 = vector.load %arg3[%get3A_23, %get3A_24] : memref<2048x128xbf16, #tpu.memory_space<vmem>>, vector<2048x128xbf16>
    %convert_element_type3A_26 = arith.extf %get3A_25 : vector<2048x128xbf16> to vector<2048x128xf32>
    %get3A_27 = arith.constant 0 : index
    %get3A_28 = arith.constant 0 : index
    %get3A_29 = vector.load %arg4[%get3A_27, %get3A_28] : memref<128x128xf32, #tpu.memory_space<vmem>>, vector<128x128xf32>
    %dot_general3A = arith.constant dense<0.000000e+00> : vector<2048x128xf32>
    %dot_general3A_30 = tpu.matmul %div3A_22, %get3A_29, %dot_general3A {dimension_numbers = #tpu.dot_dimension_numbers<[1], [0], [0], [1], [0, 0, 1, 1], [], []>, transpose_lhs_hint = false} : vector<2048x128xf32>, vector<128x128xf32>, vector<2048x128xf32> -> vector<2048x128xf32>
    %get3A_31 = arith.constant 0 : index
    %get3A_32 = arith.constant 0 : index
    %get3A_33 = vector.load %arg5[%get3A_31, %get3A_32] : memref<128x128xf32, #tpu.memory_space<vmem>>, vector<128x128xf32>
    %dot_general3A_34 = arith.constant dense<0.000000e+00> : vector<2048x128xf32>
    %dot_general3A_35 = tpu.matmul %convert_element_type3A_26, %get3A_33, %dot_general3A_34 {dimension_numbers = #tpu.dot_dimension_numbers<[1], [0], [0], [1], [0, 0, 1, 1], [], []>, transpose_lhs_hint = false} : vector<2048x128xf32>, vector<128x128xf32>, vector<2048x128xf32> -> vector<2048x128xf32>
    %add3A_36 = arith.addf %dot_general3A_30, %dot_general3A_35 : vector<2048x128xf32>
    %get3A_37 = arith.constant 0 : index
    %get3A_38 = arith.constant 0 : index
    %get3A_39 = vector.load %arg6[%get3A_37, %get3A_38] : memref<1x128xf32, #tpu.memory_space<vmem>>, vector<1x128xf32>
    %add3A_40 = vector.broadcast %get3A_39 : vector<1x128xf32> to vector<2048x128xf32>
    %add3A_41 = arith.addf %add3A_36, %add3A_40 : vector<2048x128xf32>
    %max3A_42 = arith.constant 0.000000e+00 : f32
    %max3A_43 = vector.broadcast %max3A_42 : f32 to vector<2048x128xf32>
    %max3A_44 = arith.maximumf %add3A_41, %max3A_43 : vector<2048x128xf32>
    %convert_element_type3A_45 = arith.truncf %max3A_44 : vector<2048x128xf32> to vector<2048x128xbf16>
    %swap3A = arith.constant 0 : index
    %swap3A_46 = arith.constant 0 : index
    %swap3A_47 = vector.load %arg7[%swap3A, %swap3A_46] : memref<2048x128xbf16, #tpu.memory_space<vmem>>, vector<2048x128xbf16>
    tpu.vector_store %arg7[%swap3A, %swap3A_46], %convert_element_type3A_45 {strides = array<i32>} : memref<2048x128xbf16, #tpu.memory_space<vmem>>, vector<2048x128xbf16>,
    return
  }
  func.func @transform_0(%arg0: i32) -> (i32, i32, i32) {
    %c0_i32 = arith.constant 0 : i32
    %c0_i32_0 = arith.constant 0 : i32
    %c0_i32_1 = arith.constant 0 : i32
    return %c0_i32, %arg0, %c0_i32_0 : i32, i32, i32
  }
  func.func @transform_1(%arg0: i32) -> (i32, i32, i32) {
    %c0_i32 = arith.constant 0 : i32
    %c0_i32_0 = arith.constant 0 : i32
    %c0_i32_1 = arith.constant 0 : i32
    return %c0_i32, %arg0, %c0_i32_0 : i32, i32, i32
  }
  func.func @transform_2(%arg0: i32) -> (i32, i32) {
    %c0_i32 = arith.constant 0 : i32
    %c0_i32_0 = arith.constant 0 : i32
    return %arg0, %c0_i32 : i32, i32
  }
  func.func @transform_3(%arg0: i32) -> (i32, i32) {
    %c0_i32 = arith.constant 0 : i32
    %c0_i32_0 = arith.constant 0 : i32
    %c0_i32_1 = arith.constant 0 : i32
    return %c0_i32, %c0_i32_0 : i32, i32
  }
  func.func @transform_4(%arg0: i32) -> (i32, i32) {
    %c0_i32 = arith.constant 0 : i32
    %c0_i32_0 = arith.constant 0 : i32
    %c0_i32_1 = arith.constant 0 : i32
    return %c0_i32, %c0_i32_0 : i32, i32
  }
  func.func @transform_5(%arg0: i32) -> (i32, i32) {
    %c0_i32 = arith.constant 0 : i32
    %c0_i32_0 = arith.constant 0 : i32
    %c0_i32_1 = arith.constant 0 : i32
    return %c0_i32, %c0_i32_0 : i32, i32
  }
  func.func @transform_6(%arg0: i32) -> (i32, i32) {
    %c0_i32 = arith.constant 0 : i32
    %c0_i32_0 = arith.constant 0 : i32
    return %arg0, %c0_i32 : i32, i32
  }
}

</mosaic_0001>

<sc_bundles>
// kernel: kernel.6.cloned.1.call-start
scs
__scs_entry_jumppad:
0x0: {  	(pc) =	sbr.rel $0x88, $3  }
0x1: {  	(tag) =	ssettag $0x0;
	lr =	simm.s32 $0x1  }
0x2: {  	[smem:$0x3F99] =	sst lr;
	_ =	strace $0xD0000000  }
0x3: {  	_ = 	snop  }
0x4: {  	_ = 	snop  }
0x5: {  	_ = 	snop  }
0x6: {  	_ = 	snop  }
0x7: {  	_ = 	snop  }
__scs_overlays_trampoline_lowered:
0x8: {  	[smem:$0x3FA8] =	sst s0  }
0x9: {  	[smem:$0x3FA9] =	sst s1  }
0xa: {  	[smem:$0x3FAA] =	sst s2  }
0xb: {  	[smem:$0x3FAB] =	sst s3  }
0xc: {  	[smem:$0x3FAC] =	sst s4  }
0xd: {  	[smem:$0x3FAD] =	sst s5  }
0xe: {  	[smem:$0x3FAE] =	sst s6  }
0xf: {  	[smem:$0x3FAF] =	sst s7  }
0x10: {  	[smem:$0x3FB0] =	sst s8  }
0x11: {  	[smem:$0x3FB1] =	sst s9;
	s0 =	simm.s32 @!p0 $0x0  }
0x12: {  	s1 =	sld [smem:$0x3F97];
	s0 =	simm.s32 @p0 $0x1  }
0x13: {  	[smem:$0x3FB2] =	sst s0;
	s0 =	simm.s32 @!p1 $0x0  }
0x14: {  	s2 =	sld [smem:$0x3F96];
	s0 =	simm.s32 @p1 $0x1  }
0x15: {  	[smem:$0x3FB3] =	sst s0;
	s0 =	simm.s32 @!p2 $0x0  }
0x16: {  	s3 =	sld [smem:$0x3FDB];
	s0 =	simm.s32 @p2 $0x1  }
0x17: {  	s4 =	simm.s32 $0x1BF5;
	[smem:$0x3FB5] =	sst s0  }
0x18: {  	s0 =	sld [smem:$0x3F98];
	_ =	swait.ge [sflag:s4], $0x0  }
0x19: {  	s7 =	sld [smem:$0x3F99]  }
0x1a: {  	s8 =	sadd.s32 $0xFFFFE003, lr  }
0x1b: {  	s9 =	sadd.s32 $0xFFFFFEF7, lr;
	s5 =	simm.s32 $0xFFFFFFFF;
	p2 =	slt.u32 s8, $0xFFFFF086  }
0x1c: {  	p1 =	slt.u32 s9, $0xF7A;
	s5 =	simm.s32 @!p2 $0x0  }
0x1d: {  	s5 =	simm.s32 @p1 $0x1;
	p0 =	seq.s32 s7, s2  }
0x1e: {  	s7 =	smul.u32 @!p0 $0xF7A, s2;
	p2 =	seq.s32 @!p0 s5, $0x0  }
0x1f: {  	s9 =	smul.u32 $0xF7A, s1;
	s8 =	simm.s32 @!p0 $0x1BF5;
	p2 =	por !p2, p0  }
0x20: {  	[sflag:s8] =	ssyncset.s32 @!p0 $0xFFFFF086;
	s6 =	sadd.s32 @!p0 s3, s7;
	s7 =	simm.s32 @!p0 $0x108  }
0x21: {  	s3 =	sadd.s32 s3, s9;
	s6 =	sadd.s32 @!p0 $0x88, s6;
	s7 =	simm.s32 @p2 $0x1082  }
0x22: {  	[simem:s7], [sflag:s8] =	dma.local @!p0 [hbm:s6], $0xF7A  }
0x23: {  	s9 =	sor.u32 $0xD0000000, s2;
	s6 =	simm.s32 $0x108;
	_ =	swait.ge @!p0 [sflag:s8], $0x0  }
0x24: {  	s3 =	sadd.s32 $0x88, s3;
	s6 =	simm.s32 @!p1 $0x1082;
	[sflag:s4] =	ssyncset.s32 $0xFFFFF086  }
0x25: {  	[simem:s6], [sflag:s4] =	dma.local [hbm:s3], $0xF7A  }
0x26: {  	[smem:$0x3F99] =	sst s1;
	(tag) =	ssettag s2;
	_ =	strace s9  }
0x27: {  	s1 =	sld [smem:$0x3FA9]  }
0x28: {  	s2 =	sld [smem:$0x3FAA]  }
0x29: {  	s4 =	sld [smem:$0x3FAC]  }
0x2a: {  	p0 =	seq.s32 s5, $0x0;
	s5 =	sld [smem:$0x3FAD]  }
0x2b: {  	s6 =	sld [smem:$0x3FAE]  }
0x2c: {  	s7 =	sld [smem:$0x3FAF]  }
0x2d: {  	s3 =	simm.s32 $0x108;
	s8 =	sld [smem:$0x3FB0]  }
0x2e: {  	s3 =	simm.s32 @!p0 $0x1082;
	s9 =	sld [smem:$0x3FB1]  }
0x2f: {  	lr =	sadd.s32 s0, s3;
	s0 =	sld [smem:$0x3FA8]  }
0x30: {  	s3 =	sld [smem:$0x3FAB]  }
0x31: {  	[smem:$0x3FB4] =	sst s10  }
0x32: {  	s10 =	sld [smem:$0x3FB2];
	_ =	sdelay $0x3  }
0x33: {  	p0 =	seq.s32 s10, $0x1;
	s10 =	sld [smem:$0x3FB4];
	_ =	sdelay $0x3  }
0x34: {  	[smem:$0x3FB4] =	sst s10  }
0x35: {  	s10 =	sld [smem:$0x3FB3];
	_ =	sdelay $0x3  }
0x36: {  	p1 =	seq.s32 s10, $0x1;
	s10 =	sld [smem:$0x3FB4];
	_ =	sdelay $0x3  }
0x37: {  	[smem:$0x3FB4] =	sst s10  }
0x38: {  	s10 =	sld [smem:$0x3FB5]  }
0x39: {  	_ = 	snop;
	(pc) =	sbr.ind lr, $3  }
0x3a: {  	_ = 	snop  }
0x3b: {  	_ = 	snop  }
0x3c: {  	p2 =	seq.s32 s10, $0x1;
	s10 =	sld [smem:$0x3FB4]  }
0x3d: {  	_ =	shalt  }
0x3e: {  	_ =	shalt  }
0x3f: {  	_ =	shalt  }
0x40: {  	_ =	shalt  }
0x41: {  	_ =	shalt  }
0x42: {  	_ =	shalt  }
0x43: {  	_ =	shalt  }
0x44: {  	_ =	shalt  }
0x45: {  	_ =	shalt  }
0x46: {  	_ =	shalt  }
0x47: {  	_ =	shalt  }
0x48: {  	_ =	shalt  }
0x49: {  	_ =	shalt  }
0x4a: {  	_ =	shalt  }
0x4b: {  	_ =	shalt  }
0x4c: {  	_ =	shalt  }
0x4d: {  	_ =	shalt  }
0x4e: {  	_ =	shalt  }
0x4f: {  	_ =	shalt  }
0x50: {  	_ =	shalt  }
0x51: {  	_ =	shalt  }
0x52: {  	_ =	shalt  }
0x53: {  	_ =	shalt  }
0x54: {  	_ =	shalt  }
0x55: {  	_ =	shalt  }
0x56: {  	_ =	shalt  }
0x57: {  	_ =	shalt  }
0x58: {  	_ =	shalt  }
0x59: {  	_ =	shalt  }
0x5a: {  	_ =	shalt  }
0x5b: {  	_ =	shalt  }
0x5c: {  	_ =	shalt  }
0x5d: {  	_ =	shalt  }
0x5e: {  	_ =	shalt  }
0x5f: {  	_ =	shalt  }
0x60: {  	_ =	shalt  }
0x61: {  	_ =	shalt  }
0x62: {  	_ =	shalt  }
0x63: {  	_ =	shalt  }
0x64: {  	_ =	shalt  }
0x65: {  	_ =	shalt  }
0x66: {  	_ =	shalt  }
0x67: {  	_ =	shalt  }
0x68: {  	_ =	shalt  }
0x69: {  	_ =	shalt  }
0x6a: {  	_ =	shalt  }
0x6b: {  	_ =	shalt  }
0x6c: {  	_ =	shalt  }
0x6d: {  	_ =	shalt  }
0x6e: {  	_ =	shalt  }
0x6f: {  	_ =	shalt  }
0x70: {  	_ =	shalt  }
0x71: {  	_ =	shalt  }
0x72: {  	_ =	shalt  }
0x73: {  	_ =	shalt  }
0x74: {  	_ =	shalt  }
0x75: {  	_ =	shalt  }
0x76: {  	_ =	shalt  }
0x77: {  	_ =	shalt  }
0x78: {  	_ =	shalt  }
0x79: {  	_ =	shalt  }
0x7a: {  	_ =	shalt  }
0x7b: {  	_ =	shalt  }
0x7c: {  	_ =	shalt  }
0x7d: {  	_ =	shalt  }
0x7e: {  	_ =	shalt  }
0x7f: {  	_ =	shalt  }
0x80: {  	_ =	shalt  }
0x81: {  	_ =	shalt  }
0x82: {  	_ =	shalt  }
0x83: {  	_ =	shalt  }
0x84: {  	_ =	shalt  }
0x85: {  	_ =	shalt  }
0x86: {  	_ =	shalt  }
0x87: {  	_ =	shalt  }
.Lfunc_end0:
.L_simem_size_0:
called_computation_lowered:
.L_overlay_start_0:
0x88: {  	s2 =	sld [smem:$0x3FD9]  }
0x89: {  	s3 =	sld [smem:$0x3FFE];
	_ =	sdelay $0x1  }
0x8a: {  	s1 =	srdreg.scid  }
0x8b: {  	s0 =	sand.u32 $0x1, s1  }
0x8c: {  	s17 =	sshll.u32 s0, $0xA;
	s2 =	sadd.s32 s3, s2  }
0x8d: {  	s2 =	sadd.s32 s2, s17  }
0x8e: {  	[smem:$0x3FC0] =	sst s2  }
0x8f: {  	_ = 	snop  }
0x90: {  	s2 =	sld [smem:$0x3FD0];
	(tm) =	ssettm $0x1  }
0x91: {  	s18 =	sld [smem:$0x3FFB];
	_ =	sdelay $0x3  }
0x92: {  	_ =	strace s18  }
0x93: {  	s3 =	sld [smem:$0x3FFC];
	_ =	sdelay $0x3  }
0x94: {  	_ =	strace s3  }
0x95: {  	s3 =	sld [smem:$0x3FFD];
	_ =	sdelay $0x3  }
0x96: {  	_ =	strace s3  }
0x97: {  	_ =	strace $0x8FFFFFFF  }
0x98: {  	s19 =	sld [smem:$0x3FDB];
	_ =	sdelay $0x1  }
0x99: {  	s4 =	simm.s32 $_scs_section_size  }
0x9a: {  	s5 =	simm.s32 $_size__tile_overlayer_lowered;
	s6 =	simm.s32 $_tile_overlayer_lowered  }
0x9b: {  	s22 =	simm.s32 $0x1BFF;
	s21 =	sshll.u32 s6, $0x1;
	s3 =	sadd.s32 s4, s19  }
0x9c: {  	s7 =	simm.s32 $0x0;
	s20 =	sshll.u32 s5, $0x1;
	s5 =	sadd.s32 s21, s3  }
0x9d: {  	[timem:s7], [sflag:s22] =	dma.local [hbm:s5], s20  }
0x9e: {  	_ =	swait.ge [sflag:s22], s20  }
0x9f: {  	s4 =	ssub.s32 $0x0, s20;
	[sflag:s22] =	ssyncset.done $0x0  }
0xa0: {  	[sflag:s22] =	ssyncadd.s32 s4;
	_ =	sdelay $0x1  }
0xa1: {  	s23 =	simm.s32 $0x1B8B  }
0xa2: {  	_ =	swait.ge [sflag:s23], $0x1  }
0xa3: {  	[sflag:s23] =	ssyncset.done $0x0  }
0xa4: {  	s25 =	simm.s32 $0x1B8E;
	s24 =	sld [smem:$0x3FFE];
	[sflag:s23] =	ssyncadd.s32 $0xFFFFFFFF  }
0xa5: {  	s26 =	simm.s32 $execute0_lowered;
	[smem:$0x3FD2] =	sst s25  }
0xa6: {  	s5 =	sshll.u32 s26, $0x1;
	_ =	strace $0x80000046;
	[dreg:$0x1] =	wrdreg $0xFFFFFFFF  }
0xa7: {  	s28 =	simm.s32 $_size_execute0_lowered;
	s3 =	sadd.s32 s3, s5;
	[dreg:$0x0] =	wrdreg $0x0  }
0xa8: {  	s5 =	sshll.u32 s28, $0x1;
	[dreg:$0x2] =	wrdreg s3  }
0xa9: {  	[dreg:$0x3] =	wrdreg s5  }
0xaa: {  	[dreg:$0x4] =	wrdreg $0xC0  }
0xab: {  	_ =	task [dreg:s7], $0x5FFFF  }
0xac: {  	[dreg:$0x1] =	wrdreg $0xFFFFFFFF  }
0xad: {  	[dreg:$0x0] =	wrdreg $0x60  }
0xae: {  	[dreg:$0x2] =	wrdreg s24  }
0xaf: {  	[dreg:$0x3] =	wrdreg s2  }
0xb0: {  	[dreg:$0x4] =	wrdreg $0x124000  }
0xb1: {  	[dreg:$0x5] =	wrdreg $0x84000  }
0xb2: {  	[dreg:$0x6] =	wrdreg $0x1D4000  }
0xb3: {  	[dreg:$0x7] =	wrdreg $0x9  }
0xb4: {  	_ =	task.clear_ibuf [dreg:s7], $0x8FFFF;
	_ =	strace $0x90000046  }
0xb5: {  	s29 =	simm.s32 $0x9;
	_ =	strace $0x80000048  }
0xb6: {  	_ =	swait.ge [sflag:s29], $0x1  }
0xb7: {  	[sflag:s29] =	ssyncadd.s32 $0xFFFFFFFF  }
0xb8: {  	_ =	strace $0x90000048  }
0xb9: {  	_ =	sfence  }
0xba: {  	s30 =	sld [smem:$0x0];
	_ =	sdelay $0x2  }
0xbb: {  	s31 =	sshll.u32 s1, $0xD;
	s1 =	sshrl.u32 s1, $0x2  }
0xbc: {  	s3 =	sand.u32 $0x4000, s31;
	s1 =	sadd.s32 s1, s30  }
0xbd: {  	s0 =	sor.u32 s3, s0;
	s1 =	sshll.u32 s1, $0x11  }
0xbe: {  	s0 =	sor.u32 s1, s0  }
0xbf: {  	s0 =	sadd.s32 $0x8F2B, s0  }
0xc0: {  	[sflag:s0] =	ssyncadd.remote.s32 $0x1  }
0xc1: {  	_ =	sfence.sel $0xFFFF  }
0xc2: {  	[dreg:$0x0] =	wrdreg $0xFFFFFFFF;
	(pc) =	sbr.abs _section_cstart, $3  }
0xc3: {  	[dreg:$0x1] =	wrdreg $0xFFFFFFFF  }
0xc4: {  	_ =	task.clear_ibuf [dreg:s7], $0x2FFFF;
	_ =	strace $0x9FFFFFFF  }
0xc5: {  	(tm) =	ssettm $0x7FFFFFFF  }
tec
execute0_lowered:
.L_overlay_start_1:
0x0: {  	(tag) =	ssettag $0x1  }
0x1: {  	s0 =	rddreg [dreg:$0x0]  }
0x2: {  	s2 =	rddreg [dreg:$0x1]  }
0x3: {  	s1 =	rddreg [dreg:$0x2]  }
0x4: {  	s3 =	rddreg [dreg:$0x3]  }
0x5: {  	s17 =	stileid.u32;
	s5 =	srdreg.scid  }
0x6: {  	s4 =	rddreg [dreg:$0x4];
	s28 =	simm.s32 $0x2400;
	s29 =	simm.s32 $0x200  }
0x7: {  	s30 =	simm.s32 $0x100;
	s31 =	simm.s32 $0x300;
	s6 =	smul.u32 $0x14000, s17  }
0x8: {  	s7 =	sand.u32 $0x1, s5;
	s5 =	simm.s32 $0x0;
	s11 =	smul.u32 $0x2800, s17  }
0x9: {  	s12 =	sadd.s32 $0x1E00, s0;
	s20 =	sadd.s32 $0x17400, s0;
	s26 =	smul.u32 $0x50, s17  }
0xa: {  	s21 =	sadd.s32 $0x17200, s0;
	s24 =	sshll.u32 s17, $0x6;
	s8 =	smul.u32 $0x140000, s7  }
0xb: {  	[smem:$0x7FF] =	sst s5;
	s10 =	smul.u32 $0x28000, s7;
	s22 =	sshll.u32 s7, $0x4  }
0xc: {  	s16 =	smul.u32 $0x500, s7;
	_ =	strace $0x80000047;
	[dreg:$0x7] =	wrdreg s12  }
0xd: {  	s23 =	ssub.s32 $0x2, s7;
	s7 =	smul.u32 $0x5000, s7;
	[dreg:$0x8] =	wrdreg s20  }
0xe: {  	s9 =	sshrl.u32 s6, $0x4;
	[dreg:$0x9] =	wrdreg s21;
	s12 =	sor.u32 s17, s22  }
0xf: {  	s13 =	sshrl.u32 s23, $0x1;
	s18 =	sadd.s32 s11, s4;
	s9 =	sadd.s32 s9, s0  }
0x10: {  	s8 =	sadd.s32 s6, s8;
	s10 =	sadd.s32 s11, s10;
	s14 =	smul.u32 $0x2800, s12  }
0x11: {  	s6 =	sshrl.u32 s6, $0x1;
	s13 =	ssub.s32 s23, s13;
	s12 =	smul.u32 $0x500, s12  }
0x12: {  	[dreg:$0xd] =	wrdreg s18;
	s21 =	sadd.s32 s26, s16;
	s23 =	smul.u32 $0x500, s17  }
0x13: {  	s11 =	simm.s32 $0x180;
	s16 =	simm.s32 $0x280;
	s17 =	simm.s32 $0x3  }
0x14: {  	s18 =	simm.s32 $0x2;
	s8 =	sshrl.u32 s8, $0x4;
	s10 =	sshrl.u32 s10, $0x3  }
0x15: {  	s15 =	sadd.s32 s6, s1;
	s9 =	sadd.s32 $0x3200, s9;
	s6 =	sadd.s32 s6, s3  }
0x16: {  	s22 =	sshll.u32 s21, $0x4;
	s21 =	simm.s32 $0x9;
	s8 =	sadd.s32 s8, s0  }
0x17: {  	s0 =	sadd.s32 s10, s0;
	[dreg:$0xa] =	wrdreg s9;
	s10 =	sor.u32 $0x1C09, s24  }
0x18: {  	s25 =	sshrl.u32 s14, $0x3;
	[dreg:$0xc] =	wrdreg s6;
	s26 =	sshrl.u32 s15, $0x3  }
0x19: {  	s20 =	sadd.s32 s12, s2;
	s9 =	simm.s32 $0x6;
	[dreg:$0x14] =	wrdreg s26  }
0x1a: {  	s12 =	simm.s32 $0x1;
	s19 =	sadd.s32 s2, s25;
	[dreg:$0xb] =	wrdreg s10  }
0x1b: {  	s15 =	simm.s32 $0x7;
	s8 =	sadd.s32 $0x17A00, s8;
	[dreg:$0xe] =	wrdreg s19  }
0x1c: {  	s0 =	sadd.s32 $0x3FA00, s0;
	s25 =	smax.u32 s13, $0x1;
	[dreg:$0x11] =	wrdreg s8  }
0x1d: {  	s26 =	simm.s32 $0x400;
	s13 =	simm.s32 $0x5;
	[dreg:$0x12] =	wrdreg s0  }
0x1e: {  	s6 =	sadd.s32 $0xA040, s19;
	[dreg:$0x13] =	wrdreg s25;
	s25 =	simm.s32 $0x80  }
0x1f: {  	s0 =	simm.s32 $0x6400;
	[dreg:$0xf] =	wrdreg s6;
	s6 =	sadd.s32 $0x20, s20  }
0x20: {  	s8 =	simm.s32 $0x4;
	s20 =	simm.s32 $0x8;
	[dreg:$0x10] =	wrdreg s6  }
0x21: {  	s6 =	sadd.s32 s22, s2;
	s2 =	sadd.s32 s7, s2;
	s22 =	simm.s32 $0x4400  }
0x22: {  	s24 =	sadd.s32 $0x60, s6;
	s19 =	sadd.s32 s23, s2;
	s23 =	simm.s32 $0x1C400  }
0x23: {  	s2 =	simm.s32 $0x380;
	[dreg:$0x6] =	wrdreg s24;
	s24 =	simm.s32 $0x0  }
.LBB2_1:
0x24: {  	s6 =	rddreg [dreg:$0xa]  }
0x25: {  	s7 =	rddreg [dreg:$0x14]  }
0x26: {  	[spmem:s7], [sflag:s10] =	dma.local [hbm:s6], $0x1400  }
0x27: {  	_ =	swait.ge [sflag:s21], $0x1400  }
0x28: {  	s14 =	rddreg [dreg:$0xc]  }
0x29: {  	[sflag:s21] =	ssyncset.done $0x0;
	s6 =	sshrl.u32 s14, $0x3;
	s14 =	rddreg [dreg:$0x7]  }
0x2a: {  	[sflag:s21] =	ssyncadd.s32 $0xFFFFEC00;
	[dreg:$0x15] =	wrdreg s6  }
0x2b: {  	[spmem:s6], [sflag:s10] =	dma.local [hbm:s14], $0x1400  }
0x2c: {  	_ =	swait.ge [sflag:s21], $0x1400  }
0x2d: {  	[sflag:s21] =	ssyncset.done $0x0  }
0x2e: {  	[sflag:s21] =	ssyncadd.s32 $0xFFFFEC00  }
0x2f: {  	[tilespmem:s22], [sflag:$0x9] =	stream.linear.gather [hbm4b:s14+s5], $0x4000, $0x38;
	[tilespmem:$0x1FC00] =	vst v63  }
0x30: {  	_ =	swait.ge [sflag:s21], $0x4000  }
0x31: {  	s7 =	rddreg [dreg:$0xd]  }
0x32: {  	[sflag:s21] =	ssyncset.done $0x0;
	s6 =	rddreg [dreg:$0x8];
	s14 =	sshrl.u32 s7, $0x3  }
0x33: {  	[sflag:s21] =	ssyncadd.s32 $0xFFFFC000;
	[dreg:$0x16] =	wrdreg s14  }
0x34: {  	[spmem:s14], [sflag:s10] =	dma.local [hbm:s6], $0x500  }
0x35: {  	_ =	swait.ge [sflag:s21], $0x500  }
0x36: {  	[sflag:s21] =	ssyncset.done $0x0  }
0x37: {  	s14 =	rddreg [dreg:$0x9];
	[sflag:s21] =	ssyncadd.s32 $0xFFFFFB00  }
0x38: {  	[tilespmem:s23], [sflag:$0x9] =	stream.linear.gather [hbm4b:s14+s5], $0x800, $0x38;
	[tilespmem:$0x1FC00] =	vst v63  }
0x39: {  	_ =	swait.ge [sflag:s21], $0x800  }
0x3a: {  	[sflag:s21] =	ssyncset.done $0x0  }
0x3b: {  	s10 =	simm.s32 $0x1CC00;
	[sflag:s21] =	ssyncadd.s32 $0xFFFFF800  }
0x3c: {  	[tilespmem:s10], [sflag:$0x9] =	stream.linear.gather [hbm4b:s6+s5], $0x800, $0x38;
	[tilespmem:$0x1FC00] =	vst v63  }
0x3d: {  	_ =	swait.ge [sflag:s21], $0x800  }
0x3e: {  	[sflag:s21] =	ssyncset.done $0x0  }
0x3f: {  	[sflag:s21] =	ssyncadd.s32 $0xFFFFF800  }
0x40: {  	[bflag:$0x0] =	sbarrier.arrive $0xFFFF  }
0x41: {  	s7 =	rddreg [dreg:$0xe]  }
0x42: {  	[tilespmem:s5], [sflag:$0x9] =	stream.linear.gather [hbm4b:s7+s5], $0x100, $0x38;
	[tilespmem:$0x1FC00] =	vst v63  }
0x43: {  	_ =	swait.ge [sflag:s21], $0x100  }
0x44: {  	[sflag:s21] =	ssyncset.done $0x0  }
0x45: {  	[sflag:s21] =	ssyncadd.s32 $0xFFFFFF00  }
0x46: {  	[tilespmem:s26], [sflag:$0x1] =	stream.indirect.gather [spmem:s1], $0x40, s5, s25, $0xb8;
	[tilespmem:$0x1FC00] =	vst v63  }
0x47: {  	_ = 	snop  }
0x48: {  	[tilespmem:s28], [sflag:$0x1] =	stream.indirect.gather [spmem:s1], $0x40, s25, s25, $0xb8;
	[tilespmem:$0x1FC00] =	vst v63  }
0x49: {  	s6 =	rddreg [dreg:$0xf]  }
0x4a: {  	[tilespmem:s29], [sflag:$0x7] =	stream.linear.gather [hbm4b:s6+s5], $0x100, $0x38;
	[tilespmem:$0x1FC00] =	vst v63  }
0x4b: {  	s14 =	rddreg [dreg:$0x10]  }
0x4c: {  	[tilespmem:s30], [sflag:$0x6] =	stream.linear.gather [hbm4b:s14+s5], $0x100, $0x38;
	[tilespmem:$0x1FC00] =	vst v63  }
0x4d: {  	_ = 	snop  }
0x4e: {  	[tilespmem:s31], [sflag:$0x9] =	stream.linear.gather [hbm4b:s6+s5], $0x100, $0x38;
	[tilespmem:$0x1FC00] =	vst v63  }
0x4f: {  	_ =	swait.ge [sflag:s21], $0x100  }
0x50: {  	[sflag:s21] =	ssyncset.done $0x0  }
0x51: {  	[sflag:s21] =	ssyncadd.s32 $0xFFFFFF00  }
0x52: {  	[spmem:s3] =	stream.indirect.scatter.add.bf16 [tilespmem:s22], [sflag:$0x4], $0x40, s31, s25, $0xb8;
	[tilespmem:$0x1FC00] =	vst v63  }
0x53: {  	_ = 	snop  }
0x54: {  	[spmem:s4] =	stream.indirect.scatter.add.f32 [tilespmem:s10], [sflag:$0x4], $0x10, s31, s25, $0xb8;
	[tilespmem:$0x1FC00] =	vst v63  }
0x55: {  	_ = 	snop  }
0x56: {  	[spmem:s3] =	stream.indirect.scatter.add.bf16 [tilespmem:s0], [sflag:$0x4], $0x40, s2, s25, $0xb8;
	[tilespmem:$0x1FC00] =	vst v63  }
0x57: {  	_ = 	snop  }
0x58: {  	[spmem:s4] =	stream.indirect.scatter.add.f32 [tilespmem:s10], [sflag:$0x4], $0x10, s2, s25, $0xb8;
	[tilespmem:$0x1FC00] =	vst v63  }
0x59: {  	_ =	swait.ge [sflag:s8], $0x2000  }
0x5a: {  	[sflag:s8] =	ssyncset.done $0x0  }
0x5b: {  	[sflag:s8] =	ssyncadd.s32 $0xFFFFE000  }
0x5c: {  	_ =	swait.ge [sflag:s8], $0x800  }
0x5d: {  	[sflag:s8] =	ssyncset.done $0x0  }
0x5e: {  	[sflag:s8] =	ssyncadd.s32 $0xFFFFF800  }
0x5f: {  	_ =	swait.ge [sflag:s8], $0x2000  }
0x60: {  	[sflag:s8] =	ssyncset.done $0x0  }
0x61: {  	[sflag:s8] =	ssyncadd.s32 $0xFFFFE000  }
0x62: {  	_ =	swait.ge [sflag:s8], $0x800  }
0x63: {  	s6 =	sadd.s32 $0x0, s19;
	[sflag:s8] =	ssyncset.done $0x0  }
0x64: {  	s14 =	sadd.s32 $0xA060, s6;
	[sflag:s8] =	ssyncadd.s32 $0xFFFFF800  }
0x65: {  	[tilespmem:s31], [sflag:$0x8] =	stream.linear.gather [hbm4b:s14+s5], $0x100, $0x38;
	[tilespmem:$0x1FC00] =	vst v63  }
0x66: {  	_ =	swait.ge [sflag:s9], $0x100  }
0x67: {  	[sflag:s9] =	ssyncset.done $0x0  }
0x68: {  	[sflag:s9] =	ssyncadd.s32 $0xFFFFFF00  }
0x69: {  	[tilespmem:s22], [sflag:$0x2] =	stream.indirect.gather [spmem:s1], $0x40, s30, s25, $0xb8;
	[tilespmem:$0x1FC00] =	vst v63  }
0x6a: {  	_ = 	snop  }
0x6b: {  	[tilespmem:s0], [sflag:$0x2] =	stream.indirect.gather [spmem:s1], $0x40, s11, s25, $0xb8;
	[tilespmem:$0x1FC00] =	vst v63  }
0x6c: {  	_ =	swait.ge [sflag:s12], $0x2000  }
0x6d: {  	[sflag:s12] =	ssyncset.done $0x0  }
0x6e: {  	[sflag:s12] =	ssyncadd.s32 $0xFFFFE000  }
0x6f: {  	_ =	swait.ge [sflag:s12], $0x2000  }
0x70: {  	[sflag:s12] =	ssyncset.done $0x0  }
0x71: {  	s10 =	sadd.s32 $0x40, s6;
	[sflag:s12] =	ssyncadd.s32 $0xFFFFE000  }
0x72: {  	[tilespmem:s5], [sflag:$0x5] =	stream.linear.gather [hbm4b:s10+s5], $0x100, $0x38;
	[tilespmem:$0x1FC00] =	vst v63  }
0x73: {  	_ =	swait.ge [sflag:s15], $0x100  }
0x74: {  	[sflag:s15] =	ssyncset.done $0x0  }
0x75: {  	[sflag:s15] =	ssyncadd.s32 $0xFFFFFF00  }
0x76: {  	[spmem:s3] =	stream.indirect.scatter.add.bf16 [tilespmem:s26], [sflag:$0x3], $0x40, s29, s25, $0xb8;
	[tilespmem:$0x1FC00] =	vst v63  }
0x77: {  	_ = 	snop  }
0x78: {  	[spmem:s4] =	stream.indirect.scatter.add.f32 [tilespmem:s23], [sflag:$0x3], $0x10, s29, s25, $0xb8;
	[tilespmem:$0x1FC00] =	vst v63  }
0x79: {  	_ = 	snop  }
0x7a: {  	[spmem:s3] =	stream.indirect.scatter.add.bf16 [tilespmem:s28], [sflag:$0x3], $0x40, s16, s25, $0xb8;
	[tilespmem:$0x1FC00] =	vst v63  }
0x7b: {  	_ = 	snop  }
0x7c: {  	[spmem:s4] =	stream.indirect.scatter.add.f32 [tilespmem:s23], [sflag:$0x3], $0x10, s16, s25, $0xb8;
	[tilespmem:$0x1FC00] =	vst v63  }
0x7d: {  	_ =	swait.ge [sflag:s17], $0x2000  }
0x7e: {  	[sflag:s17] =	ssyncset.done $0x0  }
0x7f: {  	[sflag:s17] =	ssyncadd.s32 $0xFFFFE000  }
0x80: {  	_ =	swait.ge [sflag:s17], $0x800  }
0x81: {  	[sflag:s17] =	ssyncset.done $0x0  }
0x82: {  	[sflag:s17] =	ssyncadd.s32 $0xFFFFF800  }
0x83: {  	_ =	swait.ge [sflag:s17], $0x2000  }
0x84: {  	[sflag:s17] =	ssyncset.done $0x0  }
0x85: {  	[sflag:s17] =	ssyncadd.s32 $0xFFFFE000  }
0x86: {  	_ =	swait.ge [sflag:s17], $0x800  }
0x87: {  	[sflag:s17] =	ssyncset.done $0x0  }
0x88: {  	s6 =	sadd.s32 $0xA080, s6;
	[sflag:s17] =	ssyncadd.s32 $0xFFFFF800  }
0x89: {  	[tilespmem:s29], [sflag:$0x7] =	stream.linear.gather [hbm4b:s6+s5], $0x100, $0x38;
	[tilespmem:$0x1FC00] =	vst v63  }
0x8a: {  	_ =	swait.ge [sflag:s13], $0x100  }
0x8b: {  	[sflag:s13] =	ssyncset.done $0x0  }
0x8c: {  	[sflag:s13] =	ssyncadd.s32 $0xFFFFFF00  }
0x8d: {  	[tilespmem:s26], [sflag:$0x1] =	stream.indirect.gather [spmem:s1], $0x40, s5, s25, $0xb8;
	[tilespmem:$0x1FC00] =	vst v63  }
0x8e: {  	_ = 	snop  }
0x8f: {  	[tilespmem:s28], [sflag:$0x1] =	stream.indirect.gather [spmem:s1], $0x40, s25, s25, $0xb8;
	[tilespmem:$0x1FC00] =	vst v63  }
0x90: {  	_ =	swait.ge [sflag:s18], $0x2000  }
0x91: {  	[sflag:s18] =	ssyncset.done $0x0  }
0x92: {  	[sflag:s18] =	ssyncadd.s32 $0xFFFFE000  }
0x93: {  	_ =	swait.ge [sflag:s18], $0x2000  }
0x94: {  	s14 =	rddreg [dreg:$0x6];
	[sflag:s18] =	ssyncset.done $0x0  }
0x95: {  	[sflag:s18] =	ssyncadd.s32 $0xFFFFE000;
	s6 =	sadd.s32 $0x0, s14  }
0x96: {  	[tilespmem:s30], [sflag:$0x6] =	stream.linear.gather [hbm4b:s6+s5], $0x100, $0x38;
	[tilespmem:$0x1FC00] =	vst v63  }
0x97: {  	_ =	swait.ge [sflag:s20], $0x100  }
0x98: {  	[sflag:s20] =	ssyncset.done $0x0  }
0x99: {  	[sflag:s20] =	ssyncadd.s32 $0xFFFFFF00  }
0x9a: {  	[spmem:s3] =	stream.indirect.scatter.add.bf16 [tilespmem:s22], [sflag:$0x4], $0x40, s31, s25, $0xb8;
	[tilespmem:$0x1FC00] =	vst v63  }
0x9b: {  	_ = 	snop  }
0x9c: {  	[spmem:s4] =	stream.indirect.scatter.add.f32 [tilespmem:s23], [sflag:$0x4], $0x10, s31, s25, $0xb8;
	[tilespmem:$0x1FC00] =	vst v63  }
0x9d: {  	s14 =	simm.s32 $0x40  }
0x9e: {  	[spmem:s3] =	stream.indirect.scatter.add.bf16 [tilespmem:s0], [sflag:$0x4], $0x40, s2, s25, $0xb8;
	[tilespmem:$0x1FC00] =	vst v63  }
.LBB2_2:
0x9f: {  	[spmem:s4] =	stream.indirect.scatter.add.f32 [tilespmem:s23], [sflag:$0x4], $0x10, s2, s25, $0xb8;
	[tilespmem:$0x1FC00] =	vst v63  }
0xa0: {  	_ =	swait.ge [sflag:s8], $0x2000  }
0xa1: {  	[sflag:s8] =	ssyncset.done $0x0  }
0xa2: {  	[sflag:s8] =	ssyncadd.s32 $0xFFFFE000  }
0xa3: {  	_ =	swait.ge [sflag:s8], $0x800  }
0xa4: {  	[sflag:s8] =	ssyncset.done $0x0  }
0xa5: {  	[sflag:s8] =	ssyncadd.s32 $0xFFFFF800  }
0xa6: {  	_ =	swait.ge [sflag:s8], $0x2000  }
0xa7: {  	[sflag:s8] =	ssyncset.done $0x0  }
0xa8: {  	[sflag:s8] =	ssyncadd.s32 $0xFFFFE000  }
0xa9: {  	s6 =	smov.u32 s14;
	_ =	swait.ge [sflag:s8], $0x800  }
0xaa: {  	s7 =	sadd.s32 s6, s19;
	[sflag:s8] =	ssyncset.done $0x0  }
0xab: {  	s10 =	sadd.s32 $0xA060, s7;
	[sflag:s8] =	ssyncadd.s32 $0xFFFFF800  }
0xac: {  	[tilespmem:s31], [sflag:$0x8] =	stream.linear.gather [hbm4b:s10+s5], $0x100, $0x38;
	[tilespmem:$0x1FC00] =	vst v63  }
0xad: {  	_ =	swait.ge [sflag:s9], $0x100  }
0xae: {  	[sflag:s9] =	ssyncset.done $0x0  }
0xaf: {  	[sflag:s9] =	ssyncadd.s32 $0xFFFFFF00  }
0xb0: {  	[tilespmem:s22], [sflag:$0x2] =	stream.indirect.gather [spmem:s1], $0x40, s30, s25, $0xb8;
	[tilespmem:$0x1FC00] =	vst v63  }
0xb1: {  	_ = 	snop  }
0xb2: {  	[tilespmem:s0], [sflag:$0x2] =	stream.indirect.gather [spmem:s1], $0x40, s11, s25, $0xb8;
	[tilespmem:$0x1FC00] =	vst v63  }
0xb3: {  	_ =	swait.ge [sflag:s12], $0x2000  }
0xb4: {  	[sflag:s12] =	ssyncset.done $0x0  }
0xb5: {  	[sflag:s12] =	ssyncadd.s32 $0xFFFFE000  }
0xb6: {  	_ =	swait.ge [sflag:s12], $0x2000  }
0xb7: {  	[sflag:s12] =	ssyncset.done $0x0  }
0xb8: {  	s10 =	sadd.s32 $0x40, s7;
	[sflag:s12] =	ssyncadd.s32 $0xFFFFE000  }
0xb9: {  	[tilespmem:s5], [sflag:$0x5] =	stream.linear.gather [hbm4b:s10+s5], $0x100, $0x38;
	[tilespmem:$0x1FC00] =	vst v63  }
0xba: {  	_ =	swait.ge [sflag:s15], $0x100  }
0xbb: {  	[sflag:s15] =	ssyncset.done $0x0  }
0xbc: {  	[sflag:s15] =	ssyncadd.s32 $0xFFFFFF00  }
0xbd: {  	[spmem:s3] =	stream.indirect.scatter.add.bf16 [tilespmem:s26], [sflag:$0x3], $0x40, s29, s25, $0xb8;
	[tilespmem:$0x1FC00] =	vst v63  }
0xbe: {  	_ = 	snop  }
0xbf: {  	[spmem:s4] =	stream.indirect.scatter.add.f32 [tilespmem:s23], [sflag:$0x3], $0x10, s29, s25, $0xb8;
	[tilespmem:$0x1FC00] =	vst v63  }
0xc0: {  	_ = 	snop  }
0xc1: {  	[spmem:s3] =	stream.indirect.scatter.add.bf16 [tilespmem:s28], [sflag:$0x3], $0x40, s16, s25, $0xb8;
	[tilespmem:$0x1FC00] =	vst v63  }
0xc2: {  	_ = 	snop  }
0xc3: {  	[spmem:s4] =	stream.indirect.scatter.add.f32 [tilespmem:s23], [sflag:$0x3], $0x10, s16, s25, $0xb8;
	[tilespmem:$0x1FC00] =	vst v63  }
0xc4: {  	_ =	swait.ge [sflag:s17], $0x2000  }
0xc5: {  	[sflag:s17] =	ssyncset.done $0x0  }
0xc6: {  	[sflag:s17] =	ssyncadd.s32 $0xFFFFE000  }
0xc7: {  	_ =	swait.ge [sflag:s17], $0x800  }
0xc8: {  	[sflag:s17] =	ssyncset.done $0x0  }
0xc9: {  	[sflag:s17] =	ssyncadd.s32 $0xFFFFF800  }
0xca: {  	_ =	swait.ge [sflag:s17], $0x2000  }
0xcb: {  	[sflag:s17] =	ssyncset.done $0x0  }
0xcc: {  	[sflag:s17] =	ssyncadd.s32 $0xFFFFE000  }
0xcd: {  	_ =	swait.ge [sflag:s17], $0x800  }
0xce: {  	[sflag:s17] =	ssyncset.done $0x0  }
0xcf: {  	s7 =	sadd.s32 $0xA080, s7;
	[sflag:s17] =	ssyncadd.s32 $0xFFFFF800  }
0xd0: {  	[tilespmem:s29], [sflag:$0x7] =	stream.linear.gather [hbm4b:s7+s5], $0x100, $0x38;
	[tilespmem:$0x1FC00] =	vst v63  }
0xd1: {  	_ =	swait.ge [sflag:s13], $0x100  }
0xd2: {  	[sflag:s13] =	ssyncset.done $0x0  }
0xd3: {  	[sflag:s13] =	ssyncadd.s32 $0xFFFFFF00  }
0xd4: {  	[tilespmem:s26], [sflag:$0x1] =	stream.indirect.gather [spmem:s1], $0x40, s5, s25, $0xb8;
	[tilespmem:$0x1FC00] =	vst v63  }
0xd5: {  	_ = 	snop  }
0xd6: {  	[tilespmem:s28], [sflag:$0x1] =	stream.indirect.gather [spmem:s1], $0x40, s25, s25, $0xb8;
	[tilespmem:$0x1FC00] =	vst v63  }
0xd7: {  	_ =	swait.ge [sflag:s18], $0x2000  }
0xd8: {  	[sflag:s18] =	ssyncset.done $0x0  }
0xd9: {  	[sflag:s18] =	ssyncadd.s32 $0xFFFFE000  }
0xda: {  	_ =	swait.ge [sflag:s18], $0x2000  }
0xdb: {  	s10 =	rddreg [dreg:$0x6];
	[sflag:s18] =	ssyncset.done $0x0  }
0xdc: {  	[sflag:s18] =	ssyncadd.s32 $0xFFFFE000;
	s6 =	sadd.s32 s6, s10  }
0xdd: {  	[tilespmem:s30], [sflag:$0x6] =	stream.linear.gather [hbm4b:s6+s5], $0x100, $0x38;
	[tilespmem:$0x1FC00] =	vst v63  }
0xde: {  	_ =	swait.ge [sflag:s20], $0x100  }
0xdf: {  	[sflag:s20] =	ssyncset.done $0x0  }
0xe0: {  	p0 =	sne.s32 s14, $0x4C0;
	[sflag:s20] =	ssyncadd.s32 $0xFFFFFF00  }
0xe1: {  	[spmem:s3] =	stream.indirect.scatter.add.bf16 [tilespmem:s22], [sflag:$0x4], $0x40, s31, s25, $0xb8;
	[tilespmem:$0x1FC00] =	vst v63  }
.Ltmp0:
0xe2: {  	_ = 	snop;
	(pc) =	sbr.rel @p0 .LBB2_2-.Ltmp0, $4  }
0xe3: {  	_ = 	snop  }
0xe4: {  	[spmem:s4] =	stream.indirect.scatter.add.f32 [tilespmem:s23], [sflag:$0x4], $0x10, s31, s25, $0xb8;
	[tilespmem:$0x1FC00] =	vst v63  }
0xe5: {  	s14 =	sadd.s32 $0x40, s14  }
0xe6: {  	[spmem:s3] =	stream.indirect.scatter.add.bf16 [tilespmem:s0], [sflag:$0x4], $0x40, s2, s25, $0xb8;
	[tilespmem:$0x1FC00] =	vst v63  }
0xe7: {  	[spmem:s4] =	stream.indirect.scatter.add.f32 [tilespmem:s23], [sflag:$0x4], $0x10, s2, s25, $0xb8;
	[tilespmem:$0x1FC00] =	vst v63  }
0xe8: {  	_ =	swait.ge [sflag:s12], $0x2000  }
0xe9: {  	[sflag:s12] =	ssyncset.done $0x0  }
0xea: {  	[sflag:s12] =	ssyncadd.s32 $0xFFFFE000  }
0xeb: {  	_ =	swait.ge [sflag:s12], $0x2000  }
0xec: {  	[sflag:s12] =	ssyncset.done $0x0  }
0xed: {  	[sflag:s12] =	ssyncadd.s32 $0xFFFFE000  }
0xee: {  	_ =	swait.ge [sflag:s8], $0x2000  }
0xef: {  	[sflag:s8] =	ssyncset.done $0x0  }
0xf0: {  	[sflag:s8] =	ssyncadd.s32 $0xFFFFE000  }
0xf1: {  	_ =	swait.ge [sflag:s8], $0x800  }
0xf2: {  	[sflag:s8] =	ssyncset.done $0x0  }
0xf3: {  	[sflag:s8] =	ssyncadd.s32 $0xFFFFF800  }
0xf4: {  	_ =	swait.ge [sflag:s8], $0x2000  }
0xf5: {  	[sflag:s8] =	ssyncset.done $0x0  }
0xf6: {  	[sflag:s8] =	ssyncadd.s32 $0xFFFFE000  }
0xf7: {  	_ =	swait.ge [sflag:s8], $0x800  }
0xf8: {  	[sflag:s8] =	ssyncset.done $0x0  }
0xf9: {  	[sflag:s8] =	ssyncadd.s32 $0xFFFFF800  }
0xfa: {  	_ =	swait.ge [sflag:s9], $0x100  }
0xfb: {  	[sflag:s9] =	ssyncset.done $0x0  }
0xfc: {  	[sflag:s9] =	ssyncadd.s32 $0xFFFFFF00  }
0xfd: {  	_ =	swait.ge [sflag:s15], $0x100  }
0xfe: {  	[sflag:s15] =	ssyncset.done $0x0  }
0xff: {  	[sflag:s15] =	ssyncadd.s32 $0xFFFFFF00  }
0x100: {  	[bflag:$0x0] =	sbarrier.arrive $0xFFFF  }
0x101: {  	s10 =	rddreg [dreg:$0xb]  }
0x102: {  	s6 =	rddreg [dreg:$0x11]  }
0x103: {  	s7 =	rddreg [dreg:$0x15]  }
0x104: {  	[hbm:s6], [sflag:s10] =	dma.local [spmem:s7], $0x1400  }
0x105: {  	_ =	swait.ge [sflag:s21], $0x1400  }
0x106: {  	[sflag:s21] =	ssyncset.done $0x0;
	s7 =	rddreg [dreg:$0x12]  }
0x107: {  	s14 =	rddreg [dreg:$0x16];
	[sflag:s21] =	ssyncadd.s32 $0xFFFFEC00  }
0x108: {  	[hbm:s7], [sflag:s10] =	dma.local [spmem:s14], $0x500  }
0x109: {  	_ =	swait.ge [sflag:s21], $0x500  }
0x10a: {  	s24 =	sadd.s32 $0x1, s24;
	s14 =	rddreg [dreg:$0x13]  }
0x10b: {  	p0 =	sne.s32 s24, s14  }
.Ltmp1:
0x10c: {  	_ = 	snop;
	(pc) =	sbr.rel @p0 .LBB2_1-.Ltmp1, $3  }
0x10d: {  	_ =	sdelay $0x1  }
0x10e: {  	[sflag:s21] =	ssyncset.done $0x0  }
0x10f: {  	[sflag:s21] =	ssyncadd.s32 $0xFFFFFB00  }
0x110: {  	_ =	sfence.sel $0x180000  }
0x111: {  	[bflag:$0x0] =	sbarrier.arrive $0xFFFF  }
0x112: {  	_ =	strace $0x90000047  }
0x113: {  	s0 =	stileid.u32;
	[bflag:$0x2] =	sbarrier.arrive $0xFFFF  }
0x114: {  	p0 =	sne.s32 s0, $0x0;
	s0 =	rddreg [dreg:$0x5]  }
0x115: {  	s0 =	sadd.s32 @!p0 $0x100000, s0  }
0x116: {  	[sflag:s0] =	ssyncadd.tile.s32 @!p0 $0x1;
	_ =	shalt  }
.Lfunc_end2:
_tile_overlayer_lowered:
.L_overlay_start_2:
0x117: {  	(tag) =	ssettag $0x2  }
0x118: {  	s0 =	rddreg [dreg:$0x0];
	s2 =	stileid.u32  }
0x119: {  	s1 =	rddreg [dreg:$0x1];
	p0 =	sne.s32 s2, $0x0  }
0x11a: {  	s3 =	rddreg [dreg:$0x2];
	[bflag:$0x3] =	sbarrier.arrive $0xFFFF;
	s2 =	simm.s32 @!p0 $0x1C09  }
0x11b: {  	[timem:s3], [sflag:s2] =	dma.local @!p0 [hbm:s0], s1  }
0x11c: {  	s0 =	simm.s32 @!p0 $0x9  }
0x11d: {  	_ =	swait.ge @!p0 [sflag:s0], s1  }
0x11e: {  	s1 =	ssub.s32 @!p0 $0x0, s1;
	[sflag:s0] =	ssyncset.done @!p0 $0x0  }
0x11f: {  	[sflag:s0] =	ssyncadd.s32 @!p0 s1  }
0x120: {  	[bflag:$0x3] =	sbarrier.arrive $0xFFFF  }
0x121: {  	_ =	shalt  }

// kernel: kernel.9.cloned.1.call-start
scs
__scs_entry_jumppad:
0x0: {  	(pc) =	sbr.rel $0x88, $3  }
0x1: {  	(tag) =	ssettag $0x0;
	lr =	simm.s32 $0x1  }
0x2: {  	[smem:$0x3F99] =	sst lr;
	_ =	strace $0xD0000000  }
0x3: {  	_ = 	snop  }
0x4: {  	_ = 	snop  }
0x5: {  	_ = 	snop  }
0x6: {  	_ = 	snop  }
0x7: {  	_ = 	snop  }
__scs_overlays_trampoline_lowered:
0x8: {  	[smem:$0x3FA8] =	sst s0  }
0x9: {  	[smem:$0x3FA9] =	sst s1  }
0xa: {  	[smem:$0x3FAA] =	sst s2  }
0xb: {  	[smem:$0x3FAB] =	sst s3  }
0xc: {  	[smem:$0x3FAC] =	sst s4  }
0xd: {  	[smem:$0x3FAD] =	sst s5  }
0xe: {  	[smem:$0x3FAE] =	sst s6  }
0xf: {  	[smem:$0x3FAF] =	sst s7  }
0x10: {  	[smem:$0x3FB0] =	sst s8  }
0x11: {  	[smem:$0x3FB1] =	sst s9;
	s0 =	simm.s32 @!p0 $0x0  }
0x12: {  	s1 =	sld [smem:$0x3F97];
	s0 =	simm.s32 @p0 $0x1  }
0x13: {  	[smem:$0x3FB2] =	sst s0;
	s0 =	simm.s32 @!p1 $0x0  }
0x14: {  	s2 =	sld [smem:$0x3F96];
	s0 =	simm.s32 @p1 $0x1  }
0x15: {  	[smem:$0x3FB3] =	sst s0;
	s0 =	simm.s32 @!p2 $0x0  }
0x16: {  	s3 =	sld [smem:$0x3FDB];
	s0 =	simm.s32 @p2 $0x1  }
0x17: {  	s4 =	simm.s32 $0x1BF5;
	[smem:$0x3FB5] =	sst s0  }
0x18: {  	s0 =	sld [smem:$0x3F98];
	_ =	swait.ge [sflag:s4], $0x0  }
0x19: {  	s7 =	sld [smem:$0x3F99]  }
0x1a: {  	s8 =	sadd.s32 $0xFFFFE003, lr  }
0x1b: {  	s9 =	sadd.s32 $0xFFFFFEF7, lr;
	s5 =	simm.s32 $0xFFFFFFFF;
	p2 =	slt.u32 s8, $0xFFFFF086  }
0x1c: {  	p1 =	slt.u32 s9, $0xF7A;
	s5 =	simm.s32 @!p2 $0x0  }
0x1d: {  	s5 =	simm.s32 @p1 $0x1;
	p0 =	seq.s32 s7, s2  }
0x1e: {  	s7 =	smul.u32 @!p0 $0xF7A, s2;
	p2 =	seq.s32 @!p0 s5, $0x0  }
0x1f: {  	s9 =	smul.u32 $0xF7A, s1;
	s8 =	simm.s32 @!p0 $0x1BF5;
	p2 =	por !p2, p0  }
0x20: {  	[sflag:s8] =	ssyncset.s32 @!p0 $0xFFFFF086;
	s6 =	sadd.s32 @!p0 s3, s7;
	s7 =	simm.s32 @!p0 $0x108  }
0x21: {  	s3 =	sadd.s32 s3, s9;
	s6 =	sadd.s32 @!p0 $0x88, s6;
	s7 =	simm.s32 @p2 $0x1082  }
0x22: {  	[simem:s7], [sflag:s8] =	dma.local @!p0 [hbm:s6], $0xF7A  }
0x23: {  	s9 =	sor.u32 $0xD0000000, s2;
	s6 =	simm.s32 $0x108;
	_ =	swait.ge @!p0 [sflag:s8], $0x0  }
0x24: {  	s3 =	sadd.s32 $0x88, s3;
	s6 =	simm.s32 @!p1 $0x1082;
	[sflag:s4] =	ssyncset.s32 $0xFFFFF086  }
0x25: {  	[simem:s6], [sflag:s4] =	dma.local [hbm:s3], $0xF7A  }
0x26: {  	[smem:$0x3F99] =	sst s1;
	(tag) =	ssettag s2;
	_ =	strace s9  }
0x27: {  	s1 =	sld [smem:$0x3FA9]  }
0x28: {  	s2 =	sld [smem:$0x3FAA]  }
0x29: {  	s4 =	sld [smem:$0x3FAC]  }
0x2a: {  	p0 =	seq.s32 s5, $0x0;
	s5 =	sld [smem:$0x3FAD]  }
0x2b: {  	s6 =	sld [smem:$0x3FAE]  }
0x2c: {  	s7 =	sld [smem:$0x3FAF]  }
0x2d: {  	s3 =	simm.s32 $0x108;
	s8 =	sld [smem:$0x3FB0]  }
0x2e: {  	s3 =	simm.s32 @!p0 $0x1082;
	s9 =	sld [smem:$0x3FB1]  }
0x2f: {  	lr =	sadd.s32 s0, s3;
	s0 =	sld [smem:$0x3FA8]  }
0x30: {  	s3 =	sld [smem:$0x3FAB]  }
0x31: {  	[smem:$0x3FB4] =	sst s10  }
0x32: {  	s10 =	sld [smem:$0x3FB2];
	_ =	sdelay $0x3  }
0x33: {  	p0 =	seq.s32 s10, $0x1;
	s10 =	sld [smem:$0x3FB4];
	_ =	sdelay $0x3  }
0x34: {  	[smem:$0x3FB4] =	sst s10  }
0x35: {  	s10 =	sld [smem:$0x3FB3];
	_ =	sdelay $0x3  }
0x36: {  	p1 =	seq.s32 s10, $0x1;
	s10 =	sld [smem:$0x3FB4];
	_ =	sdelay $0x3  }
0x37: {  	[smem:$0x3FB4] =	sst s10  }
0x38: {  	s10 =	sld [smem:$0x3FB5]  }
0x39: {  	_ = 	snop;
	(pc) =	sbr.ind lr, $3  }
0x3a: {  	_ = 	snop  }
0x3b: {  	_ = 	snop  }
0x3c: {  	p2 =	seq.s32 s10, $0x1;
	s10 =	sld [smem:$0x3FB4]  }
0x3d: {  	_ =	shalt  }
0x3e: {  	_ =	shalt  }
0x3f: {  	_ =	shalt  }
0x40: {  	_ =	shalt  }
0x41: {  	_ =	shalt  }
0x42: {  	_ =	shalt  }
0x43: {  	_ =	shalt  }
0x44: {  	_ =	shalt  }
0x45: {  	_ =	shalt  }
0x46: {  	_ =	shalt  }
0x47: {  	_ =	shalt  }
0x48: {  	_ =	shalt  }
0x49: {  	_ =	shalt  }
0x4a: {  	_ =	shalt  }
0x4b: {  	_ =	shalt  }
0x4c: {  	_ =	shalt  }
0x4d: {  	_ =	shalt  }
0x4e: {  	_ =	shalt  }
0x4f: {  	_ =	shalt  }
0x50: {  	_ =	shalt  }
0x51: {  	_ =	shalt  }
0x52: {  	_ =	shalt  }
0x53: {  	_ =	shalt  }
0x54: {  	_ =	shalt  }
0x55: {  	_ =	shalt  }
0x56: {  	_ =	shalt  }
0x57: {  	_ =	shalt  }
0x58: {  	_ =	shalt  }
0x59: {  	_ =	shalt  }
0x5a: {  	_ =	shalt  }
0x5b: {  	_ =	shalt  }
0x5c: {  	_ =	shalt  }
0x5d: {  	_ =	shalt  }
0x5e: {  	_ =	shalt  }
0x5f: {  	_ =	shalt  }
0x60: {  	_ =	shalt  }
0x61: {  	_ =	shalt  }
0x62: {  	_ =	shalt  }
0x63: {  	_ =	shalt  }
0x64: {  	_ =	shalt  }
0x65: {  	_ =	shalt  }
0x66: {  	_ =	shalt  }
0x67: {  	_ =	shalt  }
0x68: {  	_ =	shalt  }
0x69: {  	_ =	shalt  }
0x6a: {  	_ =	shalt  }
0x6b: {  	_ =	shalt  }
0x6c: {  	_ =	shalt  }
0x6d: {  	_ =	shalt  }
0x6e: {  	_ =	shalt  }
0x6f: {  	_ =	shalt  }
0x70: {  	_ =	shalt  }
0x71: {  	_ =	shalt  }
0x72: {  	_ =	shalt  }
0x73: {  	_ =	shalt  }
0x74: {  	_ =	shalt  }
0x75: {  	_ =	shalt  }
0x76: {  	_ =	shalt  }
0x77: {  	_ =	shalt  }
0x78: {  	_ =	shalt  }
0x79: {  	_ =	shalt  }
0x7a: {  	_ =	shalt  }
0x7b: {  	_ =	shalt  }
0x7c: {  	_ =	shalt  }
0x7d: {  	_ =	shalt  }
0x7e: {  	_ =	shalt  }
0x7f: {  	_ =	shalt  }
0x80: {  	_ =	shalt  }
0x81: {  	_ =	shalt  }
0x82: {  	_ =	shalt  }
0x83: {  	_ =	shalt  }
0x84: {  	_ =	shalt  }
0x85: {  	_ =	shalt  }
0x86: {  	_ =	shalt  }
0x87: {  	_ =	shalt  }
.Lfunc_end0:
.L_simem_size_0:
called_computation.1_lowered:
.L_overlay_start_0:
0x88: {  	s2 =	sld [smem:$0x3FD9]  }
0x89: {  	s3 =	sld [smem:$0x3FFE];
	_ =	sdelay $0x1  }
0x8a: {  	s1 =	srdreg.scid  }
0x8b: {  	s0 =	sand.u32 $0x1, s1  }
0x8c: {  	s17 =	sshll.u32 s0, $0xA;
	s2 =	sadd.s32 s3, s2  }
0x8d: {  	s2 =	sadd.s32 s2, s17  }
0x8e: {  	[smem:$0x3FC0] =	sst s2  }
0x8f: {  	_ = 	snop  }
0x90: {  	s2 =	sld [smem:$0x3FD0];
	(tm) =	ssettm $0x1  }
0x91: {  	s18 =	sld [smem:$0x3FFB];
	_ =	sdelay $0x3  }
0x92: {  	_ =	strace s18  }
0x93: {  	s3 =	sld [smem:$0x3FFC];
	_ =	sdelay $0x3  }
0x94: {  	_ =	strace s3  }
0x95: {  	s3 =	sld [smem:$0x3FFD];
	_ =	sdelay $0x3  }
0x96: {  	_ =	strace s3  }
0x97: {  	_ =	strace $0x8FFFFFFF  }
0x98: {  	s19 =	sld [smem:$0x3FDB];
	_ =	sdelay $0x1  }
0x99: {  	s4 =	simm.s32 $_scs_section_size  }
0x9a: {  	s5 =	simm.s32 $_size__tile_overlayer_lowered;
	s6 =	simm.s32 $_tile_overlayer_lowered  }
0x9b: {  	s22 =	simm.s32 $0x1BFF;
	s21 =	sshll.u32 s6, $0x1;
	s3 =	sadd.s32 s4, s19  }
0x9c: {  	s7 =	simm.s32 $0x0;
	s20 =	sshll.u32 s5, $0x1;
	s5 =	sadd.s32 s21, s3  }
0x9d: {  	[timem:s7], [sflag:s22] =	dma.local [hbm:s5], s20  }
0x9e: {  	_ =	swait.ge [sflag:s22], s20  }
0x9f: {  	s4 =	ssub.s32 $0x0, s20;
	[sflag:s22] =	ssyncset.done $0x0  }
0xa0: {  	[sflag:s22] =	ssyncadd.s32 s4;
	_ =	sdelay $0x1  }
0xa1: {  	s23 =	simm.s32 $0x1B8B  }
0xa2: {  	_ =	swait.ge [sflag:s23], $0x1  }
0xa3: {  	[sflag:s23] =	ssyncset.done $0x0  }
0xa4: {  	s25 =	simm.s32 $0x1B8E;
	s24 =	sld [smem:$0x3FFE];
	[sflag:s23] =	ssyncadd.s32 $0xFFFFFFFF  }
0xa5: {  	s26 =	simm.s32 $execute0_lowered;
	[smem:$0x3FD2] =	sst s25  }
0xa6: {  	s5 =	sshll.u32 s26, $0x1;
	_ =	strace $0x80000049;
	[dreg:$0x1] =	wrdreg $0xFFFFFFFF  }
0xa7: {  	s28 =	simm.s32 $_size_execute0_lowered;
	s3 =	sadd.s32 s3, s5;
	[dreg:$0x0] =	wrdreg $0x0  }
0xa8: {  	s5 =	sshll.u32 s28, $0x1;
	[dreg:$0x2] =	wrdreg s3  }
0xa9: {  	[dreg:$0x3] =	wrdreg s5  }
0xaa: {  	[dreg:$0x4] =	wrdreg $0xC0  }
0xab: {  	_ =	task [dreg:s7], $0x5FFFF  }
0xac: {  	[dreg:$0x1] =	wrdreg $0xFFFFFFFF  }
0xad: {  	[dreg:$0x0] =	wrdreg $0x60  }
0xae: {  	[dreg:$0x2] =	wrdreg s24  }
0xaf: {  	[dreg:$0x3] =	wrdreg s2  }
0xb0: {  	[dreg:$0x4] =	wrdreg $0x124000  }
0xb1: {  	[dreg:$0x5] =	wrdreg $0x84000  }
0xb2: {  	[dreg:$0x6] =	wrdreg $0x9  }
0xb3: {  	_ =	task.clear_ibuf [dreg:s7], $0x7FFFF;
	_ =	strace $0x90000049  }
0xb4: {  	s29 =	simm.s32 $0x9;
	_ =	strace $0x8000004B  }
0xb5: {  	_ =	swait.ge [sflag:s29], $0x1  }
0xb6: {  	[sflag:s29] =	ssyncadd.s32 $0xFFFFFFFF  }
0xb7: {  	_ =	strace $0x9000004B  }
0xb8: {  	_ =	sfence  }
0xb9: {  	s30 =	sld [smem:$0x0];
	_ =	sdelay $0x2  }
0xba: {  	s31 =	sshll.u32 s1, $0xD;
	s1 =	sshrl.u32 s1, $0x2  }
0xbb: {  	s3 =	sand.u32 $0x4000, s31;
	s1 =	sadd.s32 s1, s30  }
0xbc: {  	s0 =	sor.u32 s3, s0;
	s1 =	sshll.u32 s1, $0x11  }
0xbd: {  	s0 =	sor.u32 s1, s0  }
0xbe: {  	s0 =	sadd.s32 $0x8F2B, s0  }
0xbf: {  	[sflag:s0] =	ssyncadd.remote.s32 $0x1  }
0xc0: {  	_ =	sfence.sel $0xFFFF  }
0xc1: {  	[dreg:$0x0] =	wrdreg $0xFFFFFFFF;
	(pc) =	sbr.abs _section_cstart, $3  }
0xc2: {  	[dreg:$0x1] =	wrdreg $0xFFFFFFFF  }
0xc3: {  	_ =	task.clear_ibuf [dreg:s7], $0x2FFFF;
	_ =	strace $0x9FFFFFFF  }
0xc4: {  	(tm) =	ssettm $0x7FFFFFFF  }
0xc5: {  	_ =	shalt  }
tec
execute0_lowered:
.L_overlay_start_1:
0x0: {  	(tag) =	ssettag $0x1  }
0x1: {  	s0 =	rddreg [dreg:$0x0]  }
0x2: {  	s1 =	rddreg [dreg:$0x1]  }
0x3: {  	s2 =	rddreg [dreg:$0x2]  }
0x4: {  	s3 =	rddreg [dreg:$0x3];
	s14 =	stileid.u32  }
0x5: {  	s6 =	srdreg.scid;
	s4 =	simm.s32 $0x0;
	s28 =	simm.s32 $0x4  }
0x6: {  	s29 =	simm.s32 $0x6;
	s30 =	simm.s32 $0x180;
	s5 =	smul.u32 $0x14000, s14  }
0x7: {  	s31 =	simm.s32 $0x1;
	s6 =	sand.u32 $0x1, s6;
	s20 =	smul.u32 $0x50, s14  }
0x8: {  	[smem:$0x7FF] =	sst s4;
	s9 =	sadd.s32 $0x1E00, s0;
	s24 =	smul.u32 $0x500, s14  }
0x9: {  	s18 =	sshll.u32 s14, $0x6;
	s8 =	smul.u32 $0x140000, s6;
	_ =	strace $0x8000004A  }
0xa: {  	[dreg:$0x5] =	wrdreg s9;
	s15 =	sshll.u32 s6, $0x4;
	s13 =	smul.u32 $0x500, s6  }
0xb: {  	s10 =	ssub.s32 $0x2, s6;
	s6 =	smul.u32 $0x5000, s6;
	s7 =	sshrl.u32 s5, $0x4  }
0xc: {  	s9 =	sor.u32 s14, s15;
	s16 =	sshrl.u32 s10, $0x1;
	s7 =	sadd.s32 s7, s0  }
0xd: {  	s8 =	sadd.s32 s5, s8;
	s11 =	smul.u32 $0x2800, s9;
	s5 =	sshrl.u32 s5, $0x1  }
0xe: {  	s17 =	smul.u32 $0x500, s9;
	s25 =	sadd.s32 s6, s1;
	s6 =	simm.s32 $0x3  }
0xf: {  	s8 =	sshrl.u32 s8, $0x4;
	s12 =	sadd.s32 s5, s2;
	s7 =	sadd.s32 $0x3200, s7  }
0x10: {  	s5 =	sadd.s32 s5, s3;
	s14 =	sadd.s32 s24, s25;
	s24 =	simm.s32 $0x300  }
0x11: {  	s25 =	simm.s32 $0x380;
	s0 =	sadd.s32 s8, s0;
	s8 =	ssub.s32 s10, s16  }
0x12: {  	[dreg:$0x6] =	wrdreg s7;
	s19 =	sshrl.u32 s11, $0x3;
	s7 =	sor.u32 $0x1C09, s18  }
0x13: {  	s10 =	sadd.s32 s17, s1;
	s11 =	sadd.s32 s20, s13;
	s26 =	sshrl.u32 s12, $0x3  }
0x14: {  	s16 =	simm.s32 $0x9;
	s15 =	sshrl.u32 s5, $0x3;
	s18 =	simm.s32 $0x4400  }
0x15: {  	s20 =	simm.s32 $0x400;
	s12 =	simm.s32 $0x0;
	s9 =	sadd.s32 s1, s19  }
0x16: {  	s21 =	sadd.s32 $0x20, s10;
	s22 =	sshll.u32 s11, $0x4;
	[dreg:$0xc] =	wrdreg s26  }
0x17: {  	s0 =	sadd.s32 $0x17200, s0;
	s8 =	smax.u32 s8, $0x1;
	[dreg:$0xd] =	wrdreg s15  }
0x18: {  	s19 =	simm.s32 $0x80;
	s26 =	simm.s32 $0x6400;
	[dreg:$0x7] =	wrdreg s9  }
0x19: {  	s10 =	simm.s32 $0x5;
	s11 =	simm.s32 $0x2;
	[dreg:$0x9] =	wrdreg s21  }
0x1a: {  	s9 =	sadd.s32 $0xA040, s9;
	[dreg:$0xa] =	wrdreg s0;
	s23 =	sadd.s32 s22, s1  }
0x1b: {  	[dreg:$0xb] =	wrdreg s8;
	s21 =	simm.s32 $0x2400;
	s22 =	simm.s32 $0x200  }
0x1c: {  	s1 =	simm.s32 $0x7;
	s0 =	simm.s32 $0x280;
	s8 =	simm.s32 $0x8  }
0x1d: {  	[dreg:$0x8] =	wrdreg s9;
	s13 =	sadd.s32 $0x60, s23;
	s23 =	simm.s32 $0x100  }
.LBB2_1:
0x1e: {  	s5 =	rddreg [dreg:$0x6]  }
0x1f: {  	s9 =	rddreg [dreg:$0xc]  }
0x20: {  	[spmem:s9], [sflag:s7] =	dma.local [hbm:s5], $0x1400  }
0x21: {  	_ =	swait.ge [sflag:s16], $0x1400  }
0x22: {  	[sflag:s16] =	ssyncset.done $0x0  }
0x23: {  	s9 =	rddreg [dreg:$0x5];
	[sflag:s16] =	ssyncadd.s32 $0xFFFFEC00  }
0x24: {  	[spmem:s15], [sflag:s7] =	dma.local [hbm:s9], $0x1400  }
0x25: {  	_ =	swait.ge [sflag:s16], $0x1400  }
0x26: {  	[sflag:s16] =	ssyncset.done $0x0  }
0x27: {  	[sflag:s16] =	ssyncadd.s32 $0xFFFFEC00  }
0x28: {  	[tilespmem:s18], [sflag:$0x9] =	stream.linear.gather [hbm4b:s9+s4], $0x4000, $0x38;
	[tilespmem:$0x1C400] =	vst v63  }
0x29: {  	_ =	swait.ge [sflag:s16], $0x4000  }
0x2a: {  	[sflag:s16] =	ssyncset.done $0x0  }
0x2b: {  	[sflag:s16] =	ssyncadd.s32 $0xFFFFC000  }
0x2c: {  	[bflag:$0x0] =	sbarrier.arrive $0xFFFF  }
0x2d: {  	s15 =	rddreg [dreg:$0x7]  }
0x2e: {  	[tilespmem:s4], [sflag:$0x9] =	stream.linear.gather [hbm4b:s15+s4], $0x100, $0x38;
	[tilespmem:$0x1C400] =	vst v63  }
0x2f: {  	_ =	swait.ge [sflag:s16], $0x100  }
0x30: {  	[sflag:s16] =	ssyncset.done $0x0  }
0x31: {  	[sflag:s16] =	ssyncadd.s32 $0xFFFFFF00  }
0x32: {  	[tilespmem:s20], [sflag:$0x1] =	stream.indirect.gather [spmem:s2], $0x40, s4, s19, $0xb8;
	[tilespmem:$0x1C400] =	vst v63  }
0x33: {  	_ = 	snop  }
0x34: {  	[tilespmem:s21], [sflag:$0x1] =	stream.indirect.gather [spmem:s2], $0x40, s19, s19, $0xb8;
	[tilespmem:$0x1C400] =	vst v63  }
0x35: {  	s17 =	rddreg [dreg:$0x8]  }
0x36: {  	[tilespmem:s22], [sflag:$0x7] =	stream.linear.gather [hbm4b:s17+s4], $0x100, $0x38;
	[tilespmem:$0x1C400] =	vst v63  }
0x37: {  	s15 =	rddreg [dreg:$0x9]  }
0x38: {  	[tilespmem:s23], [sflag:$0x6] =	stream.linear.gather [hbm4b:s15+s4], $0x100, $0x38;
	[tilespmem:$0x1C400] =	vst v63  }
0x39: {  	_ = 	snop  }
0x3a: {  	[tilespmem:s24], [sflag:$0x9] =	stream.linear.gather [hbm4b:s17+s4], $0x100, $0x38;
	[tilespmem:$0x1C400] =	vst v63  }
0x3b: {  	_ =	swait.ge [sflag:s16], $0x100  }
0x3c: {  	[sflag:s16] =	ssyncset.done $0x0  }
0x3d: {  	[sflag:s16] =	ssyncadd.s32 $0xFFFFFF00  }
0x3e: {  	[spmem:s3] =	stream.indirect.scatter.add.bf16 [tilespmem:s18], [sflag:$0x4], $0x40, s24, s19, $0xb8;
	[tilespmem:$0x1C400] =	vst v63  }
0x3f: {  	_ = 	snop  }
0x40: {  	[spmem:s3] =	stream.indirect.scatter.add.bf16 [tilespmem:s26], [sflag:$0x4], $0x40, s25, s19, $0xb8;
	[tilespmem:$0x1C400] =	vst v63  }
0x41: {  	_ =	swait.ge [sflag:s28], $0x2000  }
0x42: {  	[sflag:s28] =	ssyncset.done $0x0  }
0x43: {  	[sflag:s28] =	ssyncadd.s32 $0xFFFFE000  }
0x44: {  	_ =	swait.ge [sflag:s28], $0x2000  }
0x45: {  	s5 =	sadd.s32 $0x0, s14;
	[sflag:s28] =	ssyncset.done $0x0  }
0x46: {  	s17 =	sadd.s32 $0xA060, s5;
	[sflag:s28] =	ssyncadd.s32 $0xFFFFE000  }
0x47: {  	[tilespmem:s24], [sflag:$0x8] =	stream.linear.gather [hbm4b:s17+s4], $0x100, $0x38;
	[tilespmem:$0x1C400] =	vst v63  }
0x48: {  	_ =	swait.ge [sflag:s29], $0x100  }
0x49: {  	[sflag:s29] =	ssyncset.done $0x0  }
0x4a: {  	[sflag:s29] =	ssyncadd.s32 $0xFFFFFF00  }
0x4b: {  	[tilespmem:s18], [sflag:$0x2] =	stream.indirect.gather [spmem:s2], $0x40, s23, s19, $0xb8;
	[tilespmem:$0x1C400] =	vst v63  }
0x4c: {  	_ = 	snop  }
0x4d: {  	[tilespmem:s26], [sflag:$0x2] =	stream.indirect.gather [spmem:s2], $0x40, s30, s19, $0xb8;
	[tilespmem:$0x1C400] =	vst v63  }
0x4e: {  	_ =	swait.ge [sflag:s31], $0x2000  }
0x4f: {  	[sflag:s31] =	ssyncset.done $0x0  }
0x50: {  	[sflag:s31] =	ssyncadd.s32 $0xFFFFE000  }
0x51: {  	_ =	swait.ge [sflag:s31], $0x2000  }
0x52: {  	[sflag:s31] =	ssyncset.done $0x0  }
0x53: {  	s9 =	sadd.s32 $0x40, s5;
	[sflag:s31] =	ssyncadd.s32 $0xFFFFE000  }
0x54: {  	[tilespmem:s4], [sflag:$0x5] =	stream.linear.gather [hbm4b:s9+s4], $0x100, $0x38;
	[tilespmem:$0x1C400] =	vst v63  }
0x55: {  	_ =	swait.ge [sflag:s1], $0x100  }
0x56: {  	[sflag:s1] =	ssyncset.done $0x0  }
0x57: {  	[sflag:s1] =	ssyncadd.s32 $0xFFFFFF00  }
0x58: {  	[spmem:s3] =	stream.indirect.scatter.add.bf16 [tilespmem:s20], [sflag:$0x3], $0x40, s22, s19, $0xb8;
	[tilespmem:$0x1C400] =	vst v63  }
0x59: {  	_ = 	snop  }
0x5a: {  	[spmem:s3] =	stream.indirect.scatter.add.bf16 [tilespmem:s21], [sflag:$0x3], $0x40, s0, s19, $0xb8;
	[tilespmem:$0x1C400] =	vst v63  }
0x5b: {  	_ =	swait.ge [sflag:s6], $0x2000  }
0x5c: {  	[sflag:s6] =	ssyncset.done $0x0  }
0x5d: {  	[sflag:s6] =	ssyncadd.s32 $0xFFFFE000  }
0x5e: {  	_ =	swait.ge [sflag:s6], $0x2000  }
0x5f: {  	[sflag:s6] =	ssyncset.done $0x0  }
0x60: {  	s5 =	sadd.s32 $0xA080, s5;
	[sflag:s6] =	ssyncadd.s32 $0xFFFFE000  }
0x61: {  	[tilespmem:s22], [sflag:$0x7] =	stream.linear.gather [hbm4b:s5+s4], $0x100, $0x38;
	[tilespmem:$0x1C400] =	vst v63  }
0x62: {  	_ =	swait.ge [sflag:s10], $0x100  }
0x63: {  	[sflag:s10] =	ssyncset.done $0x0  }
0x64: {  	[sflag:s10] =	ssyncadd.s32 $0xFFFFFF00  }
0x65: {  	[tilespmem:s20], [sflag:$0x1] =	stream.indirect.gather [spmem:s2], $0x40, s4, s19, $0xb8;
	[tilespmem:$0x1C400] =	vst v63  }
0x66: {  	_ = 	snop  }
0x67: {  	[tilespmem:s21], [sflag:$0x1] =	stream.indirect.gather [spmem:s2], $0x40, s19, s19, $0xb8;
	[tilespmem:$0x1C400] =	vst v63  }
0x68: {  	_ =	swait.ge [sflag:s11], $0x2000  }
0x69: {  	[sflag:s11] =	ssyncset.done $0x0  }
0x6a: {  	[sflag:s11] =	ssyncadd.s32 $0xFFFFE000  }
0x6b: {  	_ =	swait.ge [sflag:s11], $0x2000  }
0x6c: {  	[sflag:s11] =	ssyncset.done $0x0  }
0x6d: {  	s17 =	sadd.s32 $0x0, s13;
	[sflag:s11] =	ssyncadd.s32 $0xFFFFE000  }
0x6e: {  	[tilespmem:s23], [sflag:$0x6] =	stream.linear.gather [hbm4b:s17+s4], $0x100, $0x38;
	[tilespmem:$0x1C400] =	vst v63  }
0x6f: {  	_ =	swait.ge [sflag:s8], $0x100  }
0x70: {  	[sflag:s8] =	ssyncset.done $0x0  }
0x71: {  	s15 =	simm.s32 $0x40;
	[sflag:s8] =	ssyncadd.s32 $0xFFFFFF00  }
0x72: {  	[spmem:s3] =	stream.indirect.scatter.add.bf16 [tilespmem:s18], [sflag:$0x4], $0x40, s24, s19, $0xb8;
	[tilespmem:$0x1C400] =	vst v63  }
.LBB2_2:
0x73: {  	[spmem:s3] =	stream.indirect.scatter.add.bf16 [tilespmem:s26], [sflag:$0x4], $0x40, s25, s19, $0xb8;
	[tilespmem:$0x1C400] =	vst v63  }
0x74: {  	s5 =	smov.u32 s15  }
0x75: {  	p0 =	sne.s32 s15, $0x4C0;
	s15 =	sadd.s32 $0x40, s15;
	_ =	swait.ge [sflag:s28], $0x2000  }
0x76: {  	[sflag:s28] =	ssyncset.done $0x0  }
0x77: {  	[sflag:s28] =	ssyncadd.s32 $0xFFFFE000  }
0x78: {  	_ =	swait.ge [sflag:s28], $0x2000  }
0x79: {  	s9 =	sadd.s32 s5, s14;
	[sflag:s28] =	ssyncset.done $0x0  }
0x7a: {  	s17 =	sadd.s32 $0xA060, s9;
	[sflag:s28] =	ssyncadd.s32 $0xFFFFE000  }
0x7b: {  	[tilespmem:s24], [sflag:$0x8] =	stream.linear.gather [hbm4b:s17+s4], $0x100, $0x38;
	[tilespmem:$0x1C400] =	vst v63  }
0x7c: {  	_ =	swait.ge [sflag:s29], $0x100  }
0x7d: {  	[sflag:s29] =	ssyncset.done $0x0  }
0x7e: {  	[sflag:s29] =	ssyncadd.s32 $0xFFFFFF00  }
0x7f: {  	[tilespmem:s18], [sflag:$0x2] =	stream.indirect.gather [spmem:s2], $0x40, s23, s19, $0xb8;
	[tilespmem:$0x1C400] =	vst v63  }
0x80: {  	_ = 	snop  }
0x81: {  	[tilespmem:s26], [sflag:$0x2] =	stream.indirect.gather [spmem:s2], $0x40, s30, s19, $0xb8;
	[tilespmem:$0x1C400] =	vst v63  }
0x82: {  	_ =	swait.ge [sflag:s31], $0x2000  }
0x83: {  	[sflag:s31] =	ssyncset.done $0x0  }
0x84: {  	[sflag:s31] =	ssyncadd.s32 $0xFFFFE000  }
0x85: {  	_ =	swait.ge [sflag:s31], $0x2000  }
0x86: {  	[sflag:s31] =	ssyncset.done $0x0  }
0x87: {  	s17 =	sadd.s32 $0x40, s9;
	[sflag:s31] =	ssyncadd.s32 $0xFFFFE000  }
0x88: {  	[tilespmem:s4], [sflag:$0x5] =	stream.linear.gather [hbm4b:s17+s4], $0x100, $0x38;
	[tilespmem:$0x1C400] =	vst v63  }
0x89: {  	_ =	swait.ge [sflag:s1], $0x100  }
0x8a: {  	[sflag:s1] =	ssyncset.done $0x0  }
0x8b: {  	[sflag:s1] =	ssyncadd.s32 $0xFFFFFF00  }
0x8c: {  	[spmem:s3] =	stream.indirect.scatter.add.bf16 [tilespmem:s20], [sflag:$0x3], $0x40, s22, s19, $0xb8;
	[tilespmem:$0x1C400] =	vst v63  }
0x8d: {  	_ = 	snop  }
0x8e: {  	[spmem:s3] =	stream.indirect.scatter.add.bf16 [tilespmem:s21], [sflag:$0x3], $0x40, s0, s19, $0xb8;
	[tilespmem:$0x1C400] =	vst v63  }
0x8f: {  	_ =	swait.ge [sflag:s6], $0x2000  }
0x90: {  	[sflag:s6] =	ssyncset.done $0x0  }
0x91: {  	[sflag:s6] =	ssyncadd.s32 $0xFFFFE000  }
0x92: {  	_ =	swait.ge [sflag:s6], $0x2000  }
0x93: {  	[sflag:s6] =	ssyncset.done $0x0  }
0x94: {  	s9 =	sadd.s32 $0xA080, s9;
	[sflag:s6] =	ssyncadd.s32 $0xFFFFE000  }
0x95: {  	[tilespmem:s22], [sflag:$0x7] =	stream.linear.gather [hbm4b:s9+s4], $0x100, $0x38;
	[tilespmem:$0x1C400] =	vst v63  }
0x96: {  	_ =	swait.ge [sflag:s10], $0x100  }
0x97: {  	[sflag:s10] =	ssyncset.done $0x0  }
0x98: {  	[sflag:s10] =	ssyncadd.s32 $0xFFFFFF00  }
0x99: {  	[tilespmem:s20], [sflag:$0x1] =	stream.indirect.gather [spmem:s2], $0x40, s4, s19, $0xb8;
	[tilespmem:$0x1C400] =	vst v63  }
0x9a: {  	_ = 	snop  }
0x9b: {  	[tilespmem:s21], [sflag:$0x1] =	stream.indirect.gather [spmem:s2], $0x40, s19, s19, $0xb8;
	[tilespmem:$0x1C400] =	vst v63  }
0x9c: {  	_ =	swait.ge [sflag:s11], $0x2000  }
0x9d: {  	[sflag:s11] =	ssyncset.done $0x0  }
0x9e: {  	[sflag:s11] =	ssyncadd.s32 $0xFFFFE000  }
0x9f: {  	_ =	swait.ge [sflag:s11], $0x2000  }
0xa0: {  	[sflag:s11] =	ssyncset.done $0x0  }
0xa1: {  	s5 =	sadd.s32 s5, s13;
	[sflag:s11] =	ssyncadd.s32 $0xFFFFE000  }
0xa2: {  	[tilespmem:s23], [sflag:$0x6] =	stream.linear.gather [hbm4b:s5+s4], $0x100, $0x38;
	[tilespmem:$0x1C400] =	vst v63  }
.Ltmp0:
0xa3: {  	_ = 	snop;
	(pc) =	sbr.rel @p0 .LBB2_2-.Ltmp0, $4  }
0xa4: {  	_ =	swait.ge [sflag:s8], $0x100  }
0xa5: {  	[sflag:s8] =	ssyncset.done $0x0  }
0xa6: {  	[sflag:s8] =	ssyncadd.s32 $0xFFFFFF00  }
0xa7: {  	[spmem:s3] =	stream.indirect.scatter.add.bf16 [tilespmem:s18], [sflag:$0x4], $0x40, s24, s19, $0xb8;
	[tilespmem:$0x1C400] =	vst v63  }
0xa8: {  	[spmem:s3] =	stream.indirect.scatter.add.bf16 [tilespmem:s26], [sflag:$0x4], $0x40, s25, s19, $0xb8;
	[tilespmem:$0x1C400] =	vst v63  }
0xa9: {  	_ =	swait.ge [sflag:s31], $0x2000  }
0xaa: {  	[sflag:s31] =	ssyncset.done $0x0  }
0xab: {  	[sflag:s31] =	ssyncadd.s32 $0xFFFFE000  }
0xac: {  	_ =	swait.ge [sflag:s31], $0x2000  }
0xad: {  	[sflag:s31] =	ssyncset.done $0x0  }
0xae: {  	[sflag:s31] =	ssyncadd.s32 $0xFFFFE000  }
0xaf: {  	_ =	swait.ge [sflag:s28], $0x2000  }
0xb0: {  	[sflag:s28] =	ssyncset.done $0x0  }
0xb1: {  	[sflag:s28] =	ssyncadd.s32 $0xFFFFE000  }
0xb2: {  	_ =	swait.ge [sflag:s28], $0x2000  }
0xb3: {  	[sflag:s28] =	ssyncset.done $0x0  }
0xb4: {  	[sflag:s28] =	ssyncadd.s32 $0xFFFFE000  }
0xb5: {  	_ =	swait.ge [sflag:s29], $0x100  }
0xb6: {  	[sflag:s29] =	ssyncset.done $0x0  }
0xb7: {  	[sflag:s29] =	ssyncadd.s32 $0xFFFFFF00  }
0xb8: {  	_ =	swait.ge [sflag:s1], $0x100  }
0xb9: {  	[sflag:s1] =	ssyncset.done $0x0  }
0xba: {  	[sflag:s1] =	ssyncadd.s32 $0xFFFFFF00  }
0xbb: {  	[bflag:$0x0] =	sbarrier.arrive $0xFFFF  }
0xbc: {  	s5 =	rddreg [dreg:$0xa]  }
0xbd: {  	s15 =	rddreg [dreg:$0xd]  }
0xbe: {  	[hbm:s5], [sflag:s7] =	dma.local [spmem:s15], $0x1400  }
0xbf: {  	_ =	swait.ge [sflag:s16], $0x1400  }
0xc0: {  	s12 =	sadd.s32 $0x1, s12;
	s17 =	rddreg [dreg:$0xb]  }
0xc1: {  	p0 =	sne.s32 s12, s17  }
.Ltmp1:
0xc2: {  	_ = 	snop;
	(pc) =	sbr.rel @p0 .LBB2_1-.Ltmp1, $3  }
0xc3: {  	_ =	sdelay $0x1  }
0xc4: {  	[sflag:s16] =	ssyncset.done $0x0  }
0xc5: {  	[sflag:s16] =	ssyncadd.s32 $0xFFFFEC00  }
0xc6: {  	_ =	sfence.sel $0x180000  }
0xc7: {  	[bflag:$0x0] =	sbarrier.arrive $0xFFFF  }
0xc8: {  	_ =	strace $0x9000004A  }
0xc9: {  	s0 =	stileid.u32;
	[bflag:$0x2] =	sbarrier.arrive $0xFFFF  }
0xca: {  	p0 =	sne.s32 s0, $0x0;
	s0 =	rddreg [dreg:$0x4]  }
0xcb: {  	s0 =	sadd.s32 @!p0 $0x100000, s0  }
0xcc: {  	[sflag:s0] =	ssyncadd.tile.s32 @!p0 $0x1;
	_ =	shalt  }
.Lfunc_end2:
_tile_overlayer_lowered:
.L_overlay_start_2:
0xcd: {  	(tag) =	ssettag $0x2  }
0xce: {  	s0 =	rddreg [dreg:$0x0];
	s2 =	stileid.u32  }
0xcf: {  	s1 =	rddreg [dreg:$0x1];
	p0 =	sne.s32 s2, $0x0  }
0xd0: {  	s3 =	rddreg [dreg:$0x2];
	[bflag:$0x3] =	sbarrier.arrive $0xFFFF;
	s2 =	simm.s32 @!p0 $0x1C09  }
0xd1: {  	[timem:s3], [sflag:s2] =	dma.local @!p0 [hbm:s0], s1  }
0xd2: {  	s0 =	simm.s32 @!p0 $0x9  }
0xd3: {  	_ =	swait.ge @!p0 [sflag:s0], s1  }
0xd4: {  	s1 =	ssub.s32 @!p0 $0x0, s1;
	[sflag:s0] =	ssyncset.done @!p0 $0x0  }
0xd5: {  	[sflag:s0] =	ssyncadd.s32 @!p0 s1  }
0xd6: {  	[bflag:$0x3] =	sbarrier.arrive $0xFFFF  }
0xd7: {  	_ =	shalt  }

</sc_bundles>
